<compile_context>
chip_gen: v7x
topology: tpu7x:2x2x1
jax: 0.10.2.dev20260603
libtpu: 0.0.44.dev20260713+nightly
codegen_flags: <defaults>
</compile_context>

<pallas_src>
import functools

import jax
import jax.numpy as jnp
from jax import lax
from jax.experimental import pallas as pl
from jax.experimental.pallas import tpu as pltpu
from jax.experimental.pallas import tpu_sc as plsc

N = 10000
E = 320000
K_NODE = 32
K_EDGE = 8
D_NODE = 128
D_EDGE = 16
H = 128
EPS = 1e-5

NC = 2
NS = 16
NW = NC * NS
LANES = 16

N_PAD = 10240


def _layer_norm_rows(y, gamma, beta):
    mu = jnp.mean(y, axis=-1, keepdims=True)
    var = jnp.mean((y - mu) ** 2, axis=-1, keepdims=True)
    return (y - mu) / jnp.sqrt(var + EPS) * gamma + beta




def _edge_proj_body(x_ref, w_ref, b_ref, o_ref):
    o_ref[...] = (
        jnp.dot(x_ref[...], w_ref[...], preferred_element_type=jnp.float32)
        + b_ref[...]
    )


def _edge_proj(edge_feats, W_edge, b_edge):
    BE = 2000
    return pl.pallas_call(
        _edge_proj_body,
        grid=(E // BE,),
        in_specs=[
            pl.BlockSpec((BE, D_EDGE), lambda i: (i, 0)),
            pl.BlockSpec((D_EDGE, H), lambda i: (0, 0)),
            pl.BlockSpec((H,), lambda i: (0,)),
        ],
        out_specs=pl.BlockSpec((BE, H), lambda i: (i, 0)),
        out_shape=jax.ShapeDtypeStruct((E, H), jnp.float32),
    )(edge_feats, W_edge, b_edge)


def _edge_com_body(h_ref, m_ref, w_ref, b_ref, g_ref, bt_ref, o_ref):
    x = h_ref[...] + m_ref[...]
    y = jnp.dot(x, w_ref[...], preferred_element_type=jnp.float32) + b_ref[...]
    y = jnp.maximum(y, 0.0)
    o_ref[...] = _layer_norm_rows(y, g_ref[...], bt_ref[...])


def _edge_com(h_e, m_e, W_com, b_com, gamma, beta):
    BE = 2000
    return pl.pallas_call(
        _edge_com_body,
        grid=(E // BE,),
        in_specs=[
            pl.BlockSpec((BE, H), lambda i: (i, 0)),
            pl.BlockSpec((BE, H), lambda i: (i, 0)),
            pl.BlockSpec((H, H), lambda i: (0, 0)),
            pl.BlockSpec((H,), lambda i: (0,)),
            pl.BlockSpec((H,), lambda i: (0,)),
            pl.BlockSpec((H,), lambda i: (0,)),
        ],
        out_specs=pl.BlockSpec((BE, H), lambda i: (i, 0)),
        out_shape=jax.ShapeDtypeStruct((E, H), jnp.float32),
    )(h_e, m_e, W_com, b_com, gamma, beta)


def _node_body(x_ref, m_ref, w1_ref, b1_ref, w2_ref, b2_ref, g_ref, bt_ref,
               o_ref):
    h = jnp.dot(x_ref[...], w1_ref[...], preferred_element_type=jnp.float32)
    h = h + b1_ref[...] + m_ref[...]
    y = jnp.dot(h, w2_ref[...], preferred_element_type=jnp.float32) + b2_ref[...]
    y = jnp.maximum(y, 0.0)
    o_ref[...] = _layer_norm_rows(y, g_ref[...], bt_ref[...])


def _node_stage(node_feats_pad, m_n, W_node, b_node, W_com, b_com, gamma, beta):
    BN = 1024
    return pl.pallas_call(
        _node_body,
        grid=(N_PAD // BN,),
        in_specs=[
            pl.BlockSpec((BN, D_NODE), lambda i: (i, 0)),
            pl.BlockSpec((BN, H), lambda i: (i, 0)),
            pl.BlockSpec((D_NODE, H), lambda i: (0, 0)),
            pl.BlockSpec((H,), lambda i: (0,)),
            pl.BlockSpec((H, H), lambda i: (0, 0)),
            pl.BlockSpec((H,), lambda i: (0,)),
            pl.BlockSpec((H,), lambda i: (0,)),
            pl.BlockSpec((H,), lambda i: (0,)),
        ],
        out_specs=pl.BlockSpec((BN, H), lambda i: (i, 0)),
        out_shape=jax.ShapeDtypeStruct((N_PAD, H), jnp.float32),
    )(node_feats_pad, m_n, W_node, b_node, W_com, b_com, gamma, beta)




def _sc_gather_mean(table, idx1d, n_rows, K, C):
    G = (C * K) // 128
    assert C * K == G * 128
    rows_per_w = n_rows // NW
    nchunks = rows_per_w // C
    assert rows_per_w == nchunks * C
    inv_k = 1.0 / K

    mesh = plsc.VectorSubcoreMesh(core_axis_name="c", subcore_axis_name="s")

    @functools.partial(
        pl.kernel,
        out_type=jax.ShapeDtypeStruct((n_rows, H), jnp.float32),
        mesh=mesh,
        scratch_types=[
            pltpu.VMEM((C * K,), jnp.int32),
            pltpu.VMEM((G * 128, H), jnp.float32),
            pltpu.VMEM((C, H), jnp.float32),
            pltpu.SemaphoreType.DMA,
        ],
    )
    def k(table_hbm, idx_hbm, out_hbm, idx_v, nbr_v, out_v, sem):
        wid = lax.axis_index("s") * NC + lax.axis_index("c")

        def chunk_body(i, carry):
            cid = wid * nchunks + i
            row_base = cid * C
            pltpu.sync_copy(idx_hbm.at[pl.ds(cid * (C * K), C * K)], idx_v)
            cps = [
                pltpu.async_copy(
                    table_hbm.at[idx_v.at[pl.ds(g * 128, 128)]],
                    nbr_v.at[pl.ds(g * 128, 128)],
                    sem,
                )
                for g in range(G)
            ]
            for cp in cps:
                cp.wait()

            def row_body(c, carry2):
                base = c * K
                for d in range(H // LANES):
                    sl = pl.ds(d * LANES, LANES)
                    acc = nbr_v[base, sl]
                    for kk in range(1, K):
                        acc = acc + nbr_v[base + kk, sl]
                    out_v[c, sl] = acc * inv_k
                return carry2

            lax.fori_loop(0, C, row_body, 0)
            pltpu.sync_copy(out_v, out_hbm.at[pl.ds(row_base, C)])
            return carry

        lax.fori_loop(0, nchunks, chunk_body, 0)

    return k(table, idx1d)




def kernel(node_neighbors, edge_neighbors, node_feats, edge_feats,
           W_edge, b_edge, W_edge_com, b_edge_com,
           W_node, b_node, W_node_com, b_node_com,
           ln_gamma, ln_beta):
    edge_idx = jnp.reshape(edge_neighbors.astype(jnp.int32), (E * K_EDGE,))
    node_idx = jnp.pad(node_neighbors.astype(jnp.int32), ((0, N_PAD - N), (0, 0)))
    node_idx = jnp.reshape(node_idx, (N_PAD * K_NODE,))
    node_feats_pad = jnp.pad(node_feats, ((0, N_PAD - N), (0, 0)))

    h_e = _edge_proj(edge_feats, W_edge, b_edge)
    m_e = _sc_gather_mean(h_e, edge_idx, E, K_EDGE, C=80)
    new_edge = _edge_com(h_e, m_e, W_edge_com, b_edge_com,
                         ln_gamma, ln_beta)
    m_n = _sc_gather_mean(new_edge, node_idx, N_PAD, K_NODE, C=16)
    new_node_pad = _node_stage(node_feats_pad, m_n, W_node, b_node,
                               W_node_com, b_node_com, ln_gamma, ln_beta)
    return (new_node_pad[:N], new_edge)

# --- scband reference (transcript-rebuilt; emitter-appended) ---
"""Pipeline reference for scband-cagnnlayer-9749575762774 (READ-ONLY COPY).

The authoritative reference and input builder live on the scoring server;
editing this copy changes nothing except your own understanding.
"""

import jax, jax.numpy as jnp
import numpy as np

N = 10000
E = 320000
K_NODE = 32
K_EDGE = 8
D_NODE = 128
D_EDGE = 16
H = 128


def _layer_norm(x, gamma, beta, eps=1e-5):
    mu = jnp.mean(x, axis=-1, keepdims=True)
    var = jnp.mean((x - mu) ** 2, axis=-1, keepdims=True)
    return (x - mu) / jnp.sqrt(var + eps) * gamma + beta


def setup_inputs(seed: int = 0) -> dict:
    key = jax.random.key(seed)
    ks = jax.random.split(key, 14)
    node_neighbors = jax.random.randint(ks[0], (N, K_NODE), 0, E, dtype=jnp.int64) if jax.config.jax_enable_x64 else jax.random.randint(ks[0], (N, K_NODE), 0, E).astype(jnp.int32)
    edge_neighbors = jax.random.randint(ks[1], (E, K_EDGE), 0, E).astype(node_neighbors.dtype)
    node_feats = jax.random.normal(ks[2], (N, D_NODE), dtype=jnp.float32)
    edge_feats = jax.random.normal(ks[3], (E, D_EDGE), dtype=jnp.float32)
    W_edge = jax.random.normal(ks[4], (D_EDGE, H), dtype=jnp.float32) / np.sqrt(D_EDGE)
    b_edge = jnp.zeros((H,), dtype=jnp.float32)
    W_edge_com = jax.random.normal(ks[5], (H, H), dtype=jnp.float32) / np.sqrt(H)
    b_edge_com = jnp.zeros((H,), dtype=jnp.float32)
    W_node = jax.random.normal(ks[6], (D_NODE, H), dtype=jnp.float32) / np.sqrt(D_NODE)
    b_node = jnp.zeros((H,), dtype=jnp.float32)
    W_node_com = jax.random.normal(ks[7], (H, H), dtype=jnp.float32) / np.sqrt(H)
    b_node_com = jnp.zeros((H,), dtype=jnp.float32)
    ln_gamma = jnp.ones((H,), dtype=jnp.float32)
    ln_beta = jnp.zeros((H,), dtype=jnp.float32)
    return {
        'node_neighbors': node_neighbors,
        'edge_neighbors': edge_neighbors,
        'node_feats': node_feats,
        'edge_feats': edge_feats,
        'W_edge': W_edge, 'b_edge': b_edge,
        'W_edge_com': W_edge_com, 'b_edge_com': b_edge_com,
        'W_node': W_node, 'b_node': b_node,
        'W_node_com': W_node_com, 'b_node_com': b_node_com,
        'ln_gamma': ln_gamma, 'ln_beta': ln_beta,
    }


def reference(node_neighbors, edge_neighbors, node_feats, edge_feats,
              W_edge, b_edge, W_edge_com, b_edge_com,
              W_node, b_node, W_node_com, b_node_com,
              ln_gamma, ln_beta):
    # AGGEdgeGraph: project edge feats, gather neighbor edges, mean-aggregate + self
    h_e = edge_feats @ W_edge + b_edge                      # [E, H]
    nbr_e = jnp.take(h_e, edge_neighbors, axis=0)           # [E, K_EDGE, H]
    edge_agg_feats = h_e + jnp.mean(nbr_e, axis=1)          # [E, H]
    # COMEdgeGraph: linear + relu
    new_edge_feats = jax.nn.relu(edge_agg_feats @ W_edge_com + b_edge_com)
    new_edge_feats = _layer_norm(new_edge_feats, ln_gamma, ln_beta)
    # AGGNodeGraph: project node feats, gather incident (new) edge feats, mean-aggregate
    h_n = node_feats @ W_node + b_node                      # [N, H]
    nbr_edge = jnp.take(new_edge_feats, node_neighbors, axis=0)  # [N, K_NODE, H]
    node_agg_feats = h_n + jnp.mean(nbr_edge, axis=1)       # [N, H]
    # COMNodeGraph: linear + relu
    new_node_feats = jax.nn.relu(node_agg_feats @ W_node_com + b_node_com)
    new_node_feats = _layer_norm(new_node_feats, ln_gamma, ln_beta)
    return (new_node_feats, new_edge_feats)

if __name__ == "__main__":
    import jax
    _d = setup_inputs()
    print(jax.jit(kernel)(*tuple(_d.values())))

</pallas_src>

<mosaic_0001>
#map = affine_map<(d0, d1) -> (0, 0)>
#map1 = affine_map<(d0, d1) -> (0)>
module attributes {stable_mosaic.version = 14 : i64} {
  func.func @k(%arg0: i32, %arg1: i32, %arg2: memref<320000x128xf32, #tpu.memory_space<hbm>>, %arg3: memref<327680xi32, #tpu.memory_space<hbm>>, %arg4: memref<10240x128xf32, #tpu.memory_space<hbm>>, %arg5: memref<512xi32, #tpu.memory_space<vmem>>, %arg6: memref<512x128xf32, #tpu.memory_space<vmem>>, %arg7: memref<16x128xf32, #tpu.memory_space<vmem>>, %arg8: memref<!tpu.dma_semaphore, #tpu.memory_space<semaphore_mem>>) attributes {dimension_semantics = [#tpu.dimension_semantics<core_parallel>, #tpu.dimension_semantics<subcore_parallel>], iteration_bounds = array<i64: 2, 16>, scalar_prefetch = 0 : i64, scratch_operands = 4 : i64, tpu.core_type = #tpu.core_type<sc_vector_subcore>, window_params = [{transform_indices = #map}, {transform_indices = #map1}, {transform_indices = #map}]} {
    %mul3A = arith.constant 2 : i32
    %mul3A_0 = arith.muli %arg1, %mul3A : i32
    %add3A = arith.addi %mul3A_0, %arg0 : i32
    %scan3A = arith.constant 0 : i32
    %scan3A_1 = arith.constant 0 : i32
    %scan3A_2 = arith.constant 20 : i32
    %scan3A_3 = arith.addi %scan3A_1, %scan3A_2 : i32
    %scan3A_4 = arith.constant 1 : i32
    scf.for %scan3A_6 = %scan3A_1 to %scan3A_3 step %scan3A_4  : i32 {
      %mul3A_7 = arith.constant 20 : i32
      %mul3A_8 = arith.muli %add3A, %mul3A_7 : i32
      %add3A_9 = arith.addi %mul3A_8, %scan3A_6 : i32
      %mul3A_10 = arith.constant 16 : i32
      %mul3A_11 = arith.muli %add3A_9, %mul3A_10 : i32
      %mul3A_12 = arith.constant 512 : i32
      %mul3A_13 = arith.muli %add3A_9, %mul3A_12 : i32
      "tpu.region"() ({
        %run_scoped3A = tpu.sem_alloc : memref<!tpu.dma_semaphore, #tpu.memory_space<semaphore_mem>>
        %dma_start3A_82 = tpu.memref_slice %arg3[%mul3A_13] : memref<327680xi32, #tpu.memory_space<hbm>> -> memref<512xi32, #tpu.memory_space<hbm>>
        %dma_start3A_83 = tpu.memref_slice %arg3[%mul3A_13] : memref<327680xi32, #tpu.memory_space<hbm>> -> memref<512xi32, #tpu.memory_space<hbm>>
        tpu.enqueue_dma source(%dma_start3A_83 : memref<512xi32, #tpu.memory_space<hbm>>) target(%arg5 : memref<512xi32, #tpu.memory_space<vmem>>) target_semaphore(%run_scoped3A : memref<!tpu.dma_semaphore, #tpu.memory_space<semaphore_mem>>)
        %dma_wait3A_84 = tpu.memref_slice %arg3[%mul3A_13] : memref<327680xi32, #tpu.memory_space<hbm>> -> memref<512xi32, #tpu.memory_space<hbm>>
        %dma_wait3A_85 = tpu.memref_slice %arg3[%mul3A_13] : memref<327680xi32, #tpu.memory_space<hbm>> -> memref<512xi32, #tpu.memory_space<hbm>>
        tpu.wait_dma2 semaphore(%run_scoped3A : memref<!tpu.dma_semaphore, #tpu.memory_space<semaphore_mem>>) src(%dma_wait3A_85 : memref<512xi32, #tpu.memory_space<hbm>>) dst(%arg5 : memref<512xi32, #tpu.memory_space<vmem>>)
        tpu.yield
      }) : () -> ()
      %dma_start3A = arith.constant 0 : i32
      %dma_start3A_14 = arith.constant 0 : i32
      %dma_start3A_15 = tpu.memref_slice %arg6[%dma_start3A, %dma_start3A_14] : memref<512x128xf32, #tpu.memory_space<vmem>> -> memref<128x128xf32, #tpu.memory_space<vmem>>
      %dma_start3A_16 = arith.constant 0 : i32
      %dma_start3A_17 = tpu.memref_slice %arg5[%dma_start3A_16] : memref<512xi32, #tpu.memory_space<vmem>> -> memref<128xi32, #tpu.memory_space<vmem>>
      %dma_start3A_18 = arith.constant 0 : i32
      %dma_start3A_19 = arith.constant 0 : i32
      %dma_start3A_20 = tpu.memref_slice %arg2[%dma_start3A_18, %dma_start3A_19] : memref<320000x128xf32, #tpu.memory_space<hbm>> -> memref<320000x128xf32, #tpu.memory_space<hbm>>
      tpu.enqueue_indirect_dma source(%dma_start3A_20 : memref<320000x128xf32, #tpu.memory_space<hbm>>) target(%dma_start3A_15 : memref<128x128xf32, #tpu.memory_space<vmem>>) offsets(%dma_start3A_17 : memref<128xi32, #tpu.memory_space<vmem>>) semaphore(%arg8 : memref<!tpu.dma_semaphore, #tpu.memory_space<semaphore_mem>>)
      %dma_start3A_21 = arith.constant 128 : i32
      %dma_start3A_22 = arith.constant 0 : i32
      %dma_start3A_23 = tpu.memref_slice %arg6[%dma_start3A_21, %dma_start3A_22] : memref<512x128xf32, #tpu.memory_space<vmem>> -> memref<128x128xf32, #tpu.memory_space<vmem>>
      %dma_start3A_24 = arith.constant 128 : i32
      %dma_start3A_25 = tpu.memref_slice %arg5[%dma_start3A_24] : memref<512xi32, #tpu.memory_space<vmem>> -> memref<128xi32, #tpu.memory_space<vmem>>
      %dma_start3A_26 = arith.constant 0 : i32
      %dma_start3A_27 = arith.constant 0 : i32
      %dma_start3A_28 = tpu.memref_slice %arg2[%dma_start3A_26, %dma_start3A_27] : memref<320000x128xf32, #tpu.memory_space<hbm>> -> memref<320000x128xf32, #tpu.memory_space<hbm>>
      tpu.enqueue_indirect_dma source(%dma_start3A_28 : memref<320000x128xf32, #tpu.memory_space<hbm>>) target(%dma_start3A_23 : memref<128x128xf32, #tpu.memory_space<vmem>>) offsets(%dma_start3A_25 : memref<128xi32, #tpu.memory_space<vmem>>) semaphore(%arg8 : memref<!tpu.dma_semaphore, #tpu.memory_space<semaphore_mem>>)
      %dma_start3A_29 = arith.constant 256 : i32
      %dma_start3A_30 = arith.constant 0 : i32
      %dma_start3A_31 = tpu.memref_slice %arg6[%dma_start3A_29, %dma_start3A_30] : memref<512x128xf32, #tpu.memory_space<vmem>> -> memref<128x128xf32, #tpu.memory_space<vmem>>
      %dma_start3A_32 = arith.constant 256 : i32
      %dma_start3A_33 = tpu.memref_slice %arg5[%dma_start3A_32] : memref<512xi32, #tpu.memory_space<vmem>> -> memref<128xi32, #tpu.memory_space<vmem>>
      %dma_start3A_34 = arith.constant 0 : i32
      %dma_start3A_35 = arith.constant 0 : i32
      %dma_start3A_36 = tpu.memref_slice %arg2[%dma_start3A_34, %dma_start3A_35] : memref<320000x128xf32, #tpu.memory_space<hbm>> -> memref<320000x128xf32, #tpu.memory_space<hbm>>
      tpu.enqueue_indirect_dma source(%dma_start3A_36 : memref<320000x128xf32, #tpu.memory_space<hbm>>) target(%dma_start3A_31 : memref<128x128xf32, #tpu.memory_space<vmem>>) offsets(%dma_start3A_33 : memref<128xi32, #tpu.memory_space<vmem>>) semaphore(%arg8 : memref<!tpu.dma_semaphore, #tpu.memory_space<semaphore_mem>>)
      %dma_start3A_37 = arith.constant 384 : i32
      %dma_start3A_38 = arith.constant 0 : i32
      %dma_start3A_39 = tpu.memref_slice %arg6[%dma_start3A_37, %dma_start3A_38] : memref<512x128xf32, #tpu.memory_space<vmem>> -> memref<128x128xf32, #tpu.memory_space<vmem>>
      %dma_start3A_40 = arith.constant 384 : i32
      %dma_start3A_41 = tpu.memref_slice %arg5[%dma_start3A_40] : memref<512xi32, #tpu.memory_space<vmem>> -> memref<128xi32, #tpu.memory_space<vmem>>
      %dma_start3A_42 = arith.constant 0 : i32
      %dma_start3A_43 = arith.constant 0 : i32
      %dma_start3A_44 = tpu.memref_slice %arg2[%dma_start3A_42, %dma_start3A_43] : memref<320000x128xf32, #tpu.memory_space<hbm>> -> memref<320000x128xf32, #tpu.memory_space<hbm>>
      tpu.enqueue_indirect_dma source(%dma_start3A_44 : memref<320000x128xf32, #tpu.memory_space<hbm>>) target(%dma_start3A_39 : memref<128x128xf32, #tpu.memory_space<vmem>>) offsets(%dma_start3A_41 : memref<128xi32, #tpu.memory_space<vmem>>) semaphore(%arg8 : memref<!tpu.dma_semaphore, #tpu.memory_space<semaphore_mem>>)
      %dma_wait3A = arith.constant 0 : i32
      %dma_wait3A_45 = arith.constant 0 : i32
      %dma_wait3A_46 = tpu.memref_slice %arg6[%dma_wait3A, %dma_wait3A_45] : memref<512x128xf32, #tpu.memory_space<vmem>> -> memref<128x128xf32, #tpu.memory_space<vmem>>
      %dma_wait3A_47 = arith.constant 0 : i32
      %dma_wait3A_48 = tpu.memref_slice %arg5[%dma_wait3A_47] : memref<512xi32, #tpu.memory_space<vmem>> -> memref<128xi32, #tpu.memory_space<vmem>>
      %dma_wait3A_49 = arith.constant 0 : i32
      %dma_wait3A_50 = arith.constant 0 : i32
      %dma_wait3A_51 = tpu.memref_slice %arg2[%dma_wait3A_49, %dma_wait3A_50] : memref<320000x128xf32, #tpu.memory_space<hbm>> -> memref<320000x128xf32, #tpu.memory_space<hbm>>
      tpu.wait_indirect_dma semaphore(%arg8 : memref<!tpu.dma_semaphore, #tpu.memory_space<semaphore_mem>>) src(%dma_wait3A_51 : memref<320000x128xf32, #tpu.memory_space<hbm>>) dst(%dma_wait3A_46 : memref<128x128xf32, #tpu.memory_space<vmem>>)
      %dma_wait3A_52 = arith.constant 128 : i32
      %dma_wait3A_53 = arith.constant 0 : i32
      %dma_wait3A_54 = tpu.memref_slice %arg6[%dma_wait3A_52, %dma_wait3A_53] : memref<512x128xf32, #tpu.memory_space<vmem>> -> memref<128x128xf32, #tpu.memory_space<vmem>>
      %dma_wait3A_55 = arith.constant 128 : i32
      %dma_wait3A_56 = tpu.memref_slice %arg5[%dma_wait3A_55] : memref<512xi32, #tpu.memory_space<vmem>> -> memref<128xi32, #tpu.memory_space<vmem>>
      %dma_wait3A_57 = arith.constant 0 : i32
      %dma_wait3A_58 = arith.constant 0 : i32
      %dma_wait3A_59 = tpu.memref_slice %arg2[%dma_wait3A_57, %dma_wait3A_58] : memref<320000x128xf32, #tpu.memory_space<hbm>> -> memref<320000x128xf32, #tpu.memory_space<hbm>>
      tpu.wait_indirect_dma semaphore(%arg8 : memref<!tpu.dma_semaphore, #tpu.memory_space<semaphore_mem>>) src(%dma_wait3A_59 : memref<320000x128xf32, #tpu.memory_space<hbm>>) dst(%dma_wait3A_54 : memref<128x128xf32, #tpu.memory_space<vmem>>)
      %dma_wait3A_60 = arith.constant 256 : i32
      %dma_wait3A_61 = arith.constant 0 : i32
      %dma_wait3A_62 = tpu.memref_slice %arg6[%dma_wait3A_60, %dma_wait3A_61] : memref<512x128xf32, #tpu.memory_space<vmem>> -> memref<128x128xf32, #tpu.memory_space<vmem>>
      %dma_wait3A_63 = arith.constant 256 : i32
      %dma_wait3A_64 = tpu.memref_slice %arg5[%dma_wait3A_63] : memref<512xi32, #tpu.memory_space<vmem>> -> memref<128xi32, #tpu.memory_space<vmem>>
      %dma_wait3A_65 = arith.constant 0 : i32
      %dma_wait3A_66 = arith.constant 0 : i32
      %dma_wait3A_67 = tpu.memref_slice %arg2[%dma_wait3A_65, %dma_wait3A_66] : memref<320000x128xf32, #tpu.memory_space<hbm>> -> memref<320000x128xf32, #tpu.memory_space<hbm>>
      tpu.wait_indirect_dma semaphore(%arg8 : memref<!tpu.dma_semaphore, #tpu.memory_space<semaphore_mem>>) src(%dma_wait3A_67 : memref<320000x128xf32, #tpu.memory_space<hbm>>) dst(%dma_wait3A_62 : memref<128x128xf32, #tpu.memory_space<vmem>>)
      %dma_wait3A_68 = arith.constant 384 : i32
      %dma_wait3A_69 = arith.constant 0 : i32
      %dma_wait3A_70 = tpu.memref_slice %arg6[%dma_wait3A_68, %dma_wait3A_69] : memref<512x128xf32, #tpu.memory_space<vmem>> -> memref<128x128xf32, #tpu.memory_space<vmem>>
      %dma_wait3A_71 = arith.constant 384 : i32
      %dma_wait3A_72 = tpu.memref_slice %arg5[%dma_wait3A_71] : memref<512xi32, #tpu.memory_space<vmem>> -> memref<128xi32, #tpu.memory_space<vmem>>
      %dma_wait3A_73 = arith.constant 0 : i32
      %dma_wait3A_74 = arith.constant 0 : i32
      %dma_wait3A_75 = tpu.memref_slice %arg2[%dma_wait3A_73, %dma_wait3A_74] : memref<320000x128xf32, #tpu.memory_space<hbm>> -> memref<320000x128xf32, #tpu.memory_space<hbm>>
      tpu.wait_indirect_dma semaphore(%arg8 : memref<!tpu.dma_semaphore, #tpu.memory_space<semaphore_mem>>) src(%dma_wait3A_75 : memref<320000x128xf32, #tpu.memory_space<hbm>>) dst(%dma_wait3A_70 : memref<128x128xf32, #tpu.memory_space<vmem>>)
      %scan3A_76 = arith.constant 0 : i32
      %scan3A_77 = arith.constant 0 : i32
      %scan3A_78 = arith.constant 16 : i32
      %scan3A_79 = arith.addi %scan3A_77, %scan3A_78 : i32
      %scan3A_80 = arith.constant 1 : i32
      scf.for %scan3A_82 = %scan3A_77 to %scan3A_79 step %scan3A_80  : i32 {
        %mul3A_83 = arith.constant 32 : i32
        %mul3A_84 = arith.muli %scan3A_82, %mul3A_83 : i32
        %get3A = arith.index_cast %mul3A_84 : i32 to index
        %get3A_85 = arith.constant 0 : index
        %get3A_86 = tpu.vector_load %arg6[%get3A, %get3A_85] {strides = array<i32>} : memref<512x128xf32, #tpu.memory_space<vmem>>, vector<1x16xf32>,
        %get3A_87 = vector.shape_cast %get3A_86 : vector<1x16xf32> to vector<16xf32>
        %add3A_88 = arith.constant 1 : i32
        %add3A_89 = arith.addi %mul3A_84, %add3A_88 : i32
        %get3A_90 = arith.index_cast %add3A_89 : i32 to index
        %get3A_91 = arith.constant 0 : index
        %get3A_92 = tpu.vector_load %arg6[%get3A_90, %get3A_91] {strides = array<i32>} : memref<512x128xf32, #tpu.memory_space<vmem>>, vector<1x16xf32>,
        %get3A_93 = vector.shape_cast %get3A_92 : vector<1x16xf32> to vector<16xf32>
        %add3A_94 = arith.addf %get3A_87, %get3A_93 : vector<16xf32>
        %add3A_95 = arith.constant 2 : i32
        %add3A_96 = arith.addi %mul3A_84, %add3A_95 : i32
        %get3A_97 = arith.index_cast %add3A_96 : i32 to index
        %get3A_98 = arith.constant 0 : index
        %get3A_99 = tpu.vector_load %arg6[%get3A_97, %get3A_98] {strides = array<i32>} : memref<512x128xf32, #tpu.memory_space<vmem>>, vector<1x16xf32>,
        %get3A_100 = vector.shape_cast %get3A_99 : vector<1x16xf32> to vector<16xf32>
        %add3A_101 = arith.addf %add3A_94, %get3A_100 : vector<16xf32>
        %add3A_102 = arith.constant 3 : i32
        %add3A_103 = arith.addi %mul3A_84, %add3A_102 : i32
        %get3A_104 = arith.index_cast %add3A_103 : i32 to index
        %get3A_105 = arith.constant 0 : index
        %get3A_106 = tpu.vector_load %arg6[%get3A_104, %get3A_105] {strides = array<i32>} : memref<512x128xf32, #tpu.memory_space<vmem>>, vector<1x16xf32>,
        %get3A_107 = vector.shape_cast %get3A_106 : vector<1x16xf32> to vector<16xf32>
        %add3A_108 = arith.addf %add3A_101, %get3A_107 : vector<16xf32>
        %add3A_109 = arith.constant 4 : i32
        %add3A_110 = arith.addi %mul3A_84, %add3A_109 : i32
        %get3A_111 = arith.index_cast %add3A_110 : i32 to index
        %get3A_112 = arith.constant 0 : index
        %get3A_113 = tpu.vector_load %arg6[%get3A_111, %get3A_112] {strides = array<i32>} : memref<512x128xf32, #tpu.memory_space<vmem>>, vector<1x16xf32>,
        %get3A_114 = vector.shape_cast %get3A_113 : vector<1x16xf32> to vector<16xf32>
        %add3A_115 = arith.addf %add3A_108, %get3A_114 : vector<16xf32>
        %add3A_116 = arith.constant 5 : i32
        %add3A_117 = arith.addi %mul3A_84, %add3A_116 : i32
        %get3A_118 = arith.index_cast %add3A_117 : i32 to index
        %get3A_119 = arith.constant 0 : index
        %get3A_120 = tpu.vector_load %arg6[%get3A_118, %get3A_119] {strides = array<i32>} : memref<512x128xf32, #tpu.memory_space<vmem>>, vector<1x16xf32>,
        %get3A_121 = vector.shape_cast %get3A_120 : vector<1x16xf32> to vector<16xf32>
        %add3A_122 = arith.addf %add3A_115, %get3A_121 : vector<16xf32>
        %add3A_123 = arith.constant 6 : i32
        %add3A_124 = arith.addi %mul3A_84, %add3A_123 : i32
        %get3A_125 = arith.index_cast %add3A_124 : i32 to index
        %get3A_126 = arith.constant 0 : index
        %get3A_127 = tpu.vector_load %arg6[%get3A_125, %get3A_126] {strides = array<i32>} : memref<512x128xf32, #tpu.memory_space<vmem>>, vector<1x16xf32>,
        %get3A_128 = vector.shape_cast %get3A_127 : vector<1x16xf32> to vector<16xf32>
        %add3A_129 = arith.addf %add3A_122, %get3A_128 : vector<16xf32>
        %add3A_130 = arith.constant 7 : i32
        %add3A_131 = arith.addi %mul3A_84, %add3A_130 : i32
        %get3A_132 = arith.index_cast %add3A_131 : i32 to index
        %get3A_133 = arith.constant 0 : index
        %get3A_134 = tpu.vector_load %arg6[%get3A_132, %get3A_133] {strides = array<i32>} : memref<512x128xf32, #tpu.memory_space<vmem>>, vector<1x16xf32>,
        %get3A_135 = vector.shape_cast %get3A_134 : vector<1x16xf32> to vector<16xf32>
        %add3A_136 = arith.addf %add3A_129, %get3A_135 : vector<16xf32>
        %add3A_137 = arith.constant 8 : i32
        %add3A_138 = arith.addi %mul3A_84, %add3A_137 : i32
        %get3A_139 = arith.index_cast %add3A_138 : i32 to index
        %get3A_140 = arith.constant 0 : index
        %get3A_141 = tpu.vector_load %arg6[%get3A_139, %get3A_140] {strides = array<i32>} : memref<512x128xf32, #tpu.memory_space<vmem>>, vector<1x16xf32>,
        %get3A_142 = vector.shape_cast %get3A_141 : vector<1x16xf32> to vector<16xf32>
        %add3A_143 = arith.addf %add3A_136, %get3A_142 : vector<16xf32>
        %add3A_144 = arith.constant 9 : i32
        %add3A_145 = arith.addi %mul3A_84, %add3A_144 : i32
        %get3A_146 = arith.index_cast %add3A_145 : i32 to index
        %get3A_147 = arith.constant 0 : index
        %get3A_148 = tpu.vector_load %arg6[%get3A_146, %get3A_147] {strides = array<i32>} : memref<512x128xf32, #tpu.memory_space<vmem>>, vector<1x16xf32>,
        %get3A_149 = vector.shape_cast %get3A_148 : vector<1x16xf32> to vector<16xf32>
        %add3A_150 = arith.addf %add3A_143, %get3A_149 : vector<16xf32>
        %add3A_151 = arith.constant 10 : i32
        %add3A_152 = arith.addi %mul3A_84, %add3A_151 : i32
        %get3A_153 = arith.index_cast %add3A_152 : i32 to index
        %get3A_154 = arith.constant 0 : index
        %get3A_155 = tpu.vector_load %arg6[%get3A_153, %get3A_154] {strides = array<i32>} : memref<512x128xf32, #tpu.memory_space<vmem>>, vector<1x16xf32>,
        %get3A_156 = vector.shape_cast %get3A_155 : vector<1x16xf32> to vector<16xf32>
        %add3A_157 = arith.addf %add3A_150, %get3A_156 : vector<16xf32>
        %add3A_158 = arith.constant 11 : i32
        %add3A_159 = arith.addi %mul3A_84, %add3A_158 : i32
        %get3A_160 = arith.index_cast %add3A_159 : i32 to index
        %get3A_161 = arith.constant 0 : index
        %get3A_162 = tpu.vector_load %arg6[%get3A_160, %get3A_161] {strides = array<i32>} : memref<512x128xf32, #tpu.memory_space<vmem>>, vector<1x16xf32>,
        %get3A_163 = vector.shape_cast %get3A_162 : vector<1x16xf32> to vector<16xf32>
        %add3A_164 = arith.addf %add3A_157, %get3A_163 : vector<16xf32>
        %add3A_165 = arith.constant 12 : i32
        %add3A_166 = arith.addi %mul3A_84, %add3A_165 : i32
        %get3A_167 = arith.index_cast %add3A_166 : i32 to index
        %get3A_168 = arith.constant 0 : index
        %get3A_169 = tpu.vector_load %arg6[%get3A_167, %get3A_168] {strides = array<i32>} : memref<512x128xf32, #tpu.memory_space<vmem>>, vector<1x16xf32>,
        %get3A_170 = vector.shape_cast %get3A_169 : vector<1x16xf32> to vector<16xf32>
        %add3A_171 = arith.addf %add3A_164, %get3A_170 : vector<16xf32>
        %add3A_172 = arith.constant 13 : i32
        %add3A_173 = arith.addi %mul3A_84, %add3A_172 : i32
        %get3A_174 = arith.index_cast %add3A_173 : i32 to index
        %get3A_175 = arith.constant 0 : index
        %get3A_176 = tpu.vector_load %arg6[%get3A_174, %get3A_175] {strides = array<i32>} : memref<512x128xf32, #tpu.memory_space<vmem>>, vector<1x16xf32>,
        %get3A_177 = vector.shape_cast %get3A_176 : vector<1x16xf32> to vector<16xf32>
        %add3A_178 = arith.addf %add3A_171, %get3A_177 : vector<16xf32>
        %add3A_179 = arith.constant 14 : i32
        %add3A_180 = arith.addi %mul3A_84, %add3A_179 : i32
        %get3A_181 = arith.index_cast %add3A_180 : i32 to index
        %get3A_182 = arith.constant 0 : index
        %get3A_183 = tpu.vector_load %arg6[%get3A_181, %get3A_182] {strides = array<i32>} : memref<512x128xf32, #tpu.memory_space<vmem>>, vector<1x16xf32>,
        %get3A_184 = vector.shape_cast %get3A_183 : vector<1x16xf32> to vector<16xf32>
        %add3A_185 = arith.addf %add3A_178, %get3A_184 : vector<16xf32>
        %add3A_186 = arith.constant 15 : i32
        %add3A_187 = arith.addi %mul3A_84, %add3A_186 : i32
        %get3A_188 = arith.index_cast %add3A_187 : i32 to index
        %get3A_189 = arith.constant 0 : index
        %get3A_190 = tpu.vector_load %arg6[%get3A_188, %get3A_189] {strides = array<i32>} : memref<512x128xf32, #tpu.memory_space<vmem>>, vector<1x16xf32>,
        %get3A_191 = vector.shape_cast %get3A_190 : vector<1x16xf32> to vector<16xf32>
        %add3A_192 = arith.addf %add3A_185, %get3A_191 : vector<16xf32>
        %add3A_193 = arith.constant 16 : i32
        %add3A_194 = arith.addi %mul3A_84, %add3A_193 : i32
        %get3A_195 = arith.index_cast %add3A_194 : i32 to index
        %get3A_196 = arith.constant 0 : index
        %get3A_197 = tpu.vector_load %arg6[%get3A_195, %get3A_196] {strides = array<i32>} : memref<512x128xf32, #tpu.memory_space<vmem>>, vector<1x16xf32>,
        %get3A_198 = vector.shape_cast %get3A_197 : vector<1x16xf32> to vector<16xf32>
        %add3A_199 = arith.addf %add3A_192, %get3A_198 : vector<16xf32>
        %add3A_200 = arith.constant 17 : i32
        %add3A_201 = arith.addi %mul3A_84, %add3A_200 : i32
        %get3A_202 = arith.index_cast %add3A_201 : i32 to index
        %get3A_203 = arith.constant 0 : index
        %get3A_204 = tpu.vector_load %arg6[%get3A_202, %get3A_203] {strides = array<i32>} : memref<512x128xf32, #tpu.memory_space<vmem>>, vector<1x16xf32>,
        %get3A_205 = vector.shape_cast %get3A_204 : vector<1x16xf32> to vector<16xf32>
        %add3A_206 = arith.addf %add3A_199, %get3A_205 : vector<16xf32>
        %add3A_207 = arith.constant 18 : i32
        %add3A_208 = arith.addi %mul3A_84, %add3A_207 : i32
        %get3A_209 = arith.index_cast %add3A_208 : i32 to index
        %get3A_210 = arith.constant 0 : index
        %get3A_211 = tpu.vector_load %arg6[%get3A_209, %get3A_210] {strides = array<i32>} : memref<512x128xf32, #tpu.memory_space<vmem>>, vector<1x16xf32>,
        %get3A_212 = vector.shape_cast %get3A_211 : vector<1x16xf32> to vector<16xf32>
        %add3A_213 = arith.addf %add3A_206, %get3A_212 : vector<16xf32>
        %add3A_214 = arith.constant 19 : i32
        %add3A_215 = arith.addi %mul3A_84, %add3A_214 : i32
        %get3A_216 = arith.index_cast %add3A_215 : i32 to index
        %get3A_217 = arith.constant 0 : index
        %get3A_218 = tpu.vector_load %arg6[%get3A_216, %get3A_217] {strides = array<i32>} : memref<512x128xf32, #tpu.memory_space<vmem>>, vector<1x16xf32>,
        %get3A_219 = vector.shape_cast %get3A_218 : vector<1x16xf32> to vector<16xf32>
        %add3A_220 = arith.addf %add3A_213, %get3A_219 : vector<16xf32>
        %add3A_221 = arith.constant 20 : i32
        %add3A_222 = arith.addi %mul3A_84, %add3A_221 : i32
        %get3A_223 = arith.index_cast %add3A_222 : i32 to index
        %get3A_224 = arith.constant 0 : index
        %get3A_225 = tpu.vector_load %arg6[%get3A_223, %get3A_224] {strides = array<i32>} : memref<512x128xf32, #tpu.memory_space<vmem>>, vector<1x16xf32>,
        %get3A_226 = vector.shape_cast %get3A_225 : vector<1x16xf32> to vector<16xf32>
        %add3A_227 = arith.addf %add3A_220, %get3A_226 : vector<16xf32>
        %add3A_228 = arith.constant 21 : i32
        %add3A_229 = arith.addi %mul3A_84, %add3A_228 : i32
        %get3A_230 = arith.index_cast %add3A_229 : i32 to index
        %get3A_231 = arith.constant 0 : index
        %get3A_232 = tpu.vector_load %arg6[%get3A_230, %get3A_231] {strides = array<i32>} : memref<512x128xf32, #tpu.memory_space<vmem>>, vector<1x16xf32>,
        %get3A_233 = vector.shape_cast %get3A_232 : vector<1x16xf32> to vector<16xf32>
        %add3A_234 = arith.addf %add3A_227, %get3A_233 : vector<16xf32>
        %add3A_235 = arith.constant 22 : i32
        %add3A_236 = arith.addi %mul3A_84, %add3A_235 : i32
        %get3A_237 = arith.index_cast %add3A_236 : i32 to index
        %get3A_238 = arith.constant 0 : index
        %get3A_239 = tpu.vector_load %arg6[%get3A_237, %get3A_238] {strides = array<i32>} : memref<512x128xf32, #tpu.memory_space<vmem>>, vector<1x16xf32>,
        %get3A_240 = vector.shape_cast %get3A_239 : vector<1x16xf32> to vector<16xf32>
        %add3A_241 = arith.addf %add3A_234, %get3A_240 : vector<16xf32>
        %add3A_242 = arith.constant 23 : i32
        %add3A_243 = arith.addi %mul3A_84, %add3A_242 : i32
        %get3A_244 = arith.index_cast %add3A_243 : i32 to index
        %get3A_245 = arith.constant 0 : index
        %get3A_246 = tpu.vector_load %arg6[%get3A_244, %get3A_245] {strides = array<i32>} : memref<512x128xf32, #tpu.memory_space<vmem>>, vector<1x16xf32>,
        %get3A_247 = vector.shape_cast %get3A_246 : vector<1x16xf32> to vector<16xf32>
        %add3A_248 = arith.addf %add3A_241, %get3A_247 : vector<16xf32>
        %add3A_249 = arith.constant 24 : i32
        %add3A_250 = arith.addi %mul3A_84, %add3A_249 : i32
        %get3A_251 = arith.index_cast %add3A_250 : i32 to index
        %get3A_252 = arith.constant 0 : index
        %get3A_253 = tpu.vector_load %arg6[%get3A_251, %get3A_252] {strides = array<i32>} : memref<512x128xf32, #tpu.memory_space<vmem>>, vector<1x16xf32>,
        %get3A_254 = vector.shape_cast %get3A_253 : vector<1x16xf32> to vector<16xf32>
        %add3A_255 = arith.addf %add3A_248, %get3A_254 : vector<16xf32>
        %add3A_256 = arith.constant 25 : i32
        %add3A_257 = arith.addi %mul3A_84, %add3A_256 : i32
        %get3A_258 = arith.index_cast %add3A_257 : i32 to index
        %get3A_259 = arith.constant 0 : index
        %get3A_260 = tpu.vector_load %arg6[%get3A_258, %get3A_259] {strides = array<i32>} : memref<512x128xf32, #tpu.memory_space<vmem>>, vector<1x16xf32>,
        %get3A_261 = vector.shape_cast %get3A_260 : vector<1x16xf32> to vector<16xf32>
        %add3A_262 = arith.addf %add3A_255, %get3A_261 : vector<16xf32>
        %add3A_263 = arith.constant 26 : i32
        %add3A_264 = arith.addi %mul3A_84, %add3A_263 : i32
        %get3A_265 = arith.index_cast %add3A_264 : i32 to index
        %get3A_266 = arith.constant 0 : index
        %get3A_267 = tpu.vector_load %arg6[%get3A_265, %get3A_266] {strides = array<i32>} : memref<512x128xf32, #tpu.memory_space<vmem>>, vector<1x16xf32>,
        %get3A_268 = vector.shape_cast %get3A_267 : vector<1x16xf32> to vector<16xf32>
        %add3A_269 = arith.addf %add3A_262, %get3A_268 : vector<16xf32>
        %add3A_270 = arith.constant 27 : i32
        %add3A_271 = arith.addi %mul3A_84, %add3A_270 : i32
        %get3A_272 = arith.index_cast %add3A_271 : i32 to index
        %get3A_273 = arith.constant 0 : index
        %get3A_274 = tpu.vector_load %arg6[%get3A_272, %get3A_273] {strides = array<i32>} : memref<512x128xf32, #tpu.memory_space<vmem>>, vector<1x16xf32>,
        %get3A_275 = vector.shape_cast %get3A_274 : vector<1x16xf32> to vector<16xf32>
        %add3A_276 = arith.addf %add3A_269, %get3A_275 : vector<16xf32>
        %add3A_277 = arith.constant 28 : i32
        %add3A_278 = arith.addi %mul3A_84, %add3A_277 : i32
        %get3A_279 = arith.index_cast %add3A_278 : i32 to index
        %get3A_280 = arith.constant 0 : index
        %get3A_281 = tpu.vector_load %arg6[%get3A_279, %get3A_280] {strides = array<i32>} : memref<512x128xf32, #tpu.memory_space<vmem>>, vector<1x16xf32>,
        %get3A_282 = vector.shape_cast %get3A_281 : vector<1x16xf32> to vector<16xf32>
        %add3A_283 = arith.addf %add3A_276, %get3A_282 : vector<16xf32>
        %add3A_284 = arith.constant 29 : i32
        %add3A_285 = arith.addi %mul3A_84, %add3A_284 : i32
        %get3A_286 = arith.index_cast %add3A_285 : i32 to index
        %get3A_287 = arith.constant 0 : index
        %get3A_288 = tpu.vector_load %arg6[%get3A_286, %get3A_287] {strides = array<i32>} : memref<512x128xf32, #tpu.memory_space<vmem>>, vector<1x16xf32>,
        %get3A_289 = vector.shape_cast %get3A_288 : vector<1x16xf32> to vector<16xf32>
        %add3A_290 = arith.addf %add3A_283, %get3A_289 : vector<16xf32>
        %add3A_291 = arith.constant 30 : i32
        %add3A_292 = arith.addi %mul3A_84, %add3A_291 : i32
        %get3A_293 = arith.index_cast %add3A_292 : i32 to index
        %get3A_294 = arith.constant 0 : index
        %get3A_295 = tpu.vector_load %arg6[%get3A_293, %get3A_294] {strides = array<i32>} : memref<512x128xf32, #tpu.memory_space<vmem>>, vector<1x16xf32>,
        %get3A_296 = vector.shape_cast %get3A_295 : vector<1x16xf32> to vector<16xf32>
        %add3A_297 = arith.addf %add3A_290, %get3A_296 : vector<16xf32>
        %add3A_298 = arith.constant 31 : i32
        %add3A_299 = arith.addi %mul3A_84, %add3A_298 : i32
        %get3A_300 = arith.index_cast %add3A_299 : i32 to index
        %get3A_301 = arith.constant 0 : index
        %get3A_302 = tpu.vector_load %arg6[%get3A_300, %get3A_301] {strides = array<i32>} : memref<512x128xf32, #tpu.memory_space<vmem>>, vector<1x16xf32>,
        %get3A_303 = vector.shape_cast %get3A_302 : vector<1x16xf32> to vector<16xf32>
        %add3A_304 = arith.addf %add3A_297, %get3A_303 : vector<16xf32>
        %mul3A_305 = arith.constant 3.125000e-02 : f32
        %mul3A_306 = vector.broadcast %mul3A_305 : f32 to vector<16xf32>
        %mul3A_307 = arith.mulf %add3A_304, %mul3A_306 : vector<16xf32>
        %swap3A = arith.index_cast %scan3A_82 : i32 to index
        %swap3A_308 = arith.constant 0 : index
        %swap3A_309 = tpu.vector_load %arg7[%swap3A, %swap3A_308] {strides = array<i32>} : memref<16x128xf32, #tpu.memory_space<vmem>>, vector<1x16xf32>,
        %swap3A_310 = vector.shape_cast %swap3A_309 : vector<1x16xf32> to vector<16xf32>
        %swap3A_311 = vector.shape_cast %mul3A_307 : vector<16xf32> to vector<1x16xf32>
        tpu.vector_store %arg7[%swap3A, %swap3A_308], %swap3A_311 {strides = array<i32>} : memref<16x128xf32, #tpu.memory_space<vmem>>, vector<1x16xf32>,
        %get3A_312 = arith.index_cast %mul3A_84 : i32 to index
        %get3A_313 = arith.constant 16 : index
        %get3A_314 = tpu.vector_load %arg6[%get3A_312, %get3A_313] {strides = array<i32>} : memref<512x128xf32, #tpu.memory_space<vmem>>, vector<1x16xf32>,
        %get3A_315 = vector.shape_cast %get3A_314 : vector<1x16xf32> to vector<16xf32>
        %add3A_316 = arith.constant 1 : i32
        %add3A_317 = arith.addi %mul3A_84, %add3A_316 : i32
        %get3A_318 = arith.index_cast %add3A_317 : i32 to index
        %get3A_319 = arith.constant 16 : index
        %get3A_320 = tpu.vector_load %arg6[%get3A_318, %get3A_319] {strides = array<i32>} : memref<512x128xf32, #tpu.memory_space<vmem>>, vector<1x16xf32>,
        %get3A_321 = vector.shape_cast %get3A_320 : vector<1x16xf32> to vector<16xf32>
        %add3A_322 = arith.addf %get3A_315, %get3A_321 : vector<16xf32>
        %add3A_323 = arith.constant 2 : i32
        %add3A_324 = arith.addi %mul3A_84, %add3A_323 : i32
        %get3A_325 = arith.index_cast %add3A_324 : i32 to index
        %get3A_326 = arith.constant 16 : index
        %get3A_327 = tpu.vector_load %arg6[%get3A_325, %get3A_326] {strides = array<i32>} : memref<512x128xf32, #tpu.memory_space<vmem>>, vector<1x16xf32>,
        %get3A_328 = vector.shape_cast %get3A_327 : vector<1x16xf32> to vector<16xf32>
        %add3A_329 = arith.addf %add3A_322, %get3A_328 : vector<16xf32>
        %add3A_330 = arith.constant 3 : i32
        %add3A_331 = arith.addi %mul3A_84, %add3A_330 : i32
        %get3A_332 = arith.index_cast %add3A_331 : i32 to index
        %get3A_333 = arith.constant 16 : index
        %get3A_334 = tpu.vector_load %arg6[%get3A_332, %get3A_333] {strides = array<i32>} : memref<512x128xf32, #tpu.memory_space<vmem>>, vector<1x16xf32>,
        %get3A_335 = vector.shape_cast %get3A_334 : vector<1x16xf32> to vector<16xf32>
        %add3A_336 = arith.addf %add3A_329, %get3A_335 : vector<16xf32>
        %add3A_337 = arith.constant 4 : i32
        %add3A_338 = arith.addi %mul3A_84, %add3A_337 : i32
        %get3A_339 = arith.index_cast %add3A_338 : i32 to index
        %get3A_340 = arith.constant 16 : index
        %get3A_341 = tpu.vector_load %arg6[%get3A_339, %get3A_340] {strides = array<i32>} : memref<512x128xf32, #tpu.memory_space<vmem>>, vector<1x16xf32>,
        %get3A_342 = vector.shape_cast %get3A_341 : vector<1x16xf32> to vector<16xf32>
        %add3A_343 = arith.addf %add3A_336, %get3A_342 : vector<16xf32>
        %add3A_344 = arith.constant 5 : i32
        %add3A_345 = arith.addi %mul3A_84, %add3A_344 : i32
        %get3A_346 = arith.index_cast %add3A_345 : i32 to index
        %get3A_347 = arith.constant 16 : index
        %get3A_348 = tpu.vector_load %arg6[%get3A_346, %get3A_347] {strides = array<i32>} : memref<512x128xf32, #tpu.memory_space<vmem>>, vector<1x16xf32>,
        %get3A_349 = vector.shape_cast %get3A_348 : vector<1x16xf32> to vector<16xf32>
        %add3A_350 = arith.addf %add3A_343, %get3A_349 : vector<16xf32>
        %add3A_351 = arith.constant 6 : i32
        %add3A_352 = arith.addi %mul3A_84, %add3A_351 : i32
        %get3A_353 = arith.index_cast %add3A_352 : i32 to index
        %get3A_354 = arith.constant 16 : index
        %get3A_355 = tpu.vector_load %arg6[%get3A_353, %get3A_354] {strides = array<i32>} : memref<512x128xf32, #tpu.memory_space<vmem>>, vector<1x16xf32>,
        %get3A_356 = vector.shape_cast %get3A_355 : vector<1x16xf32> to vector<16xf32>
        %add3A_357 = arith.addf %add3A_350, %get3A_356 : vector<16xf32>
        %add3A_358 = arith.constant 7 : i32
        %add3A_359 = arith.addi %mul3A_84, %add3A_358 : i32
        %get3A_360 = arith.index_cast %add3A_359 : i32 to index
        %get3A_361 = arith.constant 16 : index
        %get3A_362 = tpu.vector_load %arg6[%get3A_360, %get3A_361] {strides = array<i32>} : memref<512x128xf32, #tpu.memory_space<vmem>>, vector<1x16xf32>,
        %get3A_363 = vector.shape_cast %get3A_362 : vector<1x16xf32> to vector<16xf32>
        %add3A_364 = arith.addf %add3A_357, %get3A_363 : vector<16xf32>
        %add3A_365 = arith.constant 8 : i32
        %add3A_366 = arith.addi %mul3A_84, %add3A_365 : i32
        %get3A_367 = arith.index_cast %add3A_366 : i32 to index
        %get3A_368 = arith.constant 16 : index
        %get3A_369 = tpu.vector_load %arg6[%get3A_367, %get3A_368] {strides = array<i32>} : memref<512x128xf32, #tpu.memory_space<vmem>>, vector<1x16xf32>,
        %get3A_370 = vector.shape_cast %get3A_369 : vector<1x16xf32> to vector<16xf32>
        %add3A_371 = arith.addf %add3A_364, %get3A_370 : vector<16xf32>
        %add3A_372 = arith.constant 9 : i32
        %add3A_373 = arith.addi %mul3A_84, %add3A_372 : i32
        %get3A_374 = arith.index_cast %add3A_373 : i32 to index
        %get3A_375 = arith.constant 16 : index
        %get3A_376 = tpu.vector_load %arg6[%get3A_374, %get3A_375] {strides = array<i32>} : memref<512x128xf32, #tpu.memory_space<vmem>>, vector<1x16xf32>,
        %get3A_377 = vector.shape_cast %get3A_376 : vector<1x16xf32> to vector<16xf32>
        %add3A_378 = arith.addf %add3A_371, %get3A_377 : vector<16xf32>
        %add3A_379 = arith.constant 10 : i32
        %add3A_380 = arith.addi %mul3A_84, %add3A_379 : i32
        %get3A_381 = arith.index_cast %add3A_380 : i32 to index
        %get3A_382 = arith.constant 16 : index
        %get3A_383 = tpu.vector_load %arg6[%get3A_381, %get3A_382] {strides = array<i32>} : memref<512x128xf32, #tpu.memory_space<vmem>>, vector<1x16xf32>,
        %get3A_384 = vector.shape_cast %get3A_383 : vector<1x16xf32> to vector<16xf32>
        %add3A_385 = arith.addf %add3A_378, %get3A_384 : vector<16xf32>
        %add3A_386 = arith.constant 11 : i32
        %add3A_387 = arith.addi %mul3A_84, %add3A_386 : i32
        %get3A_388 = arith.index_cast %add3A_387 : i32 to index
        %get3A_389 = arith.constant 16 : index
        %get3A_390 = tpu.vector_load %arg6[%get3A_388, %get3A_389] {strides = array<i32>} : memref<512x128xf32, #tpu.memory_space<vmem>>, vector<1x16xf32>,
        %get3A_391 = vector.shape_cast %get3A_390 : vector<1x16xf32> to vector<16xf32>
        %add3A_392 = arith.addf %add3A_385, %get3A_391 : vector<16xf32>
        %add3A_393 = arith.constant 12 : i32
        %add3A_394 = arith.addi %mul3A_84, %add3A_393 : i32
        %get3A_395 = arith.index_cast %add3A_394 : i32 to index
        %get3A_396 = arith.constant 16 : index
        %get3A_397 = tpu.vector_load %arg6[%get3A_395, %get3A_396] {strides = array<i32>} : memref<512x128xf32, #tpu.memory_space<vmem>>, vector<1x16xf32>,
        %get3A_398 = vector.shape_cast %get3A_397 : vector<1x16xf32> to vector<16xf32>
        %add3A_399 = arith.addf %add3A_392, %get3A_398 : vector<16xf32>
        %add3A_400 = arith.constant 13 : i32
        %add3A_401 = arith.addi %mul3A_84, %add3A_400 : i32
        %get3A_402 = arith.index_cast %add3A_401 : i32 to index
        %get3A_403 = arith.constant 16 : index
        %get3A_404 = tpu.vector_load %arg6[%get3A_402, %get3A_403] {strides = array<i32>} : memref<512x128xf32, #tpu.memory_space<vmem>>, vector<1x16xf32>,
        %get3A_405 = vector.shape_cast %get3A_404 : vector<1x16xf32> to vector<16xf32>
        %add3A_406 = arith.addf %add3A_399, %get3A_405 : vector<16xf32>
        %add3A_407 = arith.constant 14 : i32
        %add3A_408 = arith.addi %mul3A_84, %add3A_407 : i32
        %get3A_409 = arith.index_cast %add3A_408 : i32 to index
        %get3A_410 = arith.constant 16 : index
        %get3A_411 = tpu.vector_load %arg6[%get3A_409, %get3A_410] {strides = array<i32>} : memref<512x128xf32, #tpu.memory_space<vmem>>, vector<1x16xf32>,
        %get3A_412 = vector.shape_cast %get3A_411 : vector<1x16xf32> to vector<16xf32>
        %add3A_413 = arith.addf %add3A_406, %get3A_412 : vector<16xf32>
        %add3A_414 = arith.constant 15 : i32
        %add3A_415 = arith.addi %mul3A_84, %add3A_414 : i32
        %get3A_416 = arith.index_cast %add3A_415 : i32 to index
        %get3A_417 = arith.constant 16 : index
        %get3A_418 = tpu.vector_load %arg6[%get3A_416, %get3A_417] {strides = array<i32>} : memref<512x128xf32, #tpu.memory_space<vmem>>, vector<1x16xf32>,
        %get3A_419 = vector.shape_cast %get3A_418 : vector<1x16xf32> to vector<16xf32>
        %add3A_420 = arith.addf %add3A_413, %get3A_419 : vector<16xf32>
        %add3A_421 = arith.constant 16 : i32
        %add3A_422 = arith.addi %mul3A_84, %add3A_421 : i32
        %get3A_423 = arith.index_cast %add3A_422 : i32 to index
        %get3A_424 = arith.constant 16 : index
        %get3A_425 = tpu.vector_load %arg6[%get3A_423, %get3A_424] {strides = array<i32>} : memref<512x128xf32, #tpu.memory_space<vmem>>, vector<1x16xf32>,
        %get3A_426 = vector.shape_cast %get3A_425 : vector<1x16xf32> to vector<16xf32>
        %add3A_427 = arith.addf %add3A_420, %get3A_426 : vector<16xf32>
        %add3A_428 = arith.constant 17 : i32
        %add3A_429 = arith.addi %mul3A_84, %add3A_428 : i32
        %get3A_430 = arith.index_cast %add3A_429 : i32 to index
        %get3A_431 = arith.constant 16 : index
        %get3A_432 = tpu.vector_load %arg6[%get3A_430, %get3A_431] {strides = array<i32>} : memref<512x128xf32, #tpu.memory_space<vmem>>, vector<1x16xf32>,
        %get3A_433 = vector.shape_cast %get3A_432 : vector<1x16xf32> to vector<16xf32>
        %add3A_434 = arith.addf %add3A_427, %get3A_433 : vector<16xf32>
        %add3A_435 = arith.constant 18 : i32
        %add3A_436 = arith.addi %mul3A_84, %add3A_435 : i32
        %get3A_437 = arith.index_cast %add3A_436 : i32 to index
        %get3A_438 = arith.constant 16 : index
        %get3A_439 = tpu.vector_load %arg6[%get3A_437, %get3A_438] {strides = array<i32>} : memref<512x128xf32, #tpu.memory_space<vmem>>, vector<1x16xf32>,
        %get3A_440 = vector.shape_cast %get3A_439 : vector<1x16xf32> to vector<16xf32>
        %add3A_441 = arith.addf %add3A_434, %get3A_440 : vector<16xf32>
        %add3A_442 = arith.constant 19 : i32
        %add3A_443 = arith.addi %mul3A_84, %add3A_442 : i32
        %get3A_444 = arith.index_cast %add3A_443 : i32 to index
        %get3A_445 = arith.constant 16 : index
        %get3A_446 = tpu.vector_load %arg6[%get3A_444, %get3A_445] {strides = array<i32>} : memref<512x128xf32, #tpu.memory_space<vmem>>, vector<1x16xf32>,
        %get3A_447 = vector.shape_cast %get3A_446 : vector<1x16xf32> to vector<16xf32>
        %add3A_448 = arith.addf %add3A_441, %get3A_447 : vector<16xf32>
        %add3A_449 = arith.constant 20 : i32
        %add3A_450 = arith.addi %mul3A_84, %add3A_449 : i32
        %get3A_451 = arith.index_cast %add3A_450 : i32 to index
        %get3A_452 = arith.constant 16 : index
        %get3A_453 = tpu.vector_load %arg6[%get3A_451, %get3A_452] {strides = array<i32>} : memref<512x128xf32, #tpu.memory_space<vmem>>, vector<1x16xf32>,
        %get3A_454 = vector.shape_cast %get3A_453 : vector<1x16xf32> to vector<16xf32>
        %add3A_455 = arith.addf %add3A_448, %get3A_454 : vector<16xf32>
        %add3A_456 = arith.constant 21 : i32
        %add3A_457 = arith.addi %mul3A_84, %add3A_456 : i32
        %get3A_458 = arith.index_cast %add3A_457 : i32 to index
        %get3A_459 = arith.constant 16 : index
        %get3A_460 = tpu.vector_load %arg6[%get3A_458, %get3A_459] {strides = array<i32>} : memref<512x128xf32, #tpu.memory_space<vmem>>, vector<1x16xf32>,
        %get3A_461 = vector.shape_cast %get3A_460 : vector<1x16xf32> to vector<16xf32>
        %add3A_462 = arith.addf %add3A_455, %get3A_461 : vector<16xf32>
        %add3A_463 = arith.constant 22 : i32
        %add3A_464 = arith.addi %mul3A_84, %add3A_463 : i32
        %get3A_465 = arith.index_cast %add3A_464 : i32 to index
        %get3A_466 = arith.constant 16 : index
        %get3A_467 = tpu.vector_load %arg6[%get3A_465, %get3A_466] {strides = array<i32>} : memref<512x128xf32, #tpu.memory_space<vmem>>, vector<1x16xf32>,
        %get3A_468 = vector.shape_cast %get3A_467 : vector<1x16xf32> to vector<16xf32>
        %add3A_469 = arith.addf %add3A_462, %get3A_468 : vector<16xf32>
        %add3A_470 = arith.constant 23 : i32
        %add3A_471 = arith.addi %mul3A_84, %add3A_470 : i32
        %get3A_472 = arith.index_cast %add3A_471 : i32 to index
        %get3A_473 = arith.constant 16 : index
        %get3A_474 = tpu.vector_load %arg6[%get3A_472, %get3A_473] {strides = array<i32>} : memref<512x128xf32, #tpu.memory_space<vmem>>, vector<1x16xf32>,
        %get3A_475 = vector.shape_cast %get3A_474 : vector<1x16xf32> to vector<16xf32>
        %add3A_476 = arith.addf %add3A_469, %get3A_475 : vector<16xf32>
        %add3A_477 = arith.constant 24 : i32
        %add3A_478 = arith.addi %mul3A_84, %add3A_477 : i32
        %get3A_479 = arith.index_cast %add3A_478 : i32 to index
        %get3A_480 = arith.constant 16 : index
        %get3A_481 = tpu.vector_load %arg6[%get3A_479, %get3A_480] {strides = array<i32>} : memref<512x128xf32, #tpu.memory_space<vmem>>, vector<1x16xf32>,
        %get3A_482 = vector.shape_cast %get3A_481 : vector<1x16xf32> to vector<16xf32>
        %add3A_483 = arith.addf %add3A_476, %get3A_482 : vector<16xf32>
        %add3A_484 = arith.constant 25 : i32
        %add3A_485 = arith.addi %mul3A_84, %add3A_484 : i32
        %get3A_486 = arith.index_cast %add3A_485 : i32 to index
        %get3A_487 = arith.constant 16 : index
        %get3A_488 = tpu.vector_load %arg6[%get3A_486, %get3A_487] {strides = array<i32>} : memref<512x128xf32, #tpu.memory_space<vmem>>, vector<1x16xf32>,
        %get3A_489 = vector.shape_cast %get3A_488 : vector<1x16xf32> to vector<16xf32>
        %add3A_490 = arith.addf %add3A_483, %get3A_489 : vector<16xf32>
        %add3A_491 = arith.constant 26 : i32
        %add3A_492 = arith.addi %mul3A_84, %add3A_491 : i32
        %get3A_493 = arith.index_cast %add3A_492 : i32 to index
        %get3A_494 = arith.constant 16 : index
        %get3A_495 = tpu.vector_load %arg6[%get3A_493, %get3A_494] {strides = array<i32>} : memref<512x128xf32, #tpu.memory_space<vmem>>, vector<1x16xf32>,
        %get3A_496 = vector.shape_cast %get3A_495 : vector<1x16xf32> to vector<16xf32>
        %add3A_497 = arith.addf %add3A_490, %get3A_496 : vector<16xf32>
        %add3A_498 = arith.constant 27 : i32
        %add3A_499 = arith.addi %mul3A_84, %add3A_498 : i32
        %get3A_500 = arith.index_cast %add3A_499 : i32 to index
        %get3A_501 = arith.constant 16 : index
        %get3A_502 = tpu.vector_load %arg6[%get3A_500, %get3A_501] {strides = array<i32>} : memref<512x128xf32, #tpu.memory_space<vmem>>, vector<1x16xf32>,
        %get3A_503 = vector.shape_cast %get3A_502 : vector<1x16xf32> to vector<16xf32>
        %add3A_504 = arith.addf %add3A_497, %get3A_503 : vector<16xf32>
        %add3A_505 = arith.constant 28 : i32
        %add3A_506 = arith.addi %mul3A_84, %add3A_505 : i32
        %get3A_507 = arith.index_cast %add3A_506 : i32 to index
        %get3A_508 = arith.constant 16 : index
        %get3A_509 = tpu.vector_load %arg6[%get3A_507, %get3A_508] {strides = array<i32>} : memref<512x128xf32, #tpu.memory_space<vmem>>, vector<1x16xf32>,
        %get3A_510 = vector.shape_cast %get3A_509 : vector<1x16xf32> to vector<16xf32>
        %add3A_511 = arith.addf %add3A_504, %get3A_510 : vector<16xf32>
        %add3A_512 = arith.constant 29 : i32
        %add3A_513 = arith.addi %mul3A_84, %add3A_512 : i32
        %get3A_514 = arith.index_cast %add3A_513 : i32 to index
        %get3A_515 = arith.constant 16 : index
        %get3A_516 = tpu.vector_load %arg6[%get3A_514, %get3A_515] {strides = array<i32>} : memref<512x128xf32, #tpu.memory_space<vmem>>, vector<1x16xf32>,
        %get3A_517 = vector.shape_cast %get3A_516 : vector<1x16xf32> to vector<16xf32>
        %add3A_518 = arith.addf %add3A_511, %get3A_517 : vector<16xf32>
        %add3A_519 = arith.constant 30 : i32
        %add3A_520 = arith.addi %mul3A_84, %add3A_519 : i32
        %get3A_521 = arith.index_cast %add3A_520 : i32 to index
        %get3A_522 = arith.constant 16 : index
        %get3A_523 = tpu.vector_load %arg6[%get3A_521, %get3A_522] {strides = array<i32>} : memref<512x128xf32, #tpu.memory_space<vmem>>, vector<1x16xf32>,
        %get3A_524 = vector.shape_cast %get3A_523 : vector<1x16xf32> to vector<16xf32>
        %add3A_525 = arith.addf %add3A_518, %get3A_524 : vector<16xf32>
        %add3A_526 = arith.constant 31 : i32
        %add3A_527 = arith.addi %mul3A_84, %add3A_526 : i32
        %get3A_528 = arith.index_cast %add3A_527 : i32 to index
        %get3A_529 = arith.constant 16 : index
        %get3A_530 = tpu.vector_load %arg6[%get3A_528, %get3A_529] {strides = array<i32>} : memref<512x128xf32, #tpu.memory_space<vmem>>, vector<1x16xf32>,
        %get3A_531 = vector.shape_cast %get3A_530 : vector<1x16xf32> to vector<16xf32>
        %add3A_532 = arith.addf %add3A_525, %get3A_531 : vector<16xf32>
        %mul3A_533 = arith.constant 3.125000e-02 : f32
        %mul3A_534 = vector.broadcast %mul3A_533 : f32 to vector<16xf32>
        %mul3A_535 = arith.mulf %add3A_532, %mul3A_534 : vector<16xf32>
        %swap3A_536 = arith.index_cast %scan3A_82 : i32 to index
        %swap3A_537 = arith.constant 16 : index
        %swap3A_538 = tpu.vector_load %arg7[%swap3A_536, %swap3A_537] {strides = array<i32>} : memref<16x128xf32, #tpu.memory_space<vmem>>, vector<1x16xf32>,
        %swap3A_539 = vector.shape_cast %swap3A_538 : vector<1x16xf32> to vector<16xf32>
        %swap3A_540 = vector.shape_cast %mul3A_535 : vector<16xf32> to vector<1x16xf32>
        tpu.vector_store %arg7[%swap3A_536, %swap3A_537], %swap3A_540 {strides = array<i32>} : memref<16x128xf32, #tpu.memory_space<vmem>>, vector<1x16xf32>,
        %get3A_541 = arith.index_cast %mul3A_84 : i32 to index
        %get3A_542 = arith.constant 32 : index
        %get3A_543 = tpu.vector_load %arg6[%get3A_541, %get3A_542] {strides = array<i32>} : memref<512x128xf32, #tpu.memory_space<vmem>>, vector<1x16xf32>,
        %get3A_544 = vector.shape_cast %get3A_543 : vector<1x16xf32> to vector<16xf32>
        %add3A_545 = arith.constant 1 : i32
        %add3A_546 = arith.addi %mul3A_84, %add3A_545 : i32
        %get3A_547 = arith.index_cast %add3A_546 : i32 to index
        %get3A_548 = arith.constant 32 : index
        %get3A_549 = tpu.vector_load %arg6[%get3A_547, %get3A_548] {strides = array<i32>} : memref<512x128xf32, #tpu.memory_space<vmem>>, vector<1x16xf32>,
        %get3A_550 = vector.shape_cast %get3A_549 : vector<1x16xf32> to vector<16xf32>
        %add3A_551 = arith.addf %get3A_544, %get3A_550 : vector<16xf32>
        %add3A_552 = arith.constant 2 : i32
        %add3A_553 = arith.addi %mul3A_84, %add3A_552 : i32
        %get3A_554 = arith.index_cast %add3A_553 : i32 to index
        %get3A_555 = arith.constant 32 : index
        %get3A_556 = tpu.vector_load %arg6[%get3A_554, %get3A_555] {strides = array<i32>} : memref<512x128xf32, #tpu.memory_space<vmem>>, vector<1x16xf32>,
        %get3A_557 = vector.shape_cast %get3A_556 : vector<1x16xf32> to vector<16xf32>
        %add3A_558 = arith.addf %add3A_551, %get3A_557 : vector<16xf32>
        %add3A_559 = arith.constant 3 : i32
        %add3A_560 = arith.addi %mul3A_84, %add3A_559 : i32
        %get3A_561 = arith.index_cast %add3A_560 : i32 to index
        %get3A_562 = arith.constant 32 : index
        %get3A_563 = tpu.vector_load %arg6[%get3A_561, %get3A_562] {strides = array<i32>} : memref<512x128xf32, #tpu.memory_space<vmem>>, vector<1x16xf32>,
        %get3A_564 = vector.shape_cast %get3A_563 : vector<1x16xf32> to vector<16xf32>
        %add3A_565 = arith.addf %add3A_558, %get3A_564 : vector<16xf32>
        %add3A_566 = arith.constant 4 : i32
        %add3A_567 = arith.addi %mul3A_84, %add3A_566 : i32
        %get3A_568 = arith.index_cast %add3A_567 : i32 to index
        %get3A_569 = arith.constant 32 : index
        %get3A_570 = tpu.vector_load %arg6[%get3A_568, %get3A_569] {strides = array<i32>} : memref<512x128xf32, #tpu.memory_space<vmem>>, vector<1x16xf32>,
        %get3A_571 = vector.shape_cast %get3A_570 : vector<1x16xf32> to vector<16xf32>
        %add3A_572 = arith.addf %add3A_565, %get3A_571 : vector<16xf32>
        %add3A_573 = arith.constant 5 : i32
        %add3A_574 = arith.addi %mul3A_84, %add3A_573 : i32
        %get3A_575 = arith.index_cast %add3A_574 : i32 to index
        %get3A_576 = arith.constant 32 : index
        %get3A_577 = tpu.vector_load %arg6[%get3A_575, %get3A_576] {strides = array<i32>} : memref<512x128xf32, #tpu.memory_space<vmem>>, vector<1x16xf32>,
        %get3A_578 = vector.shape_cast %get3A_577 : vector<1x16xf32> to vector<16xf32>
        %add3A_579 = arith.addf %add3A_572, %get3A_578 : vector<16xf32>
        %add3A_580 = arith.constant 6 : i32
        %add3A_581 = arith.addi %mul3A_84, %add3A_580 : i32
        %get3A_582 = arith.index_cast %add3A_581 : i32 to index
        %get3A_583 = arith.constant 32 : index
        %get3A_584 = tpu.vector_load %arg6[%get3A_582, %get3A_583] {strides = array<i32>} : memref<512x128xf32, #tpu.memory_space<vmem>>, vector<1x16xf32>,
        %get3A_585 = vector.shape_cast %get3A_584 : vector<1x16xf32> to vector<16xf32>
        %add3A_586 = arith.addf %add3A_579, %get3A_585 : vector<16xf32>
        %add3A_587 = arith.constant 7 : i32
        %add3A_588 = arith.addi %mul3A_84, %add3A_587 : i32
        %get3A_589 = arith.index_cast %add3A_588 : i32 to index
        %get3A_590 = arith.constant 32 : index
        %get3A_591 = tpu.vector_load %arg6[%get3A_589, %get3A_590] {strides = array<i32>} : memref<512x128xf32, #tpu.memory_space<vmem>>, vector<1x16xf32>,
        %get3A_592 = vector.shape_cast %get3A_591 : vector<1x16xf32> to vector<16xf32>
        %add3A_593 = arith.addf %add3A_586, %get3A_592 : vector<16xf32>
        %add3A_594 = arith.constant 8 : i32
        %add3A_595 = arith.addi %mul3A_84, %add3A_594 : i32
        %get3A_596 = arith.index_cast %add3A_595 : i32 to index
        %get3A_597 = arith.constant 32 : index
        %get3A_598 = tpu.vector_load %arg6[%get3A_596, %get3A_597] {strides = array<i32>} : memref<512x128xf32, #tpu.memory_space<vmem>>, vector<1x16xf32>,
        %get3A_599 = vector.shape_cast %get3A_598 : vector<1x16xf32> to vector<16xf32>
        %add3A_600 = arith.addf %add3A_593, %get3A_599 : vector<16xf32>
        %add3A_601 = arith.constant 9 : i32
        %add3A_602 = arith.addi %mul3A_84, %add3A_601 : i32
        %get3A_603 = arith.index_cast %add3A_602 : i32 to index
        %get3A_604 = arith.constant 32 : index
        %get3A_605 = tpu.vector_load %arg6[%get3A_603, %get3A_604] {strides = array<i32>} : memref<512x128xf32, #tpu.memory_space<vmem>>, vector<1x16xf32>,
        %get3A_606 = vector.shape_cast %get3A_605 : vector<1x16xf32> to vector<16xf32>
        %add3A_607 = arith.addf %add3A_600, %get3A_606 : vector<16xf32>
        %add3A_608 = arith.constant 10 : i32
        %add3A_609 = arith.addi %mul3A_84, %add3A_608 : i32
        %get3A_610 = arith.index_cast %add3A_609 : i32 to index
        %get3A_611 = arith.constant 32 : index
        %get3A_612 = tpu.vector_load %arg6[%get3A_610, %get3A_611] {strides = array<i32>} : memref<512x128xf32, #tpu.memory_space<vmem>>, vector<1x16xf32>,
        %get3A_613 = vector.shape_cast %get3A_612 : vector<1x16xf32> to vector<16xf32>
        %add3A_614 = arith.addf %add3A_607, %get3A_613 : vector<16xf32>
        %add3A_615 = arith.constant 11 : i32
        %add3A_616 = arith.addi %mul3A_84, %add3A_615 : i32
        %get3A_617 = arith.index_cast %add3A_616 : i32 to index
        %get3A_618 = arith.constant 32 : index
        %get3A_619 = tpu.vector_load %arg6[%get3A_617, %get3A_618] {strides = array<i32>} : memref<512x128xf32, #tpu.memory_space<vmem>>, vector<1x16xf32>,
        %get3A_620 = vector.shape_cast %get3A_619 : vector<1x16xf32> to vector<16xf32>
        %add3A_621 = arith.addf %add3A_614, %get3A_620 : vector<16xf32>
        %add3A_622 = arith.constant 12 : i32
        %add3A_623 = arith.addi %mul3A_84, %add3A_622 : i32
        %get3A_624 = arith.index_cast %add3A_623 : i32 to index
        %get3A_625 = arith.constant 32 : index
        %get3A_626 = tpu.vector_load %arg6[%get3A_624, %get3A_625] {strides = array<i32>} : memref<512x128xf32, #tpu.memory_space<vmem>>, vector<1x16xf32>,
        %get3A_627 = vector.shape_cast %get3A_626 : vector<1x16xf32> to vector<16xf32>
        %add3A_628 = arith.addf %add3A_621, %get3A_627 : vector<16xf32>
        %add3A_629 = arith.constant 13 : i32
        %add3A_630 = arith.addi %mul3A_84, %add3A_629 : i32
        %get3A_631 = arith.index_cast %add3A_630 : i32 to index
        %get3A_632 = arith.constant 32 : index
        %get3A_633 = tpu.vector_load %arg6[%get3A_631, %get3A_632] {strides = array<i32>} : memref<512x128xf32, #tpu.memory_space<vmem>>, vector<1x16xf32>,
        %get3A_634 = vector.shape_cast %get3A_633 : vector<1x16xf32> to vector<16xf32>
        %add3A_635 = arith.addf %add3A_628, %get3A_634 : vector<16xf32>
        %add3A_636 = arith.constant 14 : i32
        %add3A_637 = arith.addi %mul3A_84, %add3A_636 : i32
        %get3A_638 = arith.index_cast %add3A_637 : i32 to index
        %get3A_639 = arith.constant 32 : index
        %get3A_640 = tpu.vector_load %arg6[%get3A_638, %get3A_639] {strides = array<i32>} : memref<512x128xf32, #tpu.memory_space<vmem>>, vector<1x16xf32>,
        %get3A_641 = vector.shape_cast %get3A_640 : vector<1x16xf32> to vector<16xf32>
        %add3A_642 = arith.addf %add3A_635, %get3A_641 : vector<16xf32>
        %add3A_643 = arith.constant 15 : i32
        %add3A_644 = arith.addi %mul3A_84, %add3A_643 : i32
        %get3A_645 = arith.index_cast %add3A_644 : i32 to index
        %get3A_646 = arith.constant 32 : index
        %get3A_647 = tpu.vector_load %arg6[%get3A_645, %get3A_646] {strides = array<i32>} : memref<512x128xf32, #tpu.memory_space<vmem>>, vector<1x16xf32>,
        %get3A_648 = vector.shape_cast %get3A_647 : vector<1x16xf32> to vector<16xf32>
        %add3A_649 = arith.addf %add3A_642, %get3A_648 : vector<16xf32>
        %add3A_650 = arith.constant 16 : i32
        %add3A_651 = arith.addi %mul3A_84, %add3A_650 : i32
        %get3A_652 = arith.index_cast %add3A_651 : i32 to index
        %get3A_653 = arith.constant 32 : index
        %get3A_654 = tpu.vector_load %arg6[%get3A_652, %get3A_653] {strides = array<i32>} : memref<512x128xf32, #tpu.memory_space<vmem>>, vector<1x16xf32>,
        %get3A_655 = vector.shape_cast %get3A_654 : vector<1x16xf32> to vector<16xf32>
        %add3A_656 = arith.addf %add3A_649, %get3A_655 : vector<16xf32>
        %add3A_657 = arith.constant 17 : i32
        %add3A_658 = arith.addi %mul3A_84, %add3A_657 : i32
        %get3A_659 = arith.index_cast %add3A_658 : i32 to index
        %get3A_660 = arith.constant 32 : index
        %get3A_661 = tpu.vector_load %arg6[%get3A_659, %get3A_660] {strides = array<i32>} : memref<512x128xf32, #tpu.memory_space<vmem>>, vector<1x16xf32>,
        %get3A_662 = vector.shape_cast %get3A_661 : vector<1x16xf32> to vector<16xf32>
        %add3A_663 = arith.addf %add3A_656, %get3A_662 : vector<16xf32>
        %add3A_664 = arith.constant 18 : i32
        %add3A_665 = arith.addi %mul3A_84, %add3A_664 : i32
        %get3A_666 = arith.index_cast %add3A_665 : i32 to index
        %get3A_667 = arith.constant 32 : index
        %get3A_668 = tpu.vector_load %arg6[%get3A_666, %get3A_667] {strides = array<i32>} : memref<512x128xf32, #tpu.memory_space<vmem>>, vector<1x16xf32>,
        %get3A_669 = vector.shape_cast %get3A_668 : vector<1x16xf32> to vector<16xf32>
        %add3A_670 = arith.addf %add3A_663, %get3A_669 : vector<16xf32>
        %add3A_671 = arith.constant 19 : i32
        %add3A_672 = arith.addi %mul3A_84, %add3A_671 : i32
        %get3A_673 = arith.index_cast %add3A_672 : i32 to index
        %get3A_674 = arith.constant 32 : index
        %get3A_675 = tpu.vector_load %arg6[%get3A_673, %get3A_674] {strides = array<i32>} : memref<512x128xf32, #tpu.memory_space<vmem>>, vector<1x16xf32>,
        %get3A_676 = vector.shape_cast %get3A_675 : vector<1x16xf32> to vector<16xf32>
        %add3A_677 = arith.addf %add3A_670, %get3A_676 : vector<16xf32>
        %add3A_678 = arith.constant 20 : i32
        %add3A_679 = arith.addi %mul3A_84, %add3A_678 : i32
        %get3A_680 = arith.index_cast %add3A_679 : i32 to index
        %get3A_681 = arith.constant 32 : index
        %get3A_682 = tpu.vector_load %arg6[%get3A_680, %get3A_681] {strides = array<i32>} : memref<512x128xf32, #tpu.memory_space<vmem>>, vector<1x16xf32>,
        %get3A_683 = vector.shape_cast %get3A_682 : vector<1x16xf32> to vector<16xf32>
        %add3A_684 = arith.addf %add3A_677, %get3A_683 : vector<16xf32>
        %add3A_685 = arith.constant 21 : i32
        %add3A_686 = arith.addi %mul3A_84, %add3A_685 : i32
        %get3A_687 = arith.index_cast %add3A_686 : i32 to index
        %get3A_688 = arith.constant 32 : index
        %get3A_689 = tpu.vector_load %arg6[%get3A_687, %get3A_688] {strides = array<i32>} : memref<512x128xf32, #tpu.memory_space<vmem>>, vector<1x16xf32>,
        %get3A_690 = vector.shape_cast %get3A_689 : vector<1x16xf32> to vector<16xf32>
        %add3A_691 = arith.addf %add3A_684, %get3A_690 : vector<16xf32>
        %add3A_692 = arith.constant 22 : i32
        %add3A_693 = arith.addi %mul3A_84, %add3A_692 : i32
        %get3A_694 = arith.index_cast %add3A_693 : i32 to index
        %get3A_695 = arith.constant 32 : index
        %get3A_696 = tpu.vector_load %arg6[%get3A_694, %get3A_695] {strides = array<i32>} : memref<512x128xf32, #tpu.memory_space<vmem>>, vector<1x16xf32>,
        %get3A_697 = vector.shape_cast %get3A_696 : vector<1x16xf32> to vector<16xf32>
        %add3A_698 = arith.addf %add3A_691, %get3A_697 : vector<16xf32>
        %add3A_699 = arith.constant 23 : i32
        %add3A_700 = arith.addi %mul3A_84, %add3A_699 : i32
        %get3A_701 = arith.index_cast %add3A_700 : i32 to index
        %get3A_702 = arith.constant 32 : index
        %get3A_703 = tpu.vector_load %arg6[%get3A_701, %get3A_702] {strides = array<i32>} : memref<512x128xf32, #tpu.memory_space<vmem>>, vector<1x16xf32>,
        %get3A_704 = vector.shape_cast %get3A_703 : vector<1x16xf32> to vector<16xf32>
        %add3A_705 = arith.addf %add3A_698, %get3A_704 : vector<16xf32>
        %add3A_706 = arith.constant 24 : i32
        %add3A_707 = arith.addi %mul3A_84, %add3A_706 : i32
        %get3A_708 = arith.index_cast %add3A_707 : i32 to index
        %get3A_709 = arith.constant 32 : index
        %get3A_710 = tpu.vector_load %arg6[%get3A_708, %get3A_709] {strides = array<i32>} : memref<512x128xf32, #tpu.memory_space<vmem>>, vector<1x16xf32>,
        %get3A_711 = vector.shape_cast %get3A_710 : vector<1x16xf32> to vector<16xf32>
        %add3A_712 = arith.addf %add3A_705, %get3A_711 : vector<16xf32>
        %add3A_713 = arith.constant 25 : i32
        %add3A_714 = arith.addi %mul3A_84, %add3A_713 : i32
        %get3A_715 = arith.index_cast %add3A_714 : i32 to index
        %get3A_716 = arith.constant 32 : index
        %get3A_717 = tpu.vector_load %arg6[%get3A_715, %get3A_716] {strides = array<i32>} : memref<512x128xf32, #tpu.memory_space<vmem>>, vector<1x16xf32>,
        %get3A_718 = vector.shape_cast %get3A_717 : vector<1x16xf32> to vector<16xf32>
        %add3A_719 = arith.addf %add3A_712, %get3A_718 : vector<16xf32>
        %add3A_720 = arith.constant 26 : i32
        %add3A_721 = arith.addi %mul3A_84, %add3A_720 : i32
        %get3A_722 = arith.index_cast %add3A_721 : i32 to index
        %get3A_723 = arith.constant 32 : index
        %get3A_724 = tpu.vector_load %arg6[%get3A_722, %get3A_723] {strides = array<i32>} : memref<512x128xf32, #tpu.memory_space<vmem>>, vector<1x16xf32>,
        %get3A_725 = vector.shape_cast %get3A_724 : vector<1x16xf32> to vector<16xf32>
        %add3A_726 = arith.addf %add3A_719, %get3A_725 : vector<16xf32>
        %add3A_727 = arith.constant 27 : i32
        %add3A_728 = arith.addi %mul3A_84, %add3A_727 : i32
        %get3A_729 = arith.index_cast %add3A_728 : i32 to index
        %get3A_730 = arith.constant 32 : index
        %get3A_731 = tpu.vector_load %arg6[%get3A_729, %get3A_730] {strides = array<i32>} : memref<512x128xf32, #tpu.memory_space<vmem>>, vector<1x16xf32>,
        %get3A_732 = vector.shape_cast %get3A_731 : vector<1x16xf32> to vector<16xf32>
        %add3A_733 = arith.addf %add3A_726, %get3A_732 : vector<16xf32>
        %add3A_734 = arith.constant 28 : i32
        %add3A_735 = arith.addi %mul3A_84, %add3A_734 : i32
        %get3A_736 = arith.index_cast %add3A_735 : i32 to index
        %get3A_737 = arith.constant 32 : index
        %get3A_738 = tpu.vector_load %arg6[%get3A_736, %get3A_737] {strides = array<i32>} : memref<512x128xf32, #tpu.memory_space<vmem>>, vector<1x16xf32>,
        %get3A_739 = vector.shape_cast %get3A_738 : vector<1x16xf32> to vector<16xf32>
        %add3A_740 = arith.addf %add3A_733, %get3A_739 : vector<16xf32>
        %add3A_741 = arith.constant 29 : i32
        %add3A_742 = arith.addi %mul3A_84, %add3A_741 : i32
        %get3A_743 = arith.index_cast %add3A_742 : i32 to index
        %get3A_744 = arith.constant 32 : index
        %get3A_745 = tpu.vector_load %arg6[%get3A_743, %get3A_744] {strides = array<i32>} : memref<512x128xf32, #tpu.memory_space<vmem>>, vector<1x16xf32>,
        %get3A_746 = vector.shape_cast %get3A_745 : vector<1x16xf32> to vector<16xf32>
        %add3A_747 = arith.addf %add3A_740, %get3A_746 : vector<16xf32>
        %add3A_748 = arith.constant 30 : i32
        %add3A_749 = arith.addi %mul3A_84, %add3A_748 : i32
        %get3A_750 = arith.index_cast %add3A_749 : i32 to index
        %get3A_751 = arith.constant 32 : index
        %get3A_752 = tpu.vector_load %arg6[%get3A_750, %get3A_751] {strides = array<i32>} : memref<512x128xf32, #tpu.memory_space<vmem>>, vector<1x16xf32>,
        %get3A_753 = vector.shape_cast %get3A_752 : vector<1x16xf32> to vector<16xf32>
        %add3A_754 = arith.addf %add3A_747, %get3A_753 : vector<16xf32>
        %add3A_755 = arith.constant 31 : i32
        %add3A_756 = arith.addi %mul3A_84, %add3A_755 : i32
        %get3A_757 = arith.index_cast %add3A_756 : i32 to index
        %get3A_758 = arith.constant 32 : index
        %get3A_759 = tpu.vector_load %arg6[%get3A_757, %get3A_758] {strides = array<i32>} : memref<512x128xf32, #tpu.memory_space<vmem>>, vector<1x16xf32>,
        %get3A_760 = vector.shape_cast %get3A_759 : vector<1x16xf32> to vector<16xf32>
        %add3A_761 = arith.addf %add3A_754, %get3A_760 : vector<16xf32>
        %mul3A_762 = arith.constant 3.125000e-02 : f32
        %mul3A_763 = vector.broadcast %mul3A_762 : f32 to vector<16xf32>
        %mul3A_764 = arith.mulf %add3A_761, %mul3A_763 : vector<16xf32>
        %swap3A_765 = arith.index_cast %scan3A_82 : i32 to index
        %swap3A_766 = arith.constant 32 : index
        %swap3A_767 = tpu.vector_load %arg7[%swap3A_765, %swap3A_766] {strides = array<i32>} : memref<16x128xf32, #tpu.memory_space<vmem>>, vector<1x16xf32>,
        %swap3A_768 = vector.shape_cast %swap3A_767 : vector<1x16xf32> to vector<16xf32>
        %swap3A_769 = vector.shape_cast %mul3A_764 : vector<16xf32> to vector<1x16xf32>
        tpu.vector_store %arg7[%swap3A_765, %swap3A_766], %swap3A_769 {strides = array<i32>} : memref<16x128xf32, #tpu.memory_space<vmem>>, vector<1x16xf32>,
        %get3A_770 = arith.index_cast %mul3A_84 : i32 to index
        %get3A_771 = arith.constant 48 : index
        %get3A_772 = tpu.vector_load %arg6[%get3A_770, %get3A_771] {strides = array<i32>} : memref<512x128xf32, #tpu.memory_space<vmem>>, vector<1x16xf32>,
        %get3A_773 = vector.shape_cast %get3A_772 : vector<1x16xf32> to vector<16xf32>
        %add3A_774 = arith.constant 1 : i32
        %add3A_775 = arith.addi %mul3A_84, %add3A_774 : i32
        %get3A_776 = arith.index_cast %add3A_775 : i32 to index
        %get3A_777 = arith.constant 48 : index
        %get3A_778 = tpu.vector_load %arg6[%get3A_776, %get3A_777] {strides = array<i32>} : memref<512x128xf32, #tpu.memory_space<vmem>>, vector<1x16xf32>,
        %get3A_779 = vector.shape_cast %get3A_778 : vector<1x16xf32> to vector<16xf32>
        %add3A_780 = arith.addf %get3A_773, %get3A_779 : vector<16xf32>
        %add3A_781 = arith.constant 2 : i32
        %add3A_782 = arith.addi %mul3A_84, %add3A_781 : i32
        %get3A_783 = arith.index_cast %add3A_782 : i32 to index
        %get3A_784 = arith.constant 48 : index
        %get3A_785 = tpu.vector_load %arg6[%get3A_783, %get3A_784] {strides = array<i32>} : memref<512x128xf32, #tpu.memory_space<vmem>>, vector<1x16xf32>,
        %get3A_786 = vector.shape_cast %get3A_785 : vector<1x16xf32> to vector<16xf32>
        %add3A_787 = arith.addf %add3A_780, %get3A_786 : vector<16xf32>
        %add3A_788 = arith.constant 3 : i32
        %add3A_789 = arith.addi %mul3A_84, %add3A_788 : i32
        %get3A_790 = arith.index_cast %add3A_789 : i32 to index
        %get3A_791 = arith.constant 48 : index
        %get3A_792 = tpu.vector_load %arg6[%get3A_790, %get3A_791] {strides = array<i32>} : memref<512x128xf32, #tpu.memory_space<vmem>>, vector<1x16xf32>,
        %get3A_793 = vector.shape_cast %get3A_792 : vector<1x16xf32> to vector<16xf32>
        %add3A_794 = arith.addf %add3A_787, %get3A_793 : vector<16xf32>
        %add3A_795 = arith.constant 4 : i32
        %add3A_796 = arith.addi %mul3A_84, %add3A_795 : i32
        %get3A_797 = arith.index_cast %add3A_796 : i32 to index
        %get3A_798 = arith.constant 48 : index
        %get3A_799 = tpu.vector_load %arg6[%get3A_797, %get3A_798] {strides = array<i32>} : memref<512x128xf32, #tpu.memory_space<vmem>>, vector<1x16xf32>,
        %get3A_800 = vector.shape_cast %get3A_799 : vector<1x16xf32> to vector<16xf32>
        %add3A_801 = arith.addf %add3A_794, %get3A_800 : vector<16xf32>
        %add3A_802 = arith.constant 5 : i32
        %add3A_803 = arith.addi %mul3A_84, %add3A_802 : i32
        %get3A_804 = arith.index_cast %add3A_803 : i32 to index
        %get3A_805 = arith.constant 48 : index
        %get3A_806 = tpu.vector_load %arg6[%get3A_804, %get3A_805] {strides = array<i32>} : memref<512x128xf32, #tpu.memory_space<vmem>>, vector<1x16xf32>,
        %get3A_807 = vector.shape_cast %get3A_806 : vector<1x16xf32> to vector<16xf32>
        %add3A_808 = arith.addf %add3A_801, %get3A_807 : vector<16xf32>
        %add3A_809 = arith.constant 6 : i32
        %add3A_810 = arith.addi %mul3A_84, %add3A_809 : i32
        %get3A_811 = arith.index_cast %add3A_810 : i32 to index
        %get3A_812 = arith.constant 48 : index
        %get3A_813 = tpu.vector_load %arg6[%get3A_811, %get3A_812] {strides = array<i32>} : memref<512x128xf32, #tpu.memory_space<vmem>>, vector<1x16xf32>,
        %get3A_814 = vector.shape_cast %get3A_813 : vector<1x16xf32> to vector<16xf32>
        %add3A_815 = arith.addf %add3A_808, %get3A_814 : vector<16xf32>
        %add3A_816 = arith.constant 7 : i32
        %add3A_817 = arith.addi %mul3A_84, %add3A_816 : i32
        %get3A_818 = arith.index_cast %add3A_817 : i32 to index
        %get3A_819 = arith.constant 48 : index
        %get3A_820 = tpu.vector_load %arg6[%get3A_818, %get3A_819] {strides = array<i32>} : memref<512x128xf32, #tpu.memory_space<vmem>>, vector<1x16xf32>,
        %get3A_821 = vector.shape_cast %get3A_820 : vector<1x16xf32> to vector<16xf32>
        %add3A_822 = arith.addf %add3A_815, %get3A_821 : vector<16xf32>
        %add3A_823 = arith.constant 8 : i32
        %add3A_824 = arith.addi %mul3A_84, %add3A_823 : i32
        %get3A_825 = arith.index_cast %add3A_824 : i32 to index
        %get3A_826 = arith.constant 48 : index
        %get3A_827 = tpu.vector_load %arg6[%get3A_825, %get3A_826] {strides = array<i32>} : memref<512x128xf32, #tpu.memory_space<vmem>>, vector<1x16xf32>,
        %get3A_828 = vector.shape_cast %get3A_827 : vector<1x16xf32> to vector<16xf32>
        %add3A_829 = arith.addf %add3A_822, %get3A_828 : vector<16xf32>
        %add3A_830 = arith.constant 9 : i32
        %add3A_831 = arith.addi %mul3A_84, %add3A_830 : i32
        %get3A_832 = arith.index_cast %add3A_831 : i32 to index
        %get3A_833 = arith.constant 48 : index
        %get3A_834 = tpu.vector_load %arg6[%get3A_832, %get3A_833] {strides = array<i32>} : memref<512x128xf32, #tpu.memory_space<vmem>>, vector<1x16xf32>,
        %get3A_835 = vector.shape_cast %get3A_834 : vector<1x16xf32> to vector<16xf32>
        %add3A_836 = arith.addf %add3A_829, %get3A_835 : vector<16xf32>
        %add3A_837 = arith.constant 10 : i32
        %add3A_838 = arith.addi %mul3A_84, %add3A_837 : i32
        %get3A_839 = arith.index_cast %add3A_838 : i32 to index
        %get3A_840 = arith.constant 48 : index
        %get3A_841 = tpu.vector_load %arg6[%get3A_839, %get3A_840] {strides = array<i32>} : memref<512x128xf32, #tpu.memory_space<vmem>>, vector<1x16xf32>,
        %get3A_842 = vector.shape_cast %get3A_841 : vector<1x16xf32> to vector<16xf32>
        %add3A_843 = arith.addf %add3A_836, %get3A_842 : vector<16xf32>
        %add3A_844 = arith.constant 11 : i32
        %add3A_845 = arith.addi %mul3A_84, %add3A_844 : i32
        %get3A_846 = arith.index_cast %add3A_845 : i32 to index
        %get3A_847 = arith.constant 48 : index
        %get3A_848 = tpu.vector_load %arg6[%get3A_846, %get3A_847] {strides = array<i32>} : memref<512x128xf32, #tpu.memory_space<vmem>>, vector<1x16xf32>,
        %get3A_849 = vector.shape_cast %get3A_848 : vector<1x16xf32> to vector<16xf32>
        %add3A_850 = arith.addf %add3A_843, %get3A_849 : vector<16xf32>
        %add3A_851 = arith.constant 12 : i32
        %add3A_852 = arith.addi %mul3A_84, %add3A_851 : i32
        %get3A_853 = arith.index_cast %add3A_852 : i32 to index
        %get3A_854 = arith.constant 48 : index
        %get3A_855 = tpu.vector_load %arg6[%get3A_853, %get3A_854] {strides = array<i32>} : memref<512x128xf32, #tpu.memory_space<vmem>>, vector<1x16xf32>,
        %get3A_856 = vector.shape_cast %get3A_855 : vector<1x16xf32> to vector<16xf32>
        %add3A_857 = arith.addf %add3A_850, %get3A_856 : vector<16xf32>
        %add3A_858 = arith.constant 13 : i32
        %add3A_859 = arith.addi %mul3A_84, %add3A_858 : i32
        %get3A_860 = arith.index_cast %add3A_859 : i32 to index
        %get3A_861 = arith.constant 48 : index
        %get3A_862 = tpu.vector_load %arg6[%get3A_860, %get3A_861] {strides = array<i32>} : memref<512x128xf32, #tpu.memory_space<vmem>>, vector<1x16xf32>,
        %get3A_863 = vector.shape_cast %get3A_862 : vector<1x16xf32> to vector<16xf32>
        %add3A_864 = arith.addf %add3A_857, %get3A_863 : vector<16xf32>
        %add3A_865 = arith.constant 14 : i32
        %add3A_866 = arith.addi %mul3A_84, %add3A_865 : i32
        %get3A_867 = arith.index_cast %add3A_866 : i32 to index
        %get3A_868 = arith.constant 48 : index
        %get3A_869 = tpu.vector_load %arg6[%get3A_867, %get3A_868] {strides = array<i32>} : memref<512x128xf32, #tpu.memory_space<vmem>>, vector<1x16xf32>,
        %get3A_870 = vector.shape_cast %get3A_869 : vector<1x16xf32> to vector<16xf32>
        %add3A_871 = arith.addf %add3A_864, %get3A_870 : vector<16xf32>
        %add3A_872 = arith.constant 15 : i32
        %add3A_873 = arith.addi %mul3A_84, %add3A_872 : i32
        %get3A_874 = arith.index_cast %add3A_873 : i32 to index
        %get3A_875 = arith.constant 48 : index
        %get3A_876 = tpu.vector_load %arg6[%get3A_874, %get3A_875] {strides = array<i32>} : memref<512x128xf32, #tpu.memory_space<vmem>>, vector<1x16xf32>,
        %get3A_877 = vector.shape_cast %get3A_876 : vector<1x16xf32> to vector<16xf32>
        %add3A_878 = arith.addf %add3A_871, %get3A_877 : vector<16xf32>
        %add3A_879 = arith.constant 16 : i32
        %add3A_880 = arith.addi %mul3A_84, %add3A_879 : i32
        %get3A_881 = arith.index_cast %add3A_880 : i32 to index
        %get3A_882 = arith.constant 48 : index
        %get3A_883 = tpu.vector_load %arg6[%get3A_881, %get3A_882] {strides = array<i32>} : memref<512x128xf32, #tpu.memory_space<vmem>>, vector<1x16xf32>,
        %get3A_884 = vector.shape_cast %get3A_883 : vector<1x16xf32> to vector<16xf32>
        %add3A_885 = arith.addf %add3A_878, %get3A_884 : vector<16xf32>
        %add3A_886 = arith.constant 17 : i32
        %add3A_887 = arith.addi %mul3A_84, %add3A_886 : i32
        %get3A_888 = arith.index_cast %add3A_887 : i32 to index
        %get3A_889 = arith.constant 48 : index
        %get3A_890 = tpu.vector_load %arg6[%get3A_888, %get3A_889] {strides = array<i32>} : memref<512x128xf32, #tpu.memory_space<vmem>>, vector<1x16xf32>,
        %get3A_891 = vector.shape_cast %get3A_890 : vector<1x16xf32> to vector<16xf32>
        %add3A_892 = arith.addf %add3A_885, %get3A_891 : vector<16xf32>
        %add3A_893 = arith.constant 18 : i32
        %add3A_894 = arith.addi %mul3A_84, %add3A_893 : i32
        %get3A_895 = arith.index_cast %add3A_894 : i32 to index
        %get3A_896 = arith.constant 48 : index
        %get3A_897 = tpu.vector_load %arg6[%get3A_895, %get3A_896] {strides = array<i32>} : memref<512x128xf32, #tpu.memory_space<vmem>>, vector<1x16xf32>,
        %get3A_898 = vector.shape_cast %get3A_897 : vector<1x16xf32> to vector<16xf32>
        %add3A_899 = arith.addf %add3A_892, %get3A_898 : vector<16xf32>
        %add3A_900 = arith.constant 19 : i32
        %add3A_901 = arith.addi %mul3A_84, %add3A_900 : i32
        %get3A_902 = arith.index_cast %add3A_901 : i32 to index
        %get3A_903 = arith.constant 48 : index
        %get3A_904 = tpu.vector_load %arg6[%get3A_902, %get3A_903] {strides = array<i32>} : memref<512x128xf32, #tpu.memory_space<vmem>>, vector<1x16xf32>,
        %get3A_905 = vector.shape_cast %get3A_904 : vector<1x16xf32> to vector<16xf32>
        %add3A_906 = arith.addf %add3A_899, %get3A_905 : vector<16xf32>
        %add3A_907 = arith.constant 20 : i32
        %add3A_908 = arith.addi %mul3A_84, %add3A_907 : i32
        %get3A_909 = arith.index_cast %add3A_908 : i32 to index
        %get3A_910 = arith.constant 48 : index
        %get3A_911 = tpu.vector_load %arg6[%get3A_909, %get3A_910] {strides = array<i32>} : memref<512x128xf32, #tpu.memory_space<vmem>>, vector<1x16xf32>,
        %get3A_912 = vector.shape_cast %get3A_911 : vector<1x16xf32> to vector<16xf32>
        %add3A_913 = arith.addf %add3A_906, %get3A_912 : vector<16xf32>
        %add3A_914 = arith.constant 21 : i32
        %add3A_915 = arith.addi %mul3A_84, %add3A_914 : i32
        %get3A_916 = arith.index_cast %add3A_915 : i32 to index
        %get3A_917 = arith.constant 48 : index
        %get3A_918 = tpu.vector_load %arg6[%get3A_916, %get3A_917] {strides = array<i32>} : memref<512x128xf32, #tpu.memory_space<vmem>>, vector<1x16xf32>,
        %get3A_919 = vector.shape_cast %get3A_918 : vector<1x16xf32> to vector<16xf32>
        %add3A_920 = arith.addf %add3A_913, %get3A_919 : vector<16xf32>
        %add3A_921 = arith.constant 22 : i32
        %add3A_922 = arith.addi %mul3A_84, %add3A_921 : i32
        %get3A_923 = arith.index_cast %add3A_922 : i32 to index
        %get3A_924 = arith.constant 48 : index
        %get3A_925 = tpu.vector_load %arg6[%get3A_923, %get3A_924] {strides = array<i32>} : memref<512x128xf32, #tpu.memory_space<vmem>>, vector<1x16xf32>,
        %get3A_926 = vector.shape_cast %get3A_925 : vector<1x16xf32> to vector<16xf32>
        %add3A_927 = arith.addf %add3A_920, %get3A_926 : vector<16xf32>
        %add3A_928 = arith.constant 23 : i32
        %add3A_929 = arith.addi %mul3A_84, %add3A_928 : i32
        %get3A_930 = arith.index_cast %add3A_929 : i32 to index
        %get3A_931 = arith.constant 48 : index
        %get3A_932 = tpu.vector_load %arg6[%get3A_930, %get3A_931] {strides = array<i32>} : memref<512x128xf32, #tpu.memory_space<vmem>>, vector<1x16xf32>,
        %get3A_933 = vector.shape_cast %get3A_932 : vector<1x16xf32> to vector<16xf32>
        %add3A_934 = arith.addf %add3A_927, %get3A_933 : vector<16xf32>
        %add3A_935 = arith.constant 24 : i32
        %add3A_936 = arith.addi %mul3A_84, %add3A_935 : i32
        %get3A_937 = arith.index_cast %add3A_936 : i32 to index
        %get3A_938 = arith.constant 48 : index
        %get3A_939 = tpu.vector_load %arg6[%get3A_937, %get3A_938] {strides = array<i32>} : memref<512x128xf32, #tpu.memory_space<vmem>>, vector<1x16xf32>,
        %get3A_940 = vector.shape_cast %get3A_939 : vector<1x16xf32> to vector<16xf32>
        %add3A_941 = arith.addf %add3A_934, %get3A_940 : vector<16xf32>
        %add3A_942 = arith.constant 25 : i32
        %add3A_943 = arith.addi %mul3A_84, %add3A_942 : i32
        %get3A_944 = arith.index_cast %add3A_943 : i32 to index
        %get3A_945 = arith.constant 48 : index
        %get3A_946 = tpu.vector_load %arg6[%get3A_944, %get3A_945] {strides = array<i32>} : memref<512x128xf32, #tpu.memory_space<vmem>>, vector<1x16xf32>,
        %get3A_947 = vector.shape_cast %get3A_946 : vector<1x16xf32> to vector<16xf32>
        %add3A_948 = arith.addf %add3A_941, %get3A_947 : vector<16xf32>
        %add3A_949 = arith.constant 26 : i32
        %add3A_950 = arith.addi %mul3A_84, %add3A_949 : i32
        %get3A_951 = arith.index_cast %add3A_950 : i32 to index
        %get3A_952 = arith.constant 48 : index
        %get3A_953 = tpu.vector_load %arg6[%get3A_951, %get3A_952] {strides = array<i32>} : memref<512x128xf32, #tpu.memory_space<vmem>>, vector<1x16xf32>,
        %get3A_954 = vector.shape_cast %get3A_953 : vector<1x16xf32> to vector<16xf32>
        %add3A_955 = arith.addf %add3A_948, %get3A_954 : vector<16xf32>
        %add3A_956 = arith.constant 27 : i32
        %add3A_957 = arith.addi %mul3A_84, %add3A_956 : i32
        %get3A_958 = arith.index_cast %add3A_957 : i32 to index
        %get3A_959 = arith.constant 48 : index
        %get3A_960 = tpu.vector_load %arg6[%get3A_958, %get3A_959] {strides = array<i32>} : memref<512x128xf32, #tpu.memory_space<vmem>>, vector<1x16xf32>,
        %get3A_961 = vector.shape_cast %get3A_960 : vector<1x16xf32> to vector<16xf32>
        %add3A_962 = arith.addf %add3A_955, %get3A_961 : vector<16xf32>
        %add3A_963 = arith.constant 28 : i32
        %add3A_964 = arith.addi %mul3A_84, %add3A_963 : i32
        %get3A_965 = arith.index_cast %add3A_964 : i32 to index
        %get3A_966 = arith.constant 48 : index
        %get3A_967 = tpu.vector_load %arg6[%get3A_965, %get3A_966] {strides = array<i32>} : memref<512x128xf32, #tpu.memory_space<vmem>>, vector<1x16xf32>,
        %get3A_968 = vector.shape_cast %get3A_967 : vector<1x16xf32> to vector<16xf32>
        %add3A_969 = arith.addf %add3A_962, %get3A_968 : vector<16xf32>
        %add3A_970 = arith.constant 29 : i32
        %add3A_971 = arith.addi %mul3A_84, %add3A_970 : i32
        %get3A_972 = arith.index_cast %add3A_971 : i32 to index
        %get3A_973 = arith.constant 48 : index
        %get3A_974 = tpu.vector_load %arg6[%get3A_972, %get3A_973] {strides = array<i32>} : memref<512x128xf32, #tpu.memory_space<vmem>>, vector<1x16xf32>,
        %get3A_975 = vector.shape_cast %get3A_974 : vector<1x16xf32> to vector<16xf32>
        %add3A_976 = arith.addf %add3A_969, %get3A_975 : vector<16xf32>
        %add3A_977 = arith.constant 30 : i32
        %add3A_978 = arith.addi %mul3A_84, %add3A_977 : i32
        %get3A_979 = arith.index_cast %add3A_978 : i32 to index
        %get3A_980 = arith.constant 48 : index
        %get3A_981 = tpu.vector_load %arg6[%get3A_979, %get3A_980] {strides = array<i32>} : memref<512x128xf32, #tpu.memory_space<vmem>>, vector<1x16xf32>,
        %get3A_982 = vector.shape_cast %get3A_981 : vector<1x16xf32> to vector<16xf32>
        %add3A_983 = arith.addf %add3A_976, %get3A_982 : vector<16xf32>
        %add3A_984 = arith.constant 31 : i32
        %add3A_985 = arith.addi %mul3A_84, %add3A_984 : i32
        %get3A_986 = arith.index_cast %add3A_985 : i32 to index
        %get3A_987 = arith.constant 48 : index
        %get3A_988 = tpu.vector_load %arg6[%get3A_986, %get3A_987] {strides = array<i32>} : memref<512x128xf32, #tpu.memory_space<vmem>>, vector<1x16xf32>,
        %get3A_989 = vector.shape_cast %get3A_988 : vector<1x16xf32> to vector<16xf32>
        %add3A_990 = arith.addf %add3A_983, %get3A_989 : vector<16xf32>
        %mul3A_991 = arith.constant 3.125000e-02 : f32
        %mul3A_992 = vector.broadcast %mul3A_991 : f32 to vector<16xf32>
        %mul3A_993 = arith.mulf %add3A_990, %mul3A_992 : vector<16xf32>
        %swap3A_994 = arith.index_cast %scan3A_82 : i32 to index
        %swap3A_995 = arith.constant 48 : index
        %swap3A_996 = tpu.vector_load %arg7[%swap3A_994, %swap3A_995] {strides = array<i32>} : memref<16x128xf32, #tpu.memory_space<vmem>>, vector<1x16xf32>,
        %swap3A_997 = vector.shape_cast %swap3A_996 : vector<1x16xf32> to vector<16xf32>
        %swap3A_998 = vector.shape_cast %mul3A_993 : vector<16xf32> to vector<1x16xf32>
        tpu.vector_store %arg7[%swap3A_994, %swap3A_995], %swap3A_998 {strides = array<i32>} : memref<16x128xf32, #tpu.memory_space<vmem>>, vector<1x16xf32>,
        %get3A_999 = arith.index_cast %mul3A_84 : i32 to index
        %get3A_1000 = arith.constant 64 : index
        %get3A_1001 = tpu.vector_load %arg6[%get3A_999, %get3A_1000] {strides = array<i32>} : memref<512x128xf32, #tpu.memory_space<vmem>>, vector<1x16xf32>,
        %get3A_1002 = vector.shape_cast %get3A_1001 : vector<1x16xf32> to vector<16xf32>
        %add3A_1003 = arith.constant 1 : i32
        %add3A_1004 = arith.addi %mul3A_84, %add3A_1003 : i32
        %get3A_1005 = arith.index_cast %add3A_1004 : i32 to index
        %get3A_1006 = arith.constant 64 : index
        %get3A_1007 = tpu.vector_load %arg6[%get3A_1005, %get3A_1006] {strides = array<i32>} : memref<512x128xf32, #tpu.memory_space<vmem>>, vector<1x16xf32>,
        %get3A_1008 = vector.shape_cast %get3A_1007 : vector<1x16xf32> to vector<16xf32>
        %add3A_1009 = arith.addf %get3A_1002, %get3A_1008 : vector<16xf32>
        %add3A_1010 = arith.constant 2 : i32
        %add3A_1011 = arith.addi %mul3A_84, %add3A_1010 : i32
        %get3A_1012 = arith.index_cast %add3A_1011 : i32 to index
        %get3A_1013 = arith.constant 64 : index
        %get3A_1014 = tpu.vector_load %arg6[%get3A_1012, %get3A_1013] {strides = array<i32>} : memref<512x128xf32, #tpu.memory_space<vmem>>, vector<1x16xf32>,
        %get3A_1015 = vector.shape_cast %get3A_1014 : vector<1x16xf32> to vector<16xf32>
        %add3A_1016 = arith.addf %add3A_1009, %get3A_1015 : vector<16xf32>
        %add3A_1017 = arith.constant 3 : i32
        %add3A_1018 = arith.addi %mul3A_84, %add3A_1017 : i32
        %get3A_1019 = arith.index_cast %add3A_1018 : i32 to index
        %get3A_1020 = arith.constant 64 : index
        %get3A_1021 = tpu.vector_load %arg6[%get3A_1019, %get3A_1020] {strides = array<i32>} : memref<512x128xf32, #tpu.memory_space<vmem>>, vector<1x16xf32>,
        %get3A_1022 = vector.shape_cast %get3A_1021 : vector<1x16xf32> to vector<16xf32>
        %add3A_1023 = arith.addf %add3A_1016, %get3A_1022 : vector<16xf32>
        %add3A_1024 = arith.constant 4 : i32
        %add3A_1025 = arith.addi %mul3A_84, %add3A_1024 : i32
        %get3A_1026 = arith.index_cast %add3A_1025 : i32 to index
        %get3A_1027 = arith.constant 64 : index
        %get3A_1028 = tpu.vector_load %arg6[%get3A_1026, %get3A_1027] {strides = array<i32>} : memref<512x128xf32, #tpu.memory_space<vmem>>, vector<1x16xf32>,
        %get3A_1029 = vector.shape_cast %get3A_1028 : vector<1x16xf32> to vector<16xf32>
        %add3A_1030 = arith.addf %add3A_1023, %get3A_1029 : vector<16xf32>
        %add3A_1031 = arith.constant 5 : i32
        %add3A_1032 = arith.addi %mul3A_84, %add3A_1031 : i32
        %get3A_1033 = arith.index_cast %add3A_1032 : i32 to index
        %get3A_1034 = arith.constant 64 : index
        %get3A_1035 = tpu.vector_load %arg6[%get3A_1033, %get3A_1034] {strides = array<i32>} : memref<512x128xf32, #tpu.memory_space<vmem>>, vector<1x16xf32>,
        %get3A_1036 = vector.shape_cast %get3A_1035 : vector<1x16xf32> to vector<16xf32>
        %add3A_1037 = arith.addf %add3A_1030, %get3A_1036 : vector<16xf32>
        %add3A_1038 = arith.constant 6 : i32
        %add3A_1039 = arith.addi %mul3A_84, %add3A_1038 : i32
        %get3A_1040 = arith.index_cast %add3A_1039 : i32 to index
        %get3A_1041 = arith.constant 64 : index
        %get3A_1042 = tpu.vector_load %arg6[%get3A_1040, %get3A_1041] {strides = array<i32>} : memref<512x128xf32, #tpu.memory_space<vmem>>, vector<1x16xf32>,
        %get3A_1043 = vector.shape_cast %get3A_1042 : vector<1x16xf32> to vector<16xf32>
        %add3A_1044 = arith.addf %add3A_1037, %get3A_1043 : vector<16xf32>
        %add3A_1045 = arith.constant 7 : i32
        %add3A_1046 = arith.addi %mul3A_84, %add3A_1045 : i32
        %get3A_1047 = arith.index_cast %add3A_1046 : i32 to index
        %get3A_1048 = arith.constant 64 : index
        %get3A_1049 = tpu.vector_load %arg6[%get3A_1047, %get3A_1048] {strides = array<i32>} : memref<512x128xf32, #tpu.memory_space<vmem>>, vector<1x16xf32>,
        %get3A_1050 = vector.shape_cast %get3A_1049 : vector<1x16xf32> to vector<16xf32>
        %add3A_1051 = arith.addf %add3A_1044, %get3A_1050 : vector<16xf32>
        %add3A_1052 = arith.constant 8 : i32
        %add3A_1053 = arith.addi %mul3A_84, %add3A_1052 : i32
        %get3A_1054 = arith.index_cast %add3A_1053 : i32 to index
        %get3A_1055 = arith.constant 64 : index
        %get3A_1056 = tpu.vector_load %arg6[%get3A_1054, %get3A_1055] {strides = array<i32>} : memref<512x128xf32, #tpu.memory_space<vmem>>, vector<1x16xf32>,
        %get3A_1057 = vector.shape_cast %get3A_1056 : vector<1x16xf32> to vector<16xf32>
        %add3A_1058 = arith.addf %add3A_1051, %get3A_1057 : vector<16xf32>
        %add3A_1059 = arith.constant 9 : i32
        %add3A_1060 = arith.addi %mul3A_84, %add3A_1059 : i32
        %get3A_1061 = arith.index_cast %add3A_1060 : i32 to index
        %get3A_1062 = arith.constant 64 : index
        %get3A_1063 = tpu.vector_load %arg6[%get3A_1061, %get3A_1062] {strides = array<i32>} : memref<512x128xf32, #tpu.memory_space<vmem>>, vector<1x16xf32>,
        %get3A_1064 = vector.shape_cast %get3A_1063 : vector<1x16xf32> to vector<16xf32>
        %add3A_1065 = arith.addf %add3A_1058, %get3A_1064 : vector<16xf32>
        %add3A_1066 = arith.constant 10 : i32
        %add3A_1067 = arith.addi %mul3A_84, %add3A_1066 : i32
        %get3A_1068 = arith.index_cast %add3A_1067 : i32 to index
        %get3A_1069 = arith.constant 64 : index
        %get3A_1070 = tpu.vector_load %arg6[%get3A_1068, %get3A_1069] {strides = array<i32>} : memref<512x128xf32, #tpu.memory_space<vmem>>, vector<1x16xf32>,
        %get3A_1071 = vector.shape_cast %get3A_1070 : vector<1x16xf32> to vector<16xf32>
        %add3A_1072 = arith.addf %add3A_1065, %get3A_1071 : vector<16xf32>
        %add3A_1073 = arith.constant 11 : i32
        %add3A_1074 = arith.addi %mul3A_84, %add3A_1073 : i32
        %get3A_1075 = arith.index_cast %add3A_1074 : i32 to index
        %get3A_1076 = arith.constant 64 : index
        %get3A_1077 = tpu.vector_load %arg6[%get3A_1075, %get3A_1076] {strides = array<i32>} : memref<512x128xf32, #tpu.memory_space<vmem>>, vector<1x16xf32>,
        %get3A_1078 = vector.shape_cast %get3A_1077 : vector<1x16xf32> to vector<16xf32>
        %add3A_1079 = arith.addf %add3A_1072, %get3A_1078 : vector<16xf32>
        %add3A_1080 = arith.constant 12 : i32
        %add3A_1081 = arith.addi %mul3A_84, %add3A_1080 : i32
        %get3A_1082 = arith.index_cast %add3A_1081 : i32 to index
        %get3A_1083 = arith.constant 64 : index
        %get3A_1084 = tpu.vector_load %arg6[%get3A_1082, %get3A_1083] {strides = array<i32>} : memref<512x128xf32, #tpu.memory_space<vmem>>, vector<1x16xf32>,
        %get3A_1085 = vector.shape_cast %get3A_1084 : vector<1x16xf32> to vector<16xf32>
        %add3A_1086 = arith.addf %add3A_1079, %get3A_1085 : vector<16xf32>
        %add3A_1087 = arith.constant 13 : i32
        %add3A_1088 = arith.addi %mul3A_84, %add3A_1087 : i32
        %get3A_1089 = arith.index_cast %add3A_1088 : i32 to index
        %get3A_1090 = arith.constant 64 : index
        %get3A_1091 = tpu.vector_load %arg6[%get3A_1089, %get3A_1090] {strides = array<i32>} : memref<512x128xf32, #tpu.memory_space<vmem>>, vector<1x16xf32>,
        %get3A_1092 = vector.shape_cast %get3A_1091 : vector<1x16xf32> to vector<16xf32>
        %add3A_1093 = arith.addf %add3A_1086, %get3A_1092 : vector<16xf32>
        %add3A_1094 = arith.constant 14 : i32
        %add3A_1095 = arith.addi %mul3A_84, %add3A_1094 : i32
        %get3A_1096 = arith.index_cast %add3A_1095 : i32 to index
        %get3A_1097 = arith.constant 64 : index
        %get3A_1098 = tpu.vector_load %arg6[%get3A_1096, %get3A_1097] {strides = array<i32>} : memref<512x128xf32, #tpu.memory_space<vmem>>, vector<1x16xf32>,
        %get3A_1099 = vector.shape_cast %get3A_1098 : vector<1x16xf32> to vector<16xf32>
        %add3A_1100 = arith.addf %add3A_1093, %get3A_1099 : vector<16xf32>
        %add3A_1101 = arith.constant 15 : i32
        %add3A_1102 = arith.addi %mul3A_84, %add3A_1101 : i32
        %get3A_1103 = arith.index_cast %add3A_1102 : i32 to index
        %get3A_1104 = arith.constant 64 : index
        %get3A_1105 = tpu.vector_load %arg6[%get3A_1103, %get3A_1104] {strides = array<i32>} : memref<512x128xf32, #tpu.memory_space<vmem>>, vector<1x16xf32>,
        %get3A_1106 = vector.shape_cast %get3A_1105 : vector<1x16xf32> to vector<16xf32>
        %add3A_1107 = arith.addf %add3A_1100, %get3A_1106 : vector<16xf32>
        %add3A_1108 = arith.constant 16 : i32
        %add3A_1109 = arith.addi %mul3A_84, %add3A_1108 : i32
        %get3A_1110 = arith.index_cast %add3A_1109 : i32 to index
        %get3A_1111 = arith.constant 64 : index
        %get3A_1112 = tpu.vector_load %arg6[%get3A_1110, %get3A_1111] {strides = array<i32>} : memref<512x128xf32, #tpu.memory_space<vmem>>, vector<1x16xf32>,
        %get3A_1113 = vector.shape_cast %get3A_1112 : vector<1x16xf32> to vector<16xf32>
        %add3A_1114 = arith.addf %add3A_1107, %get3A_1113 : vector<16xf32>
        %add3A_1115 = arith.constant 17 : i32
        %add3A_1116 = arith.addi %mul3A_84, %add3A_1115 : i32
        %get3A_1117 = arith.index_cast %add3A_1116 : i32 to index
        %get3A_1118 = arith.constant 64 : index
        %get3A_1119 = tpu.vector_load %arg6[%get3A_1117, %get3A_1118] {strides = array<i32>} : memref<512x128xf32, #tpu.memory_space<vmem>>, vector<1x16xf32>,
        %get3A_1120 = vector.shape_cast %get3A_1119 : vector<1x16xf32> to vector<16xf32>
        %add3A_1121 = arith.addf %add3A_1114, %get3A_1120 : vector<16xf32>
        %add3A_1122 = arith.constant 18 : i32
        %add3A_1123 = arith.addi %mul3A_84, %add3A_1122 : i32
        %get3A_1124 = arith.index_cast %add3A_1123 : i32 to index
        %get3A_1125 = arith.constant 64 : index
        %get3A_1126 = tpu.vector_load %arg6[%get3A_1124, %get3A_1125] {strides = array<i32>} : memref<512x128xf32, #tpu.memory_space<vmem>>, vector<1x16xf32>,
        %get3A_1127 = vector.shape_cast %get3A_1126 : vector<1x16xf32> to vector<16xf32>
        %add3A_1128 = arith.addf %add3A_1121, %get3A_1127 : vector<16xf32>
        %add3A_1129 = arith.constant 19 : i32
        %add3A_1130 = arith.addi %mul3A_84, %add3A_1129 : i32
        %get3A_1131 = arith.index_cast %add3A_1130 : i32 to index
        %get3A_1132 = arith.constant 64 : index
        %get3A_1133 = tpu.vector_load %arg6[%get3A_1131, %get3A_1132] {strides = array<i32>} : memref<512x128xf32, #tpu.memory_space<vmem>>, vector<1x16xf32>,
        %get3A_1134 = vector.shape_cast %get3A_1133 : vector<1x16xf32> to vector<16xf32>
        %add3A_1135 = arith.addf %add3A_1128, %get3A_1134 : vector<16xf32>
        %add3A_1136 = arith.constant 20 : i32
        %add3A_1137 = arith.addi %mul3A_84, %add3A_1136 : i32
        %get3A_1138 = arith.index_cast %add3A_1137 : i32 to index
        %get3A_1139 = arith.constant 64 : index
        %get3A_1140 = tpu.vector_load %arg6[%get3A_1138, %get3A_1139] {strides = array<i32>} : memref<512x128xf32, #tpu.memory_space<vmem>>, vector<1x16xf32>,
        %get3A_1141 = vector.shape_cast %get3A_1140 : vector<1x16xf32> to vector<16xf32>
        %add3A_1142 = arith.addf %add3A_1135, %get3A_1141 : vector<16xf32>
        %add3A_1143 = arith.constant 21 : i32
        %add3A_1144 = arith.addi %mul3A_84, %add3A_1143 : i32
        %get3A_1145 = arith.index_cast %add3A_1144 : i32 to index
        %get3A_1146 = arith.constant 64 : index
        %get3A_1147 = tpu.vector_load %arg6[%get3A_1145, %get3A_1146] {strides = array<i32>} : memref<512x128xf32, #tpu.memory_space<vmem>>, vector<1x16xf32>,
        %get3A_1148 = vector.shape_cast %get3A_1147 : vector<1x16xf32> to vector<16xf32>
        %add3A_1149 = arith.addf %add3A_1142, %get3A_1148 : vector<16xf32>
        %add3A_1150 = arith.constant 22 : i32
        %add3A_1151 = arith.addi %mul3A_84, %add3A_1150 : i32
        %get3A_1152 = arith.index_cast %add3A_1151 : i32 to index
        %get3A_1153 = arith.constant 64 : index
        %get3A_1154 = tpu.vector_load %arg6[%get3A_1152, %get3A_1153] {strides = array<i32>} : memref<512x128xf32, #tpu.memory_space<vmem>>, vector<1x16xf32>,
        %get3A_1155 = vector.shape_cast %get3A_1154 : vector<1x16xf32> to vector<16xf32>
        %add3A_1156 = arith.addf %add3A_1149, %get3A_1155 : vector<16xf32>
        %add3A_1157 = arith.constant 23 : i32
        %add3A_1158 = arith.addi %mul3A_84, %add3A_1157 : i32
        %get3A_1159 = arith.index_cast %add3A_1158 : i32 to index
        %get3A_1160 = arith.constant 64 : index
        %get3A_1161 = tpu.vector_load %arg6[%get3A_1159, %get3A_1160] {strides = array<i32>} : memref<512x128xf32, #tpu.memory_space<vmem>>, vector<1x16xf32>,
        %get3A_1162 = vector.shape_cast %get3A_1161 : vector<1x16xf32> to vector<16xf32>
        %add3A_1163 = arith.addf %add3A_1156, %get3A_1162 : vector<16xf32>
        %add3A_1164 = arith.constant 24 : i32
        %add3A_1165 = arith.addi %mul3A_84, %add3A_1164 : i32
        %get3A_1166 = arith.index_cast %add3A_1165 : i32 to index
        %get3A_1167 = arith.constant 64 : index
        %get3A_1168 = tpu.vector_load %arg6[%get3A_1166, %get3A_1167] {strides = array<i32>} : memref<512x128xf32, #tpu.memory_space<vmem>>, vector<1x16xf32>,
        %get3A_1169 = vector.shape_cast %get3A_1168 : vector<1x16xf32> to vector<16xf32>
        %add3A_1170 = arith.addf %add3A_1163, %get3A_1169 : vector<16xf32>
        %add3A_1171 = arith.constant 25 : i32
        %add3A_1172 = arith.addi %mul3A_84, %add3A_1171 : i32
        %get3A_1173 = arith.index_cast %add3A_1172 : i32 to index
        %get3A_1174 = arith.constant 64 : index
        %get3A_1175 = tpu.vector_load %arg6[%get3A_1173, %get3A_1174] {strides = array<i32>} : memref<512x128xf32, #tpu.memory_space<vmem>>, vector<1x16xf32>,
        %get3A_1176 = vector.shape_cast %get3A_1175 : vector<1x16xf32> to vector<16xf32>
        %add3A_1177 = arith.addf %add3A_1170, %get3A_1176 : vector<16xf32>
        %add3A_1178 = arith.constant 26 : i32
        %add3A_1179 = arith.addi %mul3A_84, %add3A_1178 : i32
        %get3A_1180 = arith.index_cast %add3A_1179 : i32 to index
        %get3A_1181 = arith.constant 64 : index
        %get3A_1182 = tpu.vector_load %arg6[%get3A_1180, %get3A_1181] {strides = array<i32>} : memref<512x128xf32, #tpu.memory_space<vmem>>, vector<1x16xf32>,
        %get3A_1183 = vector.shape_cast %get3A_1182 : vector<1x16xf32> to vector<16xf32>
        %add3A_1184 = arith.addf %add3A_1177, %get3A_1183 : vector<16xf32>
        %add3A_1185 = arith.constant 27 : i32
        %add3A_1186 = arith.addi %mul3A_84, %add3A_1185 : i32
        %get3A_1187 = arith.index_cast %add3A_1186 : i32 to index
        %get3A_1188 = arith.constant 64 : index
        %get3A_1189 = tpu.vector_load %arg6[%get3A_1187, %get3A_1188] {strides = array<i32>} : memref<512x128xf32, #tpu.memory_space<vmem>>, vector<1x16xf32>,
        %get3A_1190 = vector.shape_cast %get3A_1189 : vector<1x16xf32> to vector<16xf32>
        %add3A_1191 = arith.addf %add3A_1184, %get3A_1190 : vector<16xf32>
        %add3A_1192 = arith.constant 28 : i32
        %add3A_1193 = arith.addi %mul3A_84, %add3A_1192 : i32
        %get3A_1194 = arith.index_cast %add3A_1193 : i32 to index
        %get3A_1195 = arith.constant 64 : index
        %get3A_1196 = tpu.vector_load %arg6[%get3A_1194, %get3A_1195] {strides = array<i32>} : memref<512x128xf32, #tpu.memory_space<vmem>>, vector<1x16xf32>,
        %get3A_1197 = vector.shape_cast %get3A_1196 : vector<1x16xf32> to vector<16xf32>
        %add3A_1198 = arith.addf %add3A_1191, %get3A_1197 : vector<16xf32>
        %add3A_1199 = arith.constant 29 : i32
        %add3A_1200 = arith.addi %mul3A_84, %add3A_1199 : i32
        %get3A_1201 = arith.index_cast %add3A_1200 : i32 to index
        %get3A_1202 = arith.constant 64 : index
        %get3A_1203 = tpu.vector_load %arg6[%get3A_1201, %get3A_1202] {strides = array<i32>} : memref<512x128xf32, #tpu.memory_space<vmem>>, vector<1x16xf32>,
        %get3A_1204 = vector.shape_cast %get3A_1203 : vector<1x16xf32> to vector<16xf32>
        %add3A_1205 = arith.addf %add3A_1198, %get3A_1204 : vector<16xf32>
        %add3A_1206 = arith.constant 30 : i32
        %add3A_1207 = arith.addi %mul3A_84, %add3A_1206 : i32
        %get3A_1208 = arith.index_cast %add3A_1207 : i32 to index
        %get3A_1209 = arith.constant 64 : index
        %get3A_1210 = tpu.vector_load %arg6[%get3A_1208, %get3A_1209] {strides = array<i32>} : memref<512x128xf32, #tpu.memory_space<vmem>>, vector<1x16xf32>,
        %get3A_1211 = vector.shape_cast %get3A_1210 : vector<1x16xf32> to vector<16xf32>
        %add3A_1212 = arith.addf %add3A_1205, %get3A_1211 : vector<16xf32>
        %add3A_1213 = arith.constant 31 : i32
        %add3A_1214 = arith.addi %mul3A_84, %add3A_1213 : i32
        %get3A_1215 = arith.index_cast %add3A_1214 : i32 to index
        %get3A_1216 = arith.constant 64 : index
        %get3A_1217 = tpu.vector_load %arg6[%get3A_1215, %get3A_1216] {strides = array<i32>} : memref<512x128xf32, #tpu.memory_space<vmem>>, vector<1x16xf32>,
        %get3A_1218 = vector.shape_cast %get3A_1217 : vector<1x16xf32> to vector<16xf32>
        %add3A_1219 = arith.addf %add3A_1212, %get3A_1218 : vector<16xf32>
        %mul3A_1220 = arith.constant 3.125000e-02 : f32
        %mul3A_1221 = vector.broadcast %mul3A_1220 : f32 to vector<16xf32>
        %mul3A_1222 = arith.mulf %add3A_1219, %mul3A_1221 : vector<16xf32>
        %swap3A_1223 = arith.index_cast %scan3A_82 : i32 to index
        %swap3A_1224 = arith.constant 64 : index
        %swap3A_1225 = tpu.vector_load %arg7[%swap3A_1223, %swap3A_1224] {strides = array<i32>} : memref<16x128xf32, #tpu.memory_space<vmem>>, vector<1x16xf32>,
        %swap3A_1226 = vector.shape_cast %swap3A_1225 : vector<1x16xf32> to vector<16xf32>
        %swap3A_1227 = vector.shape_cast %mul3A_1222 : vector<16xf32> to vector<1x16xf32>
        tpu.vector_store %arg7[%swap3A_1223, %swap3A_1224], %swap3A_1227 {strides = array<i32>} : memref<16x128xf32, #tpu.memory_space<vmem>>, vector<1x16xf32>,
        %get3A_1228 = arith.index_cast %mul3A_84 : i32 to index
        %get3A_1229 = arith.constant 80 : index
        %get3A_1230 = tpu.vector_load %arg6[%get3A_1228, %get3A_1229] {strides = array<i32>} : memref<512x128xf32, #tpu.memory_space<vmem>>, vector<1x16xf32>,
        %get3A_1231 = vector.shape_cast %get3A_1230 : vector<1x16xf32> to vector<16xf32>
        %add3A_1232 = arith.constant 1 : i32
        %add3A_1233 = arith.addi %mul3A_84, %add3A_1232 : i32
        %get3A_1234 = arith.index_cast %add3A_1233 : i32 to index
        %get3A_1235 = arith.constant 80 : index
        %get3A_1236 = tpu.vector_load %arg6[%get3A_1234, %get3A_1235] {strides = array<i32>} : memref<512x128xf32, #tpu.memory_space<vmem>>, vector<1x16xf32>,
        %get3A_1237 = vector.shape_cast %get3A_1236 : vector<1x16xf32> to vector<16xf32>
        %add3A_1238 = arith.addf %get3A_1231, %get3A_1237 : vector<16xf32>
        %add3A_1239 = arith.constant 2 : i32
        %add3A_1240 = arith.addi %mul3A_84, %add3A_1239 : i32
        %get3A_1241 = arith.index_cast %add3A_1240 : i32 to index
        %get3A_1242 = arith.constant 80 : index
        %get3A_1243 = tpu.vector_load %arg6[%get3A_1241, %get3A_1242] {strides = array<i32>} : memref<512x128xf32, #tpu.memory_space<vmem>>, vector<1x16xf32>,
        %get3A_1244 = vector.shape_cast %get3A_1243 : vector<1x16xf32> to vector<16xf32>
        %add3A_1245 = arith.addf %add3A_1238, %get3A_1244 : vector<16xf32>
        %add3A_1246 = arith.constant 3 : i32
        %add3A_1247 = arith.addi %mul3A_84, %add3A_1246 : i32
        %get3A_1248 = arith.index_cast %add3A_1247 : i32 to index
        %get3A_1249 = arith.constant 80 : index
        %get3A_1250 = tpu.vector_load %arg6[%get3A_1248, %get3A_1249] {strides = array<i32>} : memref<512x128xf32, #tpu.memory_space<vmem>>, vector<1x16xf32>,
        %get3A_1251 = vector.shape_cast %get3A_1250 : vector<1x16xf32> to vector<16xf32>
        %add3A_1252 = arith.addf %add3A_1245, %get3A_1251 : vector<16xf32>
        %add3A_1253 = arith.constant 4 : i32
        %add3A_1254 = arith.addi %mul3A_84, %add3A_1253 : i32
        %get3A_1255 = arith.index_cast %add3A_1254 : i32 to index
        %get3A_1256 = arith.constant 80 : index
        %get3A_1257 = tpu.vector_load %arg6[%get3A_1255, %get3A_1256] {strides = array<i32>} : memref<512x128xf32, #tpu.memory_space<vmem>>, vector<1x16xf32>,
        %get3A_1258 = vector.shape_cast %get3A_1257 : vector<1x16xf32> to vector<16xf32>
        %add3A_1259 = arith.addf %add3A_1252, %get3A_1258 : vector<16xf32>
        %add3A_1260 = arith.constant 5 : i32
        %add3A_1261 = arith.addi %mul3A_84, %add3A_1260 : i32
        %get3A_1262 = arith.index_cast %add3A_1261 : i32 to index
        %get3A_1263 = arith.constant 80 : index
        %get3A_1264 = tpu.vector_load %arg6[%get3A_1262, %get3A_1263] {strides = array<i32>} : memref<512x128xf32, #tpu.memory_space<vmem>>, vector<1x16xf32>,
        %get3A_1265 = vector.shape_cast %get3A_1264 : vector<1x16xf32> to vector<16xf32>
        %add3A_1266 = arith.addf %add3A_1259, %get3A_1265 : vector<16xf32>
        %add3A_1267 = arith.constant 6 : i32
        %add3A_1268 = arith.addi %mul3A_84, %add3A_1267 : i32
        %get3A_1269 = arith.index_cast %add3A_1268 : i32 to index
        %get3A_1270 = arith.constant 80 : index
        %get3A_1271 = tpu.vector_load %arg6[%get3A_1269, %get3A_1270] {strides = array<i32>} : memref<512x128xf32, #tpu.memory_space<vmem>>, vector<1x16xf32>,
        %get3A_1272 = vector.shape_cast %get3A_1271 : vector<1x16xf32> to vector<16xf32>
        %add3A_1273 = arith.addf %add3A_1266, %get3A_1272 : vector<16xf32>
        %add3A_1274 = arith.constant 7 : i32
        %add3A_1275 = arith.addi %mul3A_84, %add3A_1274 : i32
        %get3A_1276 = arith.index_cast %add3A_1275 : i32 to index
        %get3A_1277 = arith.constant 80 : index
        %get3A_1278 = tpu.vector_load %arg6[%get3A_1276, %get3A_1277] {strides = array<i32>} : memref<512x128xf32, #tpu.memory_space<vmem>>, vector<1x16xf32>,
        %get3A_1279 = vector.shape_cast %get3A_1278 : vector<1x16xf32> to vector<16xf32>
        %add3A_1280 = arith.addf %add3A_1273, %get3A_1279 : vector<16xf32>
        %add3A_1281 = arith.constant 8 : i32
        %add3A_1282 = arith.addi %mul3A_84, %add3A_1281 : i32
        %get3A_1283 = arith.index_cast %add3A_1282 : i32 to index
        %get3A_1284 = arith.constant 80 : index
        %get3A_1285 = tpu.vector_load %arg6[%get3A_1283, %get3A_1284] {strides = array<i32>} : memref<512x128xf32, #tpu.memory_space<vmem>>, vector<1x16xf32>,
        %get3A_1286 = vector.shape_cast %get3A_1285 : vector<1x16xf32> to vector<16xf32>
        %add3A_1287 = arith.addf %add3A_1280, %get3A_1286 : vector<16xf32>
        %add3A_1288 = arith.constant 9 : i32
        %add3A_1289 = arith.addi %mul3A_84, %add3A_1288 : i32
        %get3A_1290 = arith.index_cast %add3A_1289 : i32 to index
        %get3A_1291 = arith.constant 80 : index
        %get3A_1292 = tpu.vector_load %arg6[%get3A_1290, %get3A_1291] {strides = array<i32>} : memref<512x128xf32, #tpu.memory_space<vmem>>, vector<1x16xf32>,
        %get3A_1293 = vector.shape_cast %get3A_1292 : vector<1x16xf32> to vector<16xf32>
        %add3A_1294 = arith.addf %add3A_1287, %get3A_1293 : vector<16xf32>
        %add3A_1295 = arith.constant 10 : i32
        %add3A_1296 = arith.addi %mul3A_84, %add3A_1295 : i32
        %get3A_1297 = arith.index_cast %add3A_1296 : i32 to index
        %get3A_1298 = arith.constant 80 : index
        %get3A_1299 = tpu.vector_load %arg6[%get3A_1297, %get3A_1298] {strides = array<i32>} : memref<512x128xf32, #tpu.memory_space<vmem>>, vector<1x16xf32>,
        %get3A_1300 = vector.shape_cast %get3A_1299 : vector<1x16xf32> to vector<16xf32>
        %add3A_1301 = arith.addf %add3A_1294, %get3A_1300 : vector<16xf32>
        %add3A_1302 = arith.constant 11 : i32
        %add3A_1303 = arith.addi %mul3A_84, %add3A_1302 : i32
        %get3A_1304 = arith.index_cast %add3A_1303 : i32 to index
        %get3A_1305 = arith.constant 80 : index
        %get3A_1306 = tpu.vector_load %arg6[%get3A_1304, %get3A_1305] {strides = array<i32>} : memref<512x128xf32, #tpu.memory_space<vmem>>, vector<1x16xf32>,
        %get3A_1307 = vector.shape_cast %get3A_1306 : vector<1x16xf32> to vector<16xf32>
        %add3A_1308 = arith.addf %add3A_1301, %get3A_1307 : vector<16xf32>
        %add3A_1309 = arith.constant 12 : i32
        %add3A_1310 = arith.addi %mul3A_84, %add3A_1309 : i32
        %get3A_1311 = arith.index_cast %add3A_1310 : i32 to index
        %get3A_1312 = arith.constant 80 : index
        %get3A_1313 = tpu.vector_load %arg6[%get3A_1311, %get3A_1312] {strides = array<i32>} : memref<512x128xf32, #tpu.memory_space<vmem>>, vector<1x16xf32>,
        %get3A_1314 = vector.shape_cast %get3A_1313 : vector<1x16xf32> to vector<16xf32>
        %add3A_1315 = arith.addf %add3A_1308, %get3A_1314 : vector<16xf32>
        %add3A_1316 = arith.constant 13 : i32
        %add3A_1317 = arith.addi %mul3A_84, %add3A_1316 : i32
        %get3A_1318 = arith.index_cast %add3A_1317 : i32 to index
        %get3A_1319 = arith.constant 80 : index
        %get3A_1320 = tpu.vector_load %arg6[%get3A_1318, %get3A_1319] {strides = array<i32>} : memref<512x128xf32, #tpu.memory_space<vmem>>, vector<1x16xf32>,
        %get3A_1321 = vector.shape_cast %get3A_1320 : vector<1x16xf32> to vector<16xf32>
        %add3A_1322 = arith.addf %add3A_1315, %get3A_1321 : vector<16xf32>
        %add3A_1323 = arith.constant 14 : i32
        %add3A_1324 = arith.addi %mul3A_84, %add3A_1323 : i32
        %get3A_1325 = arith.index_cast %add3A_1324 : i32 to index
        %get3A_1326 = arith.constant 80 : index
        %get3A_1327 = tpu.vector_load %arg6[%get3A_1325, %get3A_1326] {strides = array<i32>} : memref<512x128xf32, #tpu.memory_space<vmem>>, vector<1x16xf32>,
        %get3A_1328 = vector.shape_cast %get3A_1327 : vector<1x16xf32> to vector<16xf32>
        %add3A_1329 = arith.addf %add3A_1322, %get3A_1328 : vector<16xf32>
        %add3A_1330 = arith.constant 15 : i32
        %add3A_1331 = arith.addi %mul3A_84, %add3A_1330 : i32
        %get3A_1332 = arith.index_cast %add3A_1331 : i32 to index
        %get3A_1333 = arith.constant 80 : index
        %get3A_1334 = tpu.vector_load %arg6[%get3A_1332, %get3A_1333] {strides = array<i32>} : memref<512x128xf32, #tpu.memory_space<vmem>>, vector<1x16xf32>,
        %get3A_1335 = vector.shape_cast %get3A_1334 : vector<1x16xf32> to vector<16xf32>
        %add3A_1336 = arith.addf %add3A_1329, %get3A_1335 : vector<16xf32>
        %add3A_1337 = arith.constant 16 : i32
        %add3A_1338 = arith.addi %mul3A_84, %add3A_1337 : i32
        %get3A_1339 = arith.index_cast %add3A_1338 : i32 to index
        %get3A_1340 = arith.constant 80 : index
        %get3A_1341 = tpu.vector_load %arg6[%get3A_1339, %get3A_1340] {strides = array<i32>} : memref<512x128xf32, #tpu.memory_space<vmem>>, vector<1x16xf32>,
        %get3A_1342 = vector.shape_cast %get3A_1341 : vector<1x16xf32> to vector<16xf32>
        %add3A_1343 = arith.addf %add3A_1336, %get3A_1342 : vector<16xf32>
        %add3A_1344 = arith.constant 17 : i32
        %add3A_1345 = arith.addi %mul3A_84, %add3A_1344 : i32
        %get3A_1346 = arith.index_cast %add3A_1345 : i32 to index
        %get3A_1347 = arith.constant 80 : index
        %get3A_1348 = tpu.vector_load %arg6[%get3A_1346, %get3A_1347] {strides = array<i32>} : memref<512x128xf32, #tpu.memory_space<vmem>>, vector<1x16xf32>,
        %get3A_1349 = vector.shape_cast %get3A_1348 : vector<1x16xf32> to vector<16xf32>
        %add3A_1350 = arith.addf %add3A_1343, %get3A_1349 : vector<16xf32>
        %add3A_1351 = arith.constant 18 : i32
        %add3A_1352 = arith.addi %mul3A_84, %add3A_1351 : i32
        %get3A_1353 = arith.index_cast %add3A_1352 : i32 to index
        %get3A_1354 = arith.constant 80 : index
        %get3A_1355 = tpu.vector_load %arg6[%get3A_1353, %get3A_1354] {strides = array<i32>} : memref<512x128xf32, #tpu.memory_space<vmem>>, vector<1x16xf32>,
        %get3A_1356 = vector.shape_cast %get3A_1355 : vector<1x16xf32> to vector<16xf32>
        %add3A_1357 = arith.addf %add3A_1350, %get3A_1356 : vector<16xf32>
        %add3A_1358 = arith.constant 19 : i32
        %add3A_1359 = arith.addi %mul3A_84, %add3A_1358 : i32
        %get3A_1360 = arith.index_cast %add3A_1359 : i32 to index
        %get3A_1361 = arith.constant 80 : index
        %get3A_1362 = tpu.vector_load %arg6[%get3A_1360, %get3A_1361] {strides = array<i32>} : memref<512x128xf32, #tpu.memory_space<vmem>>, vector<1x16xf32>,
        %get3A_1363 = vector.shape_cast %get3A_1362 : vector<1x16xf32> to vector<16xf32>
        %add3A_1364 = arith.addf %add3A_1357, %get3A_1363 : vector<16xf32>
        %add3A_1365 = arith.constant 20 : i32
        %add3A_1366 = arith.addi %mul3A_84, %add3A_1365 : i32
        %get3A_1367 = arith.index_cast %add3A_1366 : i32 to index
        %get3A_1368 = arith.constant 80 : index
        %get3A_1369 = tpu.vector_load %arg6[%get3A_1367, %get3A_1368] {strides = array<i32>} : memref<512x128xf32, #tpu.memory_space<vmem>>, vector<1x16xf32>,
        %get3A_1370 = vector.shape_cast %get3A_1369 : vector<1x16xf32> to vector<16xf32>
        %add3A_1371 = arith.addf %add3A_1364, %get3A_1370 : vector<16xf32>
        %add3A_1372 = arith.constant 21 : i32
        %add3A_1373 = arith.addi %mul3A_84, %add3A_1372 : i32
        %get3A_1374 = arith.index_cast %add3A_1373 : i32 to index
        %get3A_1375 = arith.constant 80 : index
        %get3A_1376 = tpu.vector_load %arg6[%get3A_1374, %get3A_1375] {strides = array<i32>} : memref<512x128xf32, #tpu.memory_space<vmem>>, vector<1x16xf32>,
        %get3A_1377 = vector.shape_cast %get3A_1376 : vector<1x16xf32> to vector<16xf32>
        %add3A_1378 = arith.addf %add3A_1371, %get3A_1377 : vector<16xf32>
        %add3A_1379 = arith.constant 22 : i32
        %add3A_1380 = arith.addi %mul3A_84, %add3A_1379 : i32
        %get3A_1381 = arith.index_cast %add3A_1380 : i32 to index
        %get3A_1382 = arith.constant 80 : index
        %get3A_1383 = tpu.vector_load %arg6[%get3A_1381, %get3A_1382] {strides = array<i32>} : memref<512x128xf32, #tpu.memory_space<vmem>>, vector<1x16xf32>,
        %get3A_1384 = vector.shape_cast %get3A_1383 : vector<1x16xf32> to vector<16xf32>
        %add3A_1385 = arith.addf %add3A_1378, %get3A_1384 : vector<16xf32>
        %add3A_1386 = arith.constant 23 : i32
        %add3A_1387 = arith.addi %mul3A_84, %add3A_1386 : i32
        %get3A_1388 = arith.index_cast %add3A_1387 : i32 to index
        %get3A_1389 = arith.constant 80 : index
        %get3A_1390 = tpu.vector_load %arg6[%get3A_1388, %get3A_1389] {strides = array<i32>} : memref<512x128xf32, #tpu.memory_space<vmem>>, vector<1x16xf32>,
        %get3A_1391 = vector.shape_cast %get3A_1390 : vector<1x16xf32> to vector<16xf32>
        %add3A_1392 = arith.addf %add3A_1385, %get3A_1391 : vector<16xf32>
        %add3A_1393 = arith.constant 24 : i32
        %add3A_1394 = arith.addi %mul3A_84, %add3A_1393 : i32
        %get3A_1395 = arith.index_cast %add3A_1394 : i32 to index
        %get3A_1396 = arith.constant 80 : index
        %get3A_1397 = tpu.vector_load %arg6[%get3A_1395, %get3A_1396] {strides = array<i32>} : memref<512x128xf32, #tpu.memory_space<vmem>>, vector<1x16xf32>,
        %get3A_1398 = vector.shape_cast %get3A_1397 : vector<1x16xf32> to vector<16xf32>
        %add3A_1399 = arith.addf %add3A_1392, %get3A_1398 : vector<16xf32>
        %add3A_1400 = arith.constant 25 : i32
        %add3A_1401 = arith.addi %mul3A_84, %add3A_1400 : i32
        %get3A_1402 = arith.index_cast %add3A_1401 : i32 to index
        %get3A_1403 = arith.constant 80 : index
        %get3A_1404 = tpu.vector_load %arg6[%get3A_1402, %get3A_1403] {strides = array<i32>} : memref<512x128xf32, #tpu.memory_space<vmem>>, vector<1x16xf32>,
        %get3A_1405 = vector.shape_cast %get3A_1404 : vector<1x16xf32> to vector<16xf32>
        %add3A_1406 = arith.addf %add3A_1399, %get3A_1405 : vector<16xf32>
        %add3A_1407 = arith.constant 26 : i32
        %add3A_1408 = arith.addi %mul3A_84, %add3A_1407 : i32
        %get3A_1409 = arith.index_cast %add3A_1408 : i32 to index
        %get3A_1410 = arith.constant 80 : index
        %get3A_1411 = tpu.vector_load %arg6[%get3A_1409, %get3A_1410] {strides = array<i32>} : memref<512x128xf32, #tpu.memory_space<vmem>>, vector<1x16xf32>,
        %get3A_1412 = vector.shape_cast %get3A_1411 : vector<1x16xf32> to vector<16xf32>
        %add3A_1413 = arith.addf %add3A_1406, %get3A_1412 : vector<16xf32>
        %add3A_1414 = arith.constant 27 : i32
        %add3A_1415 = arith.addi %mul3A_84, %add3A_1414 : i32
        %get3A_1416 = arith.index_cast %add3A_1415 : i32 to index
        %get3A_1417 = arith.constant 80 : index
        %get3A_1418 = tpu.vector_load %arg6[%get3A_1416, %get3A_1417] {strides = array<i32>} : memref<512x128xf32, #tpu.memory_space<vmem>>, vector<1x16xf32>,
        %get3A_1419 = vector.shape_cast %get3A_1418 : vector<1x16xf32> to vector<16xf32>
        %add3A_1420 = arith.addf %add3A_1413, %get3A_1419 : vector<16xf32>
        %add3A_1421 = arith.constant 28 : i32
        %add3A_1422 = arith.addi %mul3A_84, %add3A_1421 : i32
        %get3A_1423 = arith.index_cast %add3A_1422 : i32 to index
        %get3A_1424 = arith.constant 80 : index
        %get3A_1425 = tpu.vector_load %arg6[%get3A_1423, %get3A_1424] {strides = array<i32>} : memref<512x128xf32, #tpu.memory_space<vmem>>, vector<1x16xf32>,
        %get3A_1426 = vector.shape_cast %get3A_1425 : vector<1x16xf32> to vector<16xf32>
        %add3A_1427 = arith.addf %add3A_1420, %get3A_1426 : vector<16xf32>
        %add3A_1428 = arith.constant 29 : i32
        %add3A_1429 = arith.addi %mul3A_84, %add3A_1428 : i32
        %get3A_1430 = arith.index_cast %add3A_1429 : i32 to index
        %get3A_1431 = arith.constant 80 : index
        %get3A_1432 = tpu.vector_load %arg6[%get3A_1430, %get3A_1431] {strides = array<i32>} : memref<512x128xf32, #tpu.memory_space<vmem>>, vector<1x16xf32>,
        %get3A_1433 = vector.shape_cast %get3A_1432 : vector<1x16xf32> to vector<16xf32>
        %add3A_1434 = arith.addf %add3A_1427, %get3A_1433 : vector<16xf32>
        %add3A_1435 = arith.constant 30 : i32
        %add3A_1436 = arith.addi %mul3A_84, %add3A_1435 : i32
        %get3A_1437 = arith.index_cast %add3A_1436 : i32 to index
        %get3A_1438 = arith.constant 80 : index
        %get3A_1439 = tpu.vector_load %arg6[%get3A_1437, %get3A_1438] {strides = array<i32>} : memref<512x128xf32, #tpu.memory_space<vmem>>, vector<1x16xf32>,
        %get3A_1440 = vector.shape_cast %get3A_1439 : vector<1x16xf32> to vector<16xf32>
        %add3A_1441 = arith.addf %add3A_1434, %get3A_1440 : vector<16xf32>
        %add3A_1442 = arith.constant 31 : i32
        %add3A_1443 = arith.addi %mul3A_84, %add3A_1442 : i32
        %get3A_1444 = arith.index_cast %add3A_1443 : i32 to index
        %get3A_1445 = arith.constant 80 : index
        %get3A_1446 = tpu.vector_load %arg6[%get3A_1444, %get3A_1445] {strides = array<i32>} : memref<512x128xf32, #tpu.memory_space<vmem>>, vector<1x16xf32>,
        %get3A_1447 = vector.shape_cast %get3A_1446 : vector<1x16xf32> to vector<16xf32>
        %add3A_1448 = arith.addf %add3A_1441, %get3A_1447 : vector<16xf32>
        %mul3A_1449 = arith.constant 3.125000e-02 : f32
        %mul3A_1450 = vector.broadcast %mul3A_1449 : f32 to vector<16xf32>
        %mul3A_1451 = arith.mulf %add3A_1448, %mul3A_1450 : vector<16xf32>
        %swap3A_1452 = arith.index_cast %scan3A_82 : i32 to index
        %swap3A_1453 = arith.constant 80 : index
        %swap3A_1454 = tpu.vector_load %arg7[%swap3A_1452, %swap3A_1453] {strides = array<i32>} : memref<16x128xf32, #tpu.memory_space<vmem>>, vector<1x16xf32>,
        %swap3A_1455 = vector.shape_cast %swap3A_1454 : vector<1x16xf32> to vector<16xf32>
        %swap3A_1456 = vector.shape_cast %mul3A_1451 : vector<16xf32> to vector<1x16xf32>
        tpu.vector_store %arg7[%swap3A_1452, %swap3A_1453], %swap3A_1456 {strides = array<i32>} : memref<16x128xf32, #tpu.memory_space<vmem>>, vector<1x16xf32>,
        %get3A_1457 = arith.index_cast %mul3A_84 : i32 to index
        %get3A_1458 = arith.constant 96 : index
        %get3A_1459 = tpu.vector_load %arg6[%get3A_1457, %get3A_1458] {strides = array<i32>} : memref<512x128xf32, #tpu.memory_space<vmem>>, vector<1x16xf32>,
        %get3A_1460 = vector.shape_cast %get3A_1459 : vector<1x16xf32> to vector<16xf32>
        %add3A_1461 = arith.constant 1 : i32
        %add3A_1462 = arith.addi %mul3A_84, %add3A_1461 : i32
        %get3A_1463 = arith.index_cast %add3A_1462 : i32 to index
        %get3A_1464 = arith.constant 96 : index
        %get3A_1465 = tpu.vector_load %arg6[%get3A_1463, %get3A_1464] {strides = array<i32>} : memref<512x128xf32, #tpu.memory_space<vmem>>, vector<1x16xf32>,
        %get3A_1466 = vector.shape_cast %get3A_1465 : vector<1x16xf32> to vector<16xf32>
        %add3A_1467 = arith.addf %get3A_1460, %get3A_1466 : vector<16xf32>
        %add3A_1468 = arith.constant 2 : i32
        %add3A_1469 = arith.addi %mul3A_84, %add3A_1468 : i32
        %get3A_1470 = arith.index_cast %add3A_1469 : i32 to index
        %get3A_1471 = arith.constant 96 : index
        %get3A_1472 = tpu.vector_load %arg6[%get3A_1470, %get3A_1471] {strides = array<i32>} : memref<512x128xf32, #tpu.memory_space<vmem>>, vector<1x16xf32>,
        %get3A_1473 = vector.shape_cast %get3A_1472 : vector<1x16xf32> to vector<16xf32>
        %add3A_1474 = arith.addf %add3A_1467, %get3A_1473 : vector<16xf32>
        %add3A_1475 = arith.constant 3 : i32
        %add3A_1476 = arith.addi %mul3A_84, %add3A_1475 : i32
        %get3A_1477 = arith.index_cast %add3A_1476 : i32 to index
        %get3A_1478 = arith.constant 96 : index
        %get3A_1479 = tpu.vector_load %arg6[%get3A_1477, %get3A_1478] {strides = array<i32>} : memref<512x128xf32, #tpu.memory_space<vmem>>, vector<1x16xf32>,
        %get3A_1480 = vector.shape_cast %get3A_1479 : vector<1x16xf32> to vector<16xf32>
        %add3A_1481 = arith.addf %add3A_1474, %get3A_1480 : vector<16xf32>
        %add3A_1482 = arith.constant 4 : i32
        %add3A_1483 = arith.addi %mul3A_84, %add3A_1482 : i32
        %get3A_1484 = arith.index_cast %add3A_1483 : i32 to index
        %get3A_1485 = arith.constant 96 : index
        %get3A_1486 = tpu.vector_load %arg6[%get3A_1484, %get3A_1485] {strides = array<i32>} : memref<512x128xf32, #tpu.memory_space<vmem>>, vector<1x16xf32>,
        %get3A_1487 = vector.shape_cast %get3A_1486 : vector<1x16xf32> to vector<16xf32>
        %add3A_1488 = arith.addf %add3A_1481, %get3A_1487 : vector<16xf32>
        %add3A_1489 = arith.constant 5 : i32
        %add3A_1490 = arith.addi %mul3A_84, %add3A_1489 : i32
        %get3A_1491 = arith.index_cast %add3A_1490 : i32 to index
        %get3A_1492 = arith.constant 96 : index
        %get3A_1493 = tpu.vector_load %arg6[%get3A_1491, %get3A_1492] {strides = array<i32>} : memref<512x128xf32, #tpu.memory_space<vmem>>, vector<1x16xf32>,
        %get3A_1494 = vector.shape_cast %get3A_1493 : vector<1x16xf32> to vector<16xf32>
        %add3A_1495 = arith.addf %add3A_1488, %get3A_1494 : vector<16xf32>
        %add3A_1496 = arith.constant 6 : i32
        %add3A_1497 = arith.addi %mul3A_84, %add3A_1496 : i32
        %get3A_1498 = arith.index_cast %add3A_1497 : i32 to index
        %get3A_1499 = arith.constant 96 : index
        %get3A_1500 = tpu.vector_load %arg6[%get3A_1498, %get3A_1499] {strides = array<i32>} : memref<512x128xf32, #tpu.memory_space<vmem>>, vector<1x16xf32>,
        %get3A_1501 = vector.shape_cast %get3A_1500 : vector<1x16xf32> to vector<16xf32>
        %add3A_1502 = arith.addf %add3A_1495, %get3A_1501 : vector<16xf32>
        %add3A_1503 = arith.constant 7 : i32
        %add3A_1504 = arith.addi %mul3A_84, %add3A_1503 : i32
        %get3A_1505 = arith.index_cast %add3A_1504 : i32 to index
        %get3A_1506 = arith.constant 96 : index
        %get3A_1507 = tpu.vector_load %arg6[%get3A_1505, %get3A_1506] {strides = array<i32>} : memref<512x128xf32, #tpu.memory_space<vmem>>, vector<1x16xf32>,
        %get3A_1508 = vector.shape_cast %get3A_1507 : vector<1x16xf32> to vector<16xf32>
        %add3A_1509 = arith.addf %add3A_1502, %get3A_1508 : vector<16xf32>
        %add3A_1510 = arith.constant 8 : i32
        %add3A_1511 = arith.addi %mul3A_84, %add3A_1510 : i32
        %get3A_1512 = arith.index_cast %add3A_1511 : i32 to index
        %get3A_1513 = arith.constant 96 : index
        %get3A_1514 = tpu.vector_load %arg6[%get3A_1512, %get3A_1513] {strides = array<i32>} : memref<512x128xf32, #tpu.memory_space<vmem>>, vector<1x16xf32>,
        %get3A_1515 = vector.shape_cast %get3A_1514 : vector<1x16xf32> to vector<16xf32>
        %add3A_1516 = arith.addf %add3A_1509, %get3A_1515 : vector<16xf32>
        %add3A_1517 = arith.constant 9 : i32
        %add3A_1518 = arith.addi %mul3A_84, %add3A_1517 : i32
        %get3A_1519 = arith.index_cast %add3A_1518 : i32 to index
        %get3A_1520 = arith.constant 96 : index
        %get3A_1521 = tpu.vector_load %arg6[%get3A_1519, %get3A_1520] {strides = array<i32>} : memref<512x128xf32, #tpu.memory_space<vmem>>, vector<1x16xf32>,
        %get3A_1522 = vector.shape_cast %get3A_1521 : vector<1x16xf32> to vector<16xf32>
        %add3A_1523 = arith.addf %add3A_1516, %get3A_1522 : vector<16xf32>
        %add3A_1524 = arith.constant 10 : i32
        %add3A_1525 = arith.addi %mul3A_84, %add3A_1524 : i32
        %get3A_1526 = arith.index_cast %add3A_1525 : i32 to index
        %get3A_1527 = arith.constant 96 : index
        %get3A_1528 = tpu.vector_load %arg6[%get3A_1526, %get3A_1527] {strides = array<i32>} : memref<512x128xf32, #tpu.memory_space<vmem>>, vector<1x16xf32>,
        %get3A_1529 = vector.shape_cast %get3A_1528 : vector<1x16xf32> to vector<16xf32>
        %add3A_1530 = arith.addf %add3A_1523, %get3A_1529 : vector<16xf32>
        %add3A_1531 = arith.constant 11 : i32
        %add3A_1532 = arith.addi %mul3A_84, %add3A_1531 : i32
        %get3A_1533 = arith.index_cast %add3A_1532 : i32 to index
        %get3A_1534 = arith.constant 96 : index
        %get3A_1535 = tpu.vector_load %arg6[%get3A_1533, %get3A_1534] {strides = array<i32>} : memref<512x128xf32, #tpu.memory_space<vmem>>, vector<1x16xf32>,
        %get3A_1536 = vector.shape_cast %get3A_1535 : vector<1x16xf32> to vector<16xf32>
        %add3A_1537 = arith.addf %add3A_1530, %get3A_1536 : vector<16xf32>
        %add3A_1538 = arith.constant 12 : i32
        %add3A_1539 = arith.addi %mul3A_84, %add3A_1538 : i32
        %get3A_1540 = arith.index_cast %add3A_1539 : i32 to index
        %get3A_1541 = arith.constant 96 : index
        %get3A_1542 = tpu.vector_load %arg6[%get3A_1540, %get3A_1541] {strides = array<i32>} : memref<512x128xf32, #tpu.memory_space<vmem>>, vector<1x16xf32>,
        %get3A_1543 = vector.shape_cast %get3A_1542 : vector<1x16xf32> to vector<16xf32>
        %add3A_1544 = arith.addf %add3A_1537, %get3A_1543 : vector<16xf32>
        %add3A_1545 = arith.constant 13 : i32
        %add3A_1546 = arith.addi %mul3A_84, %add3A_1545 : i32
        %get3A_1547 = arith.index_cast %add3A_1546 : i32 to index
        %get3A_1548 = arith.constant 96 : index
        %get3A_1549 = tpu.vector_load %arg6[%get3A_1547, %get3A_1548] {strides = array<i32>} : memref<512x128xf32, #tpu.memory_space<vmem>>, vector<1x16xf32>,
        %get3A_1550 = vector.shape_cast %get3A_1549 : vector<1x16xf32> to vector<16xf32>
        %add3A_1551 = arith.addf %add3A_1544, %get3A_1550 : vector<16xf32>
        %add3A_1552 = arith.constant 14 : i32
        %add3A_1553 = arith.addi %mul3A_84, %add3A_1552 : i32
        %get3A_1554 = arith.index_cast %add3A_1553 : i32 to index
        %get3A_1555 = arith.constant 96 : index
        %get3A_1556 = tpu.vector_load %arg6[%get3A_1554, %get3A_1555] {strides = array<i32>} : memref<512x128xf32, #tpu.memory_space<vmem>>, vector<1x16xf32>,
        %get3A_1557 = vector.shape_cast %get3A_1556 : vector<1x16xf32> to vector<16xf32>
        %add3A_1558 = arith.addf %add3A_1551, %get3A_1557 : vector<16xf32>
        %add3A_1559 = arith.constant 15 : i32
        %add3A_1560 = arith.addi %mul3A_84, %add3A_1559 : i32
        %get3A_1561 = arith.index_cast %add3A_1560 : i32 to index
        %get3A_1562 = arith.constant 96 : index
        %get3A_1563 = tpu.vector_load %arg6[%get3A_1561, %get3A_1562] {strides = array<i32>} : memref<512x128xf32, #tpu.memory_space<vmem>>, vector<1x16xf32>,
        %get3A_1564 = vector.shape_cast %get3A_1563 : vector<1x16xf32> to vector<16xf32>
        %add3A_1565 = arith.addf %add3A_1558, %get3A_1564 : vector<16xf32>
        %add3A_1566 = arith.constant 16 : i32
        %add3A_1567 = arith.addi %mul3A_84, %add3A_1566 : i32
        %get3A_1568 = arith.index_cast %add3A_1567 : i32 to index
        %get3A_1569 = arith.constant 96 : index
        %get3A_1570 = tpu.vector_load %arg6[%get3A_1568, %get3A_1569] {strides = array<i32>} : memref<512x128xf32, #tpu.memory_space<vmem>>, vector<1x16xf32>,
        %get3A_1571 = vector.shape_cast %get3A_1570 : vector<1x16xf32> to vector<16xf32>
        %add3A_1572 = arith.addf %add3A_1565, %get3A_1571 : vector<16xf32>
        %add3A_1573 = arith.constant 17 : i32
        %add3A_1574 = arith.addi %mul3A_84, %add3A_1573 : i32
        %get3A_1575 = arith.index_cast %add3A_1574 : i32 to index
        %get3A_1576 = arith.constant 96 : index
        %get3A_1577 = tpu.vector_load %arg6[%get3A_1575, %get3A_1576] {strides = array<i32>} : memref<512x128xf32, #tpu.memory_space<vmem>>, vector<1x16xf32>,
        %get3A_1578 = vector.shape_cast %get3A_1577 : vector<1x16xf32> to vector<16xf32>
        %add3A_1579 = arith.addf %add3A_1572, %get3A_1578 : vector<16xf32>
        %add3A_1580 = arith.constant 18 : i32
        %add3A_1581 = arith.addi %mul3A_84, %add3A_1580 : i32
        %get3A_1582 = arith.index_cast %add3A_1581 : i32 to index
        %get3A_1583 = arith.constant 96 : index
        %get3A_1584 = tpu.vector_load %arg6[%get3A_1582, %get3A_1583] {strides = array<i32>} : memref<512x128xf32, #tpu.memory_space<vmem>>, vector<1x16xf32>,
        %get3A_1585 = vector.shape_cast %get3A_1584 : vector<1x16xf32> to vector<16xf32>
        %add3A_1586 = arith.addf %add3A_1579, %get3A_1585 : vector<16xf32>
        %add3A_1587 = arith.constant 19 : i32
        %add3A_1588 = arith.addi %mul3A_84, %add3A_1587 : i32
        %get3A_1589 = arith.index_cast %add3A_1588 : i32 to index
        %get3A_1590 = arith.constant 96 : index
        %get3A_1591 = tpu.vector_load %arg6[%get3A_1589, %get3A_1590] {strides = array<i32>} : memref<512x128xf32, #tpu.memory_space<vmem>>, vector<1x16xf32>,
        %get3A_1592 = vector.shape_cast %get3A_1591 : vector<1x16xf32> to vector<16xf32>
        %add3A_1593 = arith.addf %add3A_1586, %get3A_1592 : vector<16xf32>
        %add3A_1594 = arith.constant 20 : i32
        %add3A_1595 = arith.addi %mul3A_84, %add3A_1594 : i32
        %get3A_1596 = arith.index_cast %add3A_1595 : i32 to index
        %get3A_1597 = arith.constant 96 : index
        %get3A_1598 = tpu.vector_load %arg6[%get3A_1596, %get3A_1597] {strides = array<i32>} : memref<512x128xf32, #tpu.memory_space<vmem>>, vector<1x16xf32>,
        %get3A_1599 = vector.shape_cast %get3A_1598 : vector<1x16xf32> to vector<16xf32>
        %add3A_1600 = arith.addf %add3A_1593, %get3A_1599 : vector<16xf32>
        %add3A_1601 = arith.constant 21 : i32
        %add3A_1602 = arith.addi %mul3A_84, %add3A_1601 : i32
        %get3A_1603 = arith.index_cast %add3A_1602 : i32 to index
        %get3A_1604 = arith.constant 96 : index
        %get3A_1605 = tpu.vector_load %arg6[%get3A_1603, %get3A_1604] {strides = array<i32>} : memref<512x128xf32, #tpu.memory_space<vmem>>, vector<1x16xf32>,
        %get3A_1606 = vector.shape_cast %get3A_1605 : vector<1x16xf32> to vector<16xf32>
        %add3A_1607 = arith.addf %add3A_1600, %get3A_1606 : vector<16xf32>
        %add3A_1608 = arith.constant 22 : i32
        %add3A_1609 = arith.addi %mul3A_84, %add3A_1608 : i32
        %get3A_1610 = arith.index_cast %add3A_1609 : i32 to index
        %get3A_1611 = arith.constant 96 : index
        %get3A_1612 = tpu.vector_load %arg6[%get3A_1610, %get3A_1611] {strides = array<i32>} : memref<512x128xf32, #tpu.memory_space<vmem>>, vector<1x16xf32>,
        %get3A_1613 = vector.shape_cast %get3A_1612 : vector<1x16xf32> to vector<16xf32>
        %add3A_1614 = arith.addf %add3A_1607, %get3A_1613 : vector<16xf32>
        %add3A_1615 = arith.constant 23 : i32
        %add3A_1616 = arith.addi %mul3A_84, %add3A_1615 : i32
        %get3A_1617 = arith.index_cast %add3A_1616 : i32 to index
        %get3A_1618 = arith.constant 96 : index
        %get3A_1619 = tpu.vector_load %arg6[%get3A_1617, %get3A_1618] {strides = array<i32>} : memref<512x128xf32, #tpu.memory_space<vmem>>, vector<1x16xf32>,
        %get3A_1620 = vector.shape_cast %get3A_1619 : vector<1x16xf32> to vector<16xf32>
        %add3A_1621 = arith.addf %add3A_1614, %get3A_1620 : vector<16xf32>
        %add3A_1622 = arith.constant 24 : i32
        %add3A_1623 = arith.addi %mul3A_84, %add3A_1622 : i32
        %get3A_1624 = arith.index_cast %add3A_1623 : i32 to index
        %get3A_1625 = arith.constant 96 : index
        %get3A_1626 = tpu.vector_load %arg6[%get3A_1624, %get3A_1625] {strides = array<i32>} : memref<512x128xf32, #tpu.memory_space<vmem>>, vector<1x16xf32>,
        %get3A_1627 = vector.shape_cast %get3A_1626 : vector<1x16xf32> to vector<16xf32>
        %add3A_1628 = arith.addf %add3A_1621, %get3A_1627 : vector<16xf32>
        %add3A_1629 = arith.constant 25 : i32
        %add3A_1630 = arith.addi %mul3A_84, %add3A_1629 : i32
        %get3A_1631 = arith.index_cast %add3A_1630 : i32 to index
        %get3A_1632 = arith.constant 96 : index
        %get3A_1633 = tpu.vector_load %arg6[%get3A_1631, %get3A_1632] {strides = array<i32>} : memref<512x128xf32, #tpu.memory_space<vmem>>, vector<1x16xf32>,
        %get3A_1634 = vector.shape_cast %get3A_1633 : vector<1x16xf32> to vector<16xf32>
        %add3A_1635 = arith.addf %add3A_1628, %get3A_1634 : vector<16xf32>
        %add3A_1636 = arith.constant 26 : i32
        %add3A_1637 = arith.addi %mul3A_84, %add3A_1636 : i32
        %get3A_1638 = arith.index_cast %add3A_1637 : i32 to index
        %get3A_1639 = arith.constant 96 : index
        %get3A_1640 = tpu.vector_load %arg6[%get3A_1638, %get3A_1639] {strides = array<i32>} : memref<512x128xf32, #tpu.memory_space<vmem>>, vector<1x16xf32>,
        %get3A_1641 = vector.shape_cast %get3A_1640 : vector<1x16xf32> to vector<16xf32>
        %add3A_1642 = arith.addf %add3A_1635, %get3A_1641 : vector<16xf32>
        %add3A_1643 = arith.constant 27 : i32
        %add3A_1644 = arith.addi %mul3A_84, %add3A_1643 : i32
        %get3A_1645 = arith.index_cast %add3A_1644 : i32 to index
        %get3A_1646 = arith.constant 96 : index
        %get3A_1647 = tpu.vector_load %arg6[%get3A_1645, %get3A_1646] {strides = array<i32>} : memref<512x128xf32, #tpu.memory_space<vmem>>, vector<1x16xf32>,
        %get3A_1648 = vector.shape_cast %get3A_1647 : vector<1x16xf32> to vector<16xf32>
        %add3A_1649 = arith.addf %add3A_1642, %get3A_1648 : vector<16xf32>
        %add3A_1650 = arith.constant 28 : i32
        %add3A_1651 = arith.addi %mul3A_84, %add3A_1650 : i32
        %get3A_1652 = arith.index_cast %add3A_1651 : i32 to index
        %get3A_1653 = arith.constant 96 : index
        %get3A_1654 = tpu.vector_load %arg6[%get3A_1652, %get3A_1653] {strides = array<i32>} : memref<512x128xf32, #tpu.memory_space<vmem>>, vector<1x16xf32>,
        %get3A_1655 = vector.shape_cast %get3A_1654 : vector<1x16xf32> to vector<16xf32>
        %add3A_1656 = arith.addf %add3A_1649, %get3A_1655 : vector<16xf32>
        %add3A_1657 = arith.constant 29 : i32
        %add3A_1658 = arith.addi %mul3A_84, %add3A_1657 : i32
        %get3A_1659 = arith.index_cast %add3A_1658 : i32 to index
        %get3A_1660 = arith.constant 96 : index
        %get3A_1661 = tpu.vector_load %arg6[%get3A_1659, %get3A_1660] {strides = array<i32>} : memref<512x128xf32, #tpu.memory_space<vmem>>, vector<1x16xf32>,
        %get3A_1662 = vector.shape_cast %get3A_1661 : vector<1x16xf32> to vector<16xf32>
        %add3A_1663 = arith.addf %add3A_1656, %get3A_1662 : vector<16xf32>
        %add3A_1664 = arith.constant 30 : i32
        %add3A_1665 = arith.addi %mul3A_84, %add3A_1664 : i32
        %get3A_1666 = arith.index_cast %add3A_1665 : i32 to index
        %get3A_1667 = arith.constant 96 : index
        %get3A_1668 = tpu.vector_load %arg6[%get3A_1666, %get3A_1667] {strides = array<i32>} : memref<512x128xf32, #tpu.memory_space<vmem>>, vector<1x16xf32>,
        %get3A_1669 = vector.shape_cast %get3A_1668 : vector<1x16xf32> to vector<16xf32>
        %add3A_1670 = arith.addf %add3A_1663, %get3A_1669 : vector<16xf32>
        %add3A_1671 = arith.constant 31 : i32
        %add3A_1672 = arith.addi %mul3A_84, %add3A_1671 : i32
        %get3A_1673 = arith.index_cast %add3A_1672 : i32 to index
        %get3A_1674 = arith.constant 96 : index
        %get3A_1675 = tpu.vector_load %arg6[%get3A_1673, %get3A_1674] {strides = array<i32>} : memref<512x128xf32, #tpu.memory_space<vmem>>, vector<1x16xf32>,
        %get3A_1676 = vector.shape_cast %get3A_1675 : vector<1x16xf32> to vector<16xf32>
        %add3A_1677 = arith.addf %add3A_1670, %get3A_1676 : vector<16xf32>
        %mul3A_1678 = arith.constant 3.125000e-02 : f32
        %mul3A_1679 = vector.broadcast %mul3A_1678 : f32 to vector<16xf32>
        %mul3A_1680 = arith.mulf %add3A_1677, %mul3A_1679 : vector<16xf32>
        %swap3A_1681 = arith.index_cast %scan3A_82 : i32 to index
        %swap3A_1682 = arith.constant 96 : index
        %swap3A_1683 = tpu.vector_load %arg7[%swap3A_1681, %swap3A_1682] {strides = array<i32>} : memref<16x128xf32, #tpu.memory_space<vmem>>, vector<1x16xf32>,
        %swap3A_1684 = vector.shape_cast %swap3A_1683 : vector<1x16xf32> to vector<16xf32>
        %swap3A_1685 = vector.shape_cast %mul3A_1680 : vector<16xf32> to vector<1x16xf32>
        tpu.vector_store %arg7[%swap3A_1681, %swap3A_1682], %swap3A_1685 {strides = array<i32>} : memref<16x128xf32, #tpu.memory_space<vmem>>, vector<1x16xf32>,
        %get3A_1686 = arith.index_cast %mul3A_84 : i32 to index
        %get3A_1687 = arith.constant 112 : index
        %get3A_1688 = tpu.vector_load %arg6[%get3A_1686, %get3A_1687] {strides = array<i32>} : memref<512x128xf32, #tpu.memory_space<vmem>>, vector<1x16xf32>,
        %get3A_1689 = vector.shape_cast %get3A_1688 : vector<1x16xf32> to vector<16xf32>
        %add3A_1690 = arith.constant 1 : i32
        %add3A_1691 = arith.addi %mul3A_84, %add3A_1690 : i32
        %get3A_1692 = arith.index_cast %add3A_1691 : i32 to index
        %get3A_1693 = arith.constant 112 : index
        %get3A_1694 = tpu.vector_load %arg6[%get3A_1692, %get3A_1693] {strides = array<i32>} : memref<512x128xf32, #tpu.memory_space<vmem>>, vector<1x16xf32>,
        %get3A_1695 = vector.shape_cast %get3A_1694 : vector<1x16xf32> to vector<16xf32>
        %add3A_1696 = arith.addf %get3A_1689, %get3A_1695 : vector<16xf32>
        %add3A_1697 = arith.constant 2 : i32
        %add3A_1698 = arith.addi %mul3A_84, %add3A_1697 : i32
        %get3A_1699 = arith.index_cast %add3A_1698 : i32 to index
        %get3A_1700 = arith.constant 112 : index
        %get3A_1701 = tpu.vector_load %arg6[%get3A_1699, %get3A_1700] {strides = array<i32>} : memref<512x128xf32, #tpu.memory_space<vmem>>, vector<1x16xf32>,
        %get3A_1702 = vector.shape_cast %get3A_1701 : vector<1x16xf32> to vector<16xf32>
        %add3A_1703 = arith.addf %add3A_1696, %get3A_1702 : vector<16xf32>
        %add3A_1704 = arith.constant 3 : i32
        %add3A_1705 = arith.addi %mul3A_84, %add3A_1704 : i32
        %get3A_1706 = arith.index_cast %add3A_1705 : i32 to index
        %get3A_1707 = arith.constant 112 : index
        %get3A_1708 = tpu.vector_load %arg6[%get3A_1706, %get3A_1707] {strides = array<i32>} : memref<512x128xf32, #tpu.memory_space<vmem>>, vector<1x16xf32>,
        %get3A_1709 = vector.shape_cast %get3A_1708 : vector<1x16xf32> to vector<16xf32>
        %add3A_1710 = arith.addf %add3A_1703, %get3A_1709 : vector<16xf32>
        %add3A_1711 = arith.constant 4 : i32
        %add3A_1712 = arith.addi %mul3A_84, %add3A_1711 : i32
        %get3A_1713 = arith.index_cast %add3A_1712 : i32 to index
        %get3A_1714 = arith.constant 112 : index
        %get3A_1715 = tpu.vector_load %arg6[%get3A_1713, %get3A_1714] {strides = array<i32>} : memref<512x128xf32, #tpu.memory_space<vmem>>, vector<1x16xf32>,
        %get3A_1716 = vector.shape_cast %get3A_1715 : vector<1x16xf32> to vector<16xf32>
        %add3A_1717 = arith.addf %add3A_1710, %get3A_1716 : vector<16xf32>
        %add3A_1718 = arith.constant 5 : i32
        %add3A_1719 = arith.addi %mul3A_84, %add3A_1718 : i32
        %get3A_1720 = arith.index_cast %add3A_1719 : i32 to index
        %get3A_1721 = arith.constant 112 : index
        %get3A_1722 = tpu.vector_load %arg6[%get3A_1720, %get3A_1721] {strides = array<i32>} : memref<512x128xf32, #tpu.memory_space<vmem>>, vector<1x16xf32>,
        %get3A_1723 = vector.shape_cast %get3A_1722 : vector<1x16xf32> to vector<16xf32>
        %add3A_1724 = arith.addf %add3A_1717, %get3A_1723 : vector<16xf32>
        %add3A_1725 = arith.constant 6 : i32
        %add3A_1726 = arith.addi %mul3A_84, %add3A_1725 : i32
        %get3A_1727 = arith.index_cast %add3A_1726 : i32 to index
        %get3A_1728 = arith.constant 112 : index
        %get3A_1729 = tpu.vector_load %arg6[%get3A_1727, %get3A_1728] {strides = array<i32>} : memref<512x128xf32, #tpu.memory_space<vmem>>, vector<1x16xf32>,
        %get3A_1730 = vector.shape_cast %get3A_1729 : vector<1x16xf32> to vector<16xf32>
        %add3A_1731 = arith.addf %add3A_1724, %get3A_1730 : vector<16xf32>
        %add3A_1732 = arith.constant 7 : i32
        %add3A_1733 = arith.addi %mul3A_84, %add3A_1732 : i32
        %get3A_1734 = arith.index_cast %add3A_1733 : i32 to index
        %get3A_1735 = arith.constant 112 : index
        %get3A_1736 = tpu.vector_load %arg6[%get3A_1734, %get3A_1735] {strides = array<i32>} : memref<512x128xf32, #tpu.memory_space<vmem>>, vector<1x16xf32>,
        %get3A_1737 = vector.shape_cast %get3A_1736 : vector<1x16xf32> to vector<16xf32>
        %add3A_1738 = arith.addf %add3A_1731, %get3A_1737 : vector<16xf32>
        %add3A_1739 = arith.constant 8 : i32
        %add3A_1740 = arith.addi %mul3A_84, %add3A_1739 : i32
        %get3A_1741 = arith.index_cast %add3A_1740 : i32 to index
        %get3A_1742 = arith.constant 112 : index
        %get3A_1743 = tpu.vector_load %arg6[%get3A_1741, %get3A_1742] {strides = array<i32>} : memref<512x128xf32, #tpu.memory_space<vmem>>, vector<1x16xf32>,
        %get3A_1744 = vector.shape_cast %get3A_1743 : vector<1x16xf32> to vector<16xf32>
        %add3A_1745 = arith.addf %add3A_1738, %get3A_1744 : vector<16xf32>
        %add3A_1746 = arith.constant 9 : i32
        %add3A_1747 = arith.addi %mul3A_84, %add3A_1746 : i32
        %get3A_1748 = arith.index_cast %add3A_1747 : i32 to index
        %get3A_1749 = arith.constant 112 : index
        %get3A_1750 = tpu.vector_load %arg6[%get3A_1748, %get3A_1749] {strides = array<i32>} : memref<512x128xf32, #tpu.memory_space<vmem>>, vector<1x16xf32>,
        %get3A_1751 = vector.shape_cast %get3A_1750 : vector<1x16xf32> to vector<16xf32>
        %add3A_1752 = arith.addf %add3A_1745, %get3A_1751 : vector<16xf32>
        %add3A_1753 = arith.constant 10 : i32
        %add3A_1754 = arith.addi %mul3A_84, %add3A_1753 : i32
        %get3A_1755 = arith.index_cast %add3A_1754 : i32 to index
        %get3A_1756 = arith.constant 112 : index
        %get3A_1757 = tpu.vector_load %arg6[%get3A_1755, %get3A_1756] {strides = array<i32>} : memref<512x128xf32, #tpu.memory_space<vmem>>, vector<1x16xf32>,
        %get3A_1758 = vector.shape_cast %get3A_1757 : vector<1x16xf32> to vector<16xf32>
        %add3A_1759 = arith.addf %add3A_1752, %get3A_1758 : vector<16xf32>
        %add3A_1760 = arith.constant 11 : i32
        %add3A_1761 = arith.addi %mul3A_84, %add3A_1760 : i32
        %get3A_1762 = arith.index_cast %add3A_1761 : i32 to index
        %get3A_1763 = arith.constant 112 : index
        %get3A_1764 = tpu.vector_load %arg6[%get3A_1762, %get3A_1763] {strides = array<i32>} : memref<512x128xf32, #tpu.memory_space<vmem>>, vector<1x16xf32>,
        %get3A_1765 = vector.shape_cast %get3A_1764 : vector<1x16xf32> to vector<16xf32>
        %add3A_1766 = arith.addf %add3A_1759, %get3A_1765 : vector<16xf32>
        %add3A_1767 = arith.constant 12 : i32
        %add3A_1768 = arith.addi %mul3A_84, %add3A_1767 : i32
        %get3A_1769 = arith.index_cast %add3A_1768 : i32 to index
        %get3A_1770 = arith.constant 112 : index
        %get3A_1771 = tpu.vector_load %arg6[%get3A_1769, %get3A_1770] {strides = array<i32>} : memref<512x128xf32, #tpu.memory_space<vmem>>, vector<1x16xf32>,
        %get3A_1772 = vector.shape_cast %get3A_1771 : vector<1x16xf32> to vector<16xf32>
        %add3A_1773 = arith.addf %add3A_1766, %get3A_1772 : vector<16xf32>
        %add3A_1774 = arith.constant 13 : i32
        %add3A_1775 = arith.addi %mul3A_84, %add3A_1774 : i32
        %get3A_1776 = arith.index_cast %add3A_1775 : i32 to index
        %get3A_1777 = arith.constant 112 : index
        %get3A_1778 = tpu.vector_load %arg6[%get3A_1776, %get3A_1777] {strides = array<i32>} : memref<512x128xf32, #tpu.memory_space<vmem>>, vector<1x16xf32>,
        %get3A_1779 = vector.shape_cast %get3A_1778 : vector<1x16xf32> to vector<16xf32>
        %add3A_1780 = arith.addf %add3A_1773, %get3A_1779 : vector<16xf32>
        %add3A_1781 = arith.constant 14 : i32
        %add3A_1782 = arith.addi %mul3A_84, %add3A_1781 : i32
        %get3A_1783 = arith.index_cast %add3A_1782 : i32 to index
        %get3A_1784 = arith.constant 112 : index
        %get3A_1785 = tpu.vector_load %arg6[%get3A_1783, %get3A_1784] {strides = array<i32>} : memref<512x128xf32, #tpu.memory_space<vmem>>, vector<1x16xf32>,
        %get3A_1786 = vector.shape_cast %get3A_1785 : vector<1x16xf32> to vector<16xf32>
        %add3A_1787 = arith.addf %add3A_1780, %get3A_1786 : vector<16xf32>
        %add3A_1788 = arith.constant 15 : i32
        %add3A_1789 = arith.addi %mul3A_84, %add3A_1788 : i32
        %get3A_1790 = arith.index_cast %add3A_1789 : i32 to index
        %get3A_1791 = arith.constant 112 : index
        %get3A_1792 = tpu.vector_load %arg6[%get3A_1790, %get3A_1791] {strides = array<i32>} : memref<512x128xf32, #tpu.memory_space<vmem>>, vector<1x16xf32>,
        %get3A_1793 = vector.shape_cast %get3A_1792 : vector<1x16xf32> to vector<16xf32>
        %add3A_1794 = arith.addf %add3A_1787, %get3A_1793 : vector<16xf32>
        %add3A_1795 = arith.constant 16 : i32
        %add3A_1796 = arith.addi %mul3A_84, %add3A_1795 : i32
        %get3A_1797 = arith.index_cast %add3A_1796 : i32 to index
        %get3A_1798 = arith.constant 112 : index
        %get3A_1799 = tpu.vector_load %arg6[%get3A_1797, %get3A_1798] {strides = array<i32>} : memref<512x128xf32, #tpu.memory_space<vmem>>, vector<1x16xf32>,
        %get3A_1800 = vector.shape_cast %get3A_1799 : vector<1x16xf32> to vector<16xf32>
        %add3A_1801 = arith.addf %add3A_1794, %get3A_1800 : vector<16xf32>
        %add3A_1802 = arith.constant 17 : i32
        %add3A_1803 = arith.addi %mul3A_84, %add3A_1802 : i32
        %get3A_1804 = arith.index_cast %add3A_1803 : i32 to index
        %get3A_1805 = arith.constant 112 : index
        %get3A_1806 = tpu.vector_load %arg6[%get3A_1804, %get3A_1805] {strides = array<i32>} : memref<512x128xf32, #tpu.memory_space<vmem>>, vector<1x16xf32>,
        %get3A_1807 = vector.shape_cast %get3A_1806 : vector<1x16xf32> to vector<16xf32>
        %add3A_1808 = arith.addf %add3A_1801, %get3A_1807 : vector<16xf32>
        %add3A_1809 = arith.constant 18 : i32
        %add3A_1810 = arith.addi %mul3A_84, %add3A_1809 : i32
        %get3A_1811 = arith.index_cast %add3A_1810 : i32 to index
        %get3A_1812 = arith.constant 112 : index
        %get3A_1813 = tpu.vector_load %arg6[%get3A_1811, %get3A_1812] {strides = array<i32>} : memref<512x128xf32, #tpu.memory_space<vmem>>, vector<1x16xf32>,
        %get3A_1814 = vector.shape_cast %get3A_1813 : vector<1x16xf32> to vector<16xf32>
        %add3A_1815 = arith.addf %add3A_1808, %get3A_1814 : vector<16xf32>
        %add3A_1816 = arith.constant 19 : i32
        %add3A_1817 = arith.addi %mul3A_84, %add3A_1816 : i32
        %get3A_1818 = arith.index_cast %add3A_1817 : i32 to index
        %get3A_1819 = arith.constant 112 : index
        %get3A_1820 = tpu.vector_load %arg6[%get3A_1818, %get3A_1819] {strides = array<i32>} : memref<512x128xf32, #tpu.memory_space<vmem>>, vector<1x16xf32>,
        %get3A_1821 = vector.shape_cast %get3A_1820 : vector<1x16xf32> to vector<16xf32>
        %add3A_1822 = arith.addf %add3A_1815, %get3A_1821 : vector<16xf32>
        %add3A_1823 = arith.constant 20 : i32
        %add3A_1824 = arith.addi %mul3A_84, %add3A_1823 : i32
        %get3A_1825 = arith.index_cast %add3A_1824 : i32 to index
        %get3A_1826 = arith.constant 112 : index
        %get3A_1827 = tpu.vector_load %arg6[%get3A_1825, %get3A_1826] {strides = array<i32>} : memref<512x128xf32, #tpu.memory_space<vmem>>, vector<1x16xf32>,
        %get3A_1828 = vector.shape_cast %get3A_1827 : vector<1x16xf32> to vector<16xf32>
        %add3A_1829 = arith.addf %add3A_1822, %get3A_1828 : vector<16xf32>
        %add3A_1830 = arith.constant 21 : i32
        %add3A_1831 = arith.addi %mul3A_84, %add3A_1830 : i32
        %get3A_1832 = arith.index_cast %add3A_1831 : i32 to index
        %get3A_1833 = arith.constant 112 : index
        %get3A_1834 = tpu.vector_load %arg6[%get3A_1832, %get3A_1833] {strides = array<i32>} : memref<512x128xf32, #tpu.memory_space<vmem>>, vector<1x16xf32>,
        %get3A_1835 = vector.shape_cast %get3A_1834 : vector<1x16xf32> to vector<16xf32>
        %add3A_1836 = arith.addf %add3A_1829, %get3A_1835 : vector<16xf32>
        %add3A_1837 = arith.constant 22 : i32
        %add3A_1838 = arith.addi %mul3A_84, %add3A_1837 : i32
        %get3A_1839 = arith.index_cast %add3A_1838 : i32 to index
        %get3A_1840 = arith.constant 112 : index
        %get3A_1841 = tpu.vector_load %arg6[%get3A_1839, %get3A_1840] {strides = array<i32>} : memref<512x128xf32, #tpu.memory_space<vmem>>, vector<1x16xf32>,
        %get3A_1842 = vector.shape_cast %get3A_1841 : vector<1x16xf32> to vector<16xf32>
        %add3A_1843 = arith.addf %add3A_1836, %get3A_1842 : vector<16xf32>
        %add3A_1844 = arith.constant 23 : i32
        %add3A_1845 = arith.addi %mul3A_84, %add3A_1844 : i32
        %get3A_1846 = arith.index_cast %add3A_1845 : i32 to index
        %get3A_1847 = arith.constant 112 : index
        %get3A_1848 = tpu.vector_load %arg6[%get3A_1846, %get3A_1847] {strides = array<i32>} : memref<512x128xf32, #tpu.memory_space<vmem>>, vector<1x16xf32>,
        %get3A_1849 = vector.shape_cast %get3A_1848 : vector<1x16xf32> to vector<16xf32>
        %add3A_1850 = arith.addf %add3A_1843, %get3A_1849 : vector<16xf32>
        %add3A_1851 = arith.constant 24 : i32
        %add3A_1852 = arith.addi %mul3A_84, %add3A_1851 : i32
        %get3A_1853 = arith.index_cast %add3A_1852 : i32 to index
        %get3A_1854 = arith.constant 112 : index
        %get3A_1855 = tpu.vector_load %arg6[%get3A_1853, %get3A_1854] {strides = array<i32>} : memref<512x128xf32, #tpu.memory_space<vmem>>, vector<1x16xf32>,
        %get3A_1856 = vector.shape_cast %get3A_1855 : vector<1x16xf32> to vector<16xf32>
        %add3A_1857 = arith.addf %add3A_1850, %get3A_1856 : vector<16xf32>
        %add3A_1858 = arith.constant 25 : i32
        %add3A_1859 = arith.addi %mul3A_84, %add3A_1858 : i32
        %get3A_1860 = arith.index_cast %add3A_1859 : i32 to index
        %get3A_1861 = arith.constant 112 : index
        %get3A_1862 = tpu.vector_load %arg6[%get3A_1860, %get3A_1861] {strides = array<i32>} : memref<512x128xf32, #tpu.memory_space<vmem>>, vector<1x16xf32>,
        %get3A_1863 = vector.shape_cast %get3A_1862 : vector<1x16xf32> to vector<16xf32>
        %add3A_1864 = arith.addf %add3A_1857, %get3A_1863 : vector<16xf32>
        %add3A_1865 = arith.constant 26 : i32
        %add3A_1866 = arith.addi %mul3A_84, %add3A_1865 : i32
        %get3A_1867 = arith.index_cast %add3A_1866 : i32 to index
        %get3A_1868 = arith.constant 112 : index
        %get3A_1869 = tpu.vector_load %arg6[%get3A_1867, %get3A_1868] {strides = array<i32>} : memref<512x128xf32, #tpu.memory_space<vmem>>, vector<1x16xf32>,
        %get3A_1870 = vector.shape_cast %get3A_1869 : vector<1x16xf32> to vector<16xf32>
        %add3A_1871 = arith.addf %add3A_1864, %get3A_1870 : vector<16xf32>
        %add3A_1872 = arith.constant 27 : i32
        %add3A_1873 = arith.addi %mul3A_84, %add3A_1872 : i32
        %get3A_1874 = arith.index_cast %add3A_1873 : i32 to index
        %get3A_1875 = arith.constant 112 : index
        %get3A_1876 = tpu.vector_load %arg6[%get3A_1874, %get3A_1875] {strides = array<i32>} : memref<512x128xf32, #tpu.memory_space<vmem>>, vector<1x16xf32>,
        %get3A_1877 = vector.shape_cast %get3A_1876 : vector<1x16xf32> to vector<16xf32>
        %add3A_1878 = arith.addf %add3A_1871, %get3A_1877 : vector<16xf32>
        %add3A_1879 = arith.constant 28 : i32
        %add3A_1880 = arith.addi %mul3A_84, %add3A_1879 : i32
        %get3A_1881 = arith.index_cast %add3A_1880 : i32 to index
        %get3A_1882 = arith.constant 112 : index
        %get3A_1883 = tpu.vector_load %arg6[%get3A_1881, %get3A_1882] {strides = array<i32>} : memref<512x128xf32, #tpu.memory_space<vmem>>, vector<1x16xf32>,
        %get3A_1884 = vector.shape_cast %get3A_1883 : vector<1x16xf32> to vector<16xf32>
        %add3A_1885 = arith.addf %add3A_1878, %get3A_1884 : vector<16xf32>
        %add3A_1886 = arith.constant 29 : i32
        %add3A_1887 = arith.addi %mul3A_84, %add3A_1886 : i32
        %get3A_1888 = arith.index_cast %add3A_1887 : i32 to index
        %get3A_1889 = arith.constant 112 : index
        %get3A_1890 = tpu.vector_load %arg6[%get3A_1888, %get3A_1889] {strides = array<i32>} : memref<512x128xf32, #tpu.memory_space<vmem>>, vector<1x16xf32>,
        %get3A_1891 = vector.shape_cast %get3A_1890 : vector<1x16xf32> to vector<16xf32>
        %add3A_1892 = arith.addf %add3A_1885, %get3A_1891 : vector<16xf32>
        %add3A_1893 = arith.constant 30 : i32
        %add3A_1894 = arith.addi %mul3A_84, %add3A_1893 : i32
        %get3A_1895 = arith.index_cast %add3A_1894 : i32 to index
        %get3A_1896 = arith.constant 112 : index
        %get3A_1897 = tpu.vector_load %arg6[%get3A_1895, %get3A_1896] {strides = array<i32>} : memref<512x128xf32, #tpu.memory_space<vmem>>, vector<1x16xf32>,
        %get3A_1898 = vector.shape_cast %get3A_1897 : vector<1x16xf32> to vector<16xf32>
        %add3A_1899 = arith.addf %add3A_1892, %get3A_1898 : vector<16xf32>
        %add3A_1900 = arith.constant 31 : i32
        %add3A_1901 = arith.addi %mul3A_84, %add3A_1900 : i32
        %get3A_1902 = arith.index_cast %add3A_1901 : i32 to index
        %get3A_1903 = arith.constant 112 : index
        %get3A_1904 = tpu.vector_load %arg6[%get3A_1902, %get3A_1903] {strides = array<i32>} : memref<512x128xf32, #tpu.memory_space<vmem>>, vector<1x16xf32>,
        %get3A_1905 = vector.shape_cast %get3A_1904 : vector<1x16xf32> to vector<16xf32>
        %add3A_1906 = arith.addf %add3A_1899, %get3A_1905 : vector<16xf32>
        %mul3A_1907 = arith.constant 3.125000e-02 : f32
        %mul3A_1908 = vector.broadcast %mul3A_1907 : f32 to vector<16xf32>
        %mul3A_1909 = arith.mulf %add3A_1906, %mul3A_1908 : vector<16xf32>
        %swap3A_1910 = arith.index_cast %scan3A_82 : i32 to index
        %swap3A_1911 = arith.constant 112 : index
        %swap3A_1912 = tpu.vector_load %arg7[%swap3A_1910, %swap3A_1911] {strides = array<i32>} : memref<16x128xf32, #tpu.memory_space<vmem>>, vector<1x16xf32>,
        %swap3A_1913 = vector.shape_cast %swap3A_1912 : vector<1x16xf32> to vector<16xf32>
        %swap3A_1914 = vector.shape_cast %mul3A_1909 : vector<16xf32> to vector<1x16xf32>
        tpu.vector_store %arg7[%swap3A_1910, %swap3A_1911], %swap3A_1914 {strides = array<i32>} : memref<16x128xf32, #tpu.memory_space<vmem>>, vector<1x16xf32>,
      }
      %scan3A_81 = arith.constant 16 : i32
      "tpu.region"() ({
        %run_scoped3A = tpu.sem_alloc : memref<!tpu.dma_semaphore, #tpu.memory_space<semaphore_mem>>
        %dma_start3A_82 = arith.constant 0 : i32
        %dma_start3A_83 = tpu.memref_slice %arg4[%mul3A_11, %dma_start3A_82] : memref<10240x128xf32, #tpu.memory_space<hbm>> -> memref<16x128xf32, #tpu.memory_space<hbm>>
        %dma_start3A_84 = arith.constant 0 : i32
        %dma_start3A_85 = tpu.memref_slice %arg4[%mul3A_11, %dma_start3A_84] : memref<10240x128xf32, #tpu.memory_space<hbm>> -> memref<16x128xf32, #tpu.memory_space<hbm>>
        tpu.enqueue_dma source(%arg7 : memref<16x128xf32, #tpu.memory_space<vmem>>) target(%dma_start3A_85 : memref<16x128xf32, #tpu.memory_space<hbm>>) target_semaphore(%run_scoped3A : memref<!tpu.dma_semaphore, #tpu.memory_space<semaphore_mem>>)
        %dma_wait3A_86 = arith.constant 0 : i32
        %dma_wait3A_87 = tpu.memref_slice %arg4[%mul3A_11, %dma_wait3A_86] : memref<10240x128xf32, #tpu.memory_space<hbm>> -> memref<16x128xf32, #tpu.memory_space<hbm>>
        %dma_wait3A_88 = arith.constant 0 : i32
        %dma_wait3A_89 = tpu.memref_slice %arg4[%mul3A_11, %dma_wait3A_88] : memref<10240x128xf32, #tpu.memory_space<hbm>> -> memref<16x128xf32, #tpu.memory_space<hbm>>
        tpu.wait_dma2 semaphore(%run_scoped3A : memref<!tpu.dma_semaphore, #tpu.memory_space<semaphore_mem>>) src(%arg7 : memref<16x128xf32, #tpu.memory_space<vmem>>) dst(%dma_wait3A_89 : memref<16x128xf32, #tpu.memory_space<hbm>>)
        tpu.yield
      }) : () -> ()
    }
    %scan3A_5 = arith.constant 20 : i32
    return
  }
}

#map = affine_map<(d0, d1) -> (0, 0)>
#map1 = affine_map<(d0, d1) -> (0)>
module attributes {stable_mosaic.version = 14 : i64} {
  func.func @k(%arg0: i32, %arg1: i32, %arg2: memref<320000x128xf32, #tpu.memory_space<hbm>>, %arg3: memref<2560000xi32, #tpu.memory_space<hbm>>, %arg4: memref<320000x128xf32, #tpu.memory_space<hbm>>, %arg5: memref<640xi32, #tpu.memory_space<vmem>>, %arg6: memref<640x128xf32, #tpu.memory_space<vmem>>, %arg7: memref<80x128xf32, #tpu.memory_space<vmem>>, %arg8: memref<!tpu.dma_semaphore, #tpu.memory_space<semaphore_mem>>) attributes {dimension_semantics = [#tpu.dimension_semantics<core_parallel>, #tpu.dimension_semantics<subcore_parallel>], iteration_bounds = array<i64: 2, 16>, scalar_prefetch = 0 : i64, scratch_operands = 4 : i64, tpu.core_type = #tpu.core_type<sc_vector_subcore>, window_params = [{transform_indices = #map}, {transform_indices = #map1}, {transform_indices = #map}]} {
    %mul3A = arith.constant 2 : i32
    %mul3A_0 = arith.muli %arg1, %mul3A : i32
    %add3A = arith.addi %mul3A_0, %arg0 : i32
    %scan3A = arith.constant 0 : i32
    %scan3A_1 = arith.constant 0 : i32
    %scan3A_2 = arith.constant 125 : i32
    %scan3A_3 = arith.addi %scan3A_1, %scan3A_2 : i32
    %scan3A_4 = arith.constant 1 : i32
    scf.for %scan3A_6 = %scan3A_1 to %scan3A_3 step %scan3A_4  : i32 {
      %mul3A_7 = arith.constant 125 : i32
      %mul3A_8 = arith.muli %add3A, %mul3A_7 : i32
      %add3A_9 = arith.addi %mul3A_8, %scan3A_6 : i32
      %mul3A_10 = arith.constant 80 : i32
      %mul3A_11 = arith.muli %add3A_9, %mul3A_10 : i32
      %mul3A_12 = arith.constant 640 : i32
      %mul3A_13 = arith.muli %add3A_9, %mul3A_12 : i32
      "tpu.region"() ({
        %run_scoped3A = tpu.sem_alloc : memref<!tpu.dma_semaphore, #tpu.memory_space<semaphore_mem>>
        %dma_start3A_98 = tpu.memref_slice %arg3[%mul3A_13] : memref<2560000xi32, #tpu.memory_space<hbm>> -> memref<640xi32, #tpu.memory_space<hbm>>
        %dma_start3A_99 = tpu.memref_slice %arg3[%mul3A_13] : memref<2560000xi32, #tpu.memory_space<hbm>> -> memref<640xi32, #tpu.memory_space<hbm>>
        tpu.enqueue_dma source(%dma_start3A_99 : memref<640xi32, #tpu.memory_space<hbm>>) target(%arg5 : memref<640xi32, #tpu.memory_space<vmem>>) target_semaphore(%run_scoped3A : memref<!tpu.dma_semaphore, #tpu.memory_space<semaphore_mem>>)
        %dma_wait3A_100 = tpu.memref_slice %arg3[%mul3A_13] : memref<2560000xi32, #tpu.memory_space<hbm>> -> memref<640xi32, #tpu.memory_space<hbm>>
        %dma_wait3A_101 = tpu.memref_slice %arg3[%mul3A_13] : memref<2560000xi32, #tpu.memory_space<hbm>> -> memref<640xi32, #tpu.memory_space<hbm>>
        tpu.wait_dma2 semaphore(%run_scoped3A : memref<!tpu.dma_semaphore, #tpu.memory_space<semaphore_mem>>) src(%dma_wait3A_101 : memref<640xi32, #tpu.memory_space<hbm>>) dst(%arg5 : memref<640xi32, #tpu.memory_space<vmem>>)
        tpu.yield
      }) : () -> ()
      %dma_start3A = arith.constant 0 : i32
      %dma_start3A_14 = arith.constant 0 : i32
      %dma_start3A_15 = tpu.memref_slice %arg6[%dma_start3A, %dma_start3A_14] : memref<640x128xf32, #tpu.memory_space<vmem>> -> memref<128x128xf32, #tpu.memory_space<vmem>>
      %dma_start3A_16 = arith.constant 0 : i32
      %dma_start3A_17 = tpu.memref_slice %arg5[%dma_start3A_16] : memref<640xi32, #tpu.memory_space<vmem>> -> memref<128xi32, #tpu.memory_space<vmem>>
      %dma_start3A_18 = arith.constant 0 : i32
      %dma_start3A_19 = arith.constant 0 : i32
      %dma_start3A_20 = tpu.memref_slice %arg2[%dma_start3A_18, %dma_start3A_19] : memref<320000x128xf32, #tpu.memory_space<hbm>> -> memref<320000x128xf32, #tpu.memory_space<hbm>>
      tpu.enqueue_indirect_dma source(%dma_start3A_20 : memref<320000x128xf32, #tpu.memory_space<hbm>>) target(%dma_start3A_15 : memref<128x128xf32, #tpu.memory_space<vmem>>) offsets(%dma_start3A_17 : memref<128xi32, #tpu.memory_space<vmem>>) semaphore(%arg8 : memref<!tpu.dma_semaphore, #tpu.memory_space<semaphore_mem>>)
      %dma_start3A_21 = arith.constant 128 : i32
      %dma_start3A_22 = arith.constant 0 : i32
      %dma_start3A_23 = tpu.memref_slice %arg6[%dma_start3A_21, %dma_start3A_22] : memref<640x128xf32, #tpu.memory_space<vmem>> -> memref<128x128xf32, #tpu.memory_space<vmem>>
      %dma_start3A_24 = arith.constant 128 : i32
      %dma_start3A_25 = tpu.memref_slice %arg5[%dma_start3A_24] : memref<640xi32, #tpu.memory_space<vmem>> -> memref<128xi32, #tpu.memory_space<vmem>>
      %dma_start3A_26 = arith.constant 0 : i32
      %dma_start3A_27 = arith.constant 0 : i32
      %dma_start3A_28 = tpu.memref_slice %arg2[%dma_start3A_26, %dma_start3A_27] : memref<320000x128xf32, #tpu.memory_space<hbm>> -> memref<320000x128xf32, #tpu.memory_space<hbm>>
      tpu.enqueue_indirect_dma source(%dma_start3A_28 : memref<320000x128xf32, #tpu.memory_space<hbm>>) target(%dma_start3A_23 : memref<128x128xf32, #tpu.memory_space<vmem>>) offsets(%dma_start3A_25 : memref<128xi32, #tpu.memory_space<vmem>>) semaphore(%arg8 : memref<!tpu.dma_semaphore, #tpu.memory_space<semaphore_mem>>)
      %dma_start3A_29 = arith.constant 256 : i32
      %dma_start3A_30 = arith.constant 0 : i32
      %dma_start3A_31 = tpu.memref_slice %arg6[%dma_start3A_29, %dma_start3A_30] : memref<640x128xf32, #tpu.memory_space<vmem>> -> memref<128x128xf32, #tpu.memory_space<vmem>>
      %dma_start3A_32 = arith.constant 256 : i32
      %dma_start3A_33 = tpu.memref_slice %arg5[%dma_start3A_32] : memref<640xi32, #tpu.memory_space<vmem>> -> memref<128xi32, #tpu.memory_space<vmem>>
      %dma_start3A_34 = arith.constant 0 : i32
      %dma_start3A_35 = arith.constant 0 : i32
      %dma_start3A_36 = tpu.memref_slice %arg2[%dma_start3A_34, %dma_start3A_35] : memref<320000x128xf32, #tpu.memory_space<hbm>> -> memref<320000x128xf32, #tpu.memory_space<hbm>>
      tpu.enqueue_indirect_dma source(%dma_start3A_36 : memref<320000x128xf32, #tpu.memory_space<hbm>>) target(%dma_start3A_31 : memref<128x128xf32, #tpu.memory_space<vmem>>) offsets(%dma_start3A_33 : memref<128xi32, #tpu.memory_space<vmem>>) semaphore(%arg8 : memref<!tpu.dma_semaphore, #tpu.memory_space<semaphore_mem>>)
      %dma_start3A_37 = arith.constant 384 : i32
      %dma_start3A_38 = arith.constant 0 : i32
      %dma_start3A_39 = tpu.memref_slice %arg6[%dma_start3A_37, %dma_start3A_38] : memref<640x128xf32, #tpu.memory_space<vmem>> -> memref<128x128xf32, #tpu.memory_space<vmem>>
      %dma_start3A_40 = arith.constant 384 : i32
      %dma_start3A_41 = tpu.memref_slice %arg5[%dma_start3A_40] : memref<640xi32, #tpu.memory_space<vmem>> -> memref<128xi32, #tpu.memory_space<vmem>>
      %dma_start3A_42 = arith.constant 0 : i32
      %dma_start3A_43 = arith.constant 0 : i32
      %dma_start3A_44 = tpu.memref_slice %arg2[%dma_start3A_42, %dma_start3A_43] : memref<320000x128xf32, #tpu.memory_space<hbm>> -> memref<320000x128xf32, #tpu.memory_space<hbm>>
      tpu.enqueue_indirect_dma source(%dma_start3A_44 : memref<320000x128xf32, #tpu.memory_space<hbm>>) target(%dma_start3A_39 : memref<128x128xf32, #tpu.memory_space<vmem>>) offsets(%dma_start3A_41 : memref<128xi32, #tpu.memory_space<vmem>>) semaphore(%arg8 : memref<!tpu.dma_semaphore, #tpu.memory_space<semaphore_mem>>)
      %dma_start3A_45 = arith.constant 512 : i32
      %dma_start3A_46 = arith.constant 0 : i32
      %dma_start3A_47 = tpu.memref_slice %arg6[%dma_start3A_45, %dma_start3A_46] : memref<640x128xf32, #tpu.memory_space<vmem>> -> memref<128x128xf32, #tpu.memory_space<vmem>>
      %dma_start3A_48 = arith.constant 512 : i32
      %dma_start3A_49 = tpu.memref_slice %arg5[%dma_start3A_48] : memref<640xi32, #tpu.memory_space<vmem>> -> memref<128xi32, #tpu.memory_space<vmem>>
      %dma_start3A_50 = arith.constant 0 : i32
      %dma_start3A_51 = arith.constant 0 : i32
      %dma_start3A_52 = tpu.memref_slice %arg2[%dma_start3A_50, %dma_start3A_51] : memref<320000x128xf32, #tpu.memory_space<hbm>> -> memref<320000x128xf32, #tpu.memory_space<hbm>>
      tpu.enqueue_indirect_dma source(%dma_start3A_52 : memref<320000x128xf32, #tpu.memory_space<hbm>>) target(%dma_start3A_47 : memref<128x128xf32, #tpu.memory_space<vmem>>) offsets(%dma_start3A_49 : memref<128xi32, #tpu.memory_space<vmem>>) semaphore(%arg8 : memref<!tpu.dma_semaphore, #tpu.memory_space<semaphore_mem>>)
      %dma_wait3A = arith.constant 0 : i32
      %dma_wait3A_53 = arith.constant 0 : i32
      %dma_wait3A_54 = tpu.memref_slice %arg6[%dma_wait3A, %dma_wait3A_53] : memref<640x128xf32, #tpu.memory_space<vmem>> -> memref<128x128xf32, #tpu.memory_space<vmem>>
      %dma_wait3A_55 = arith.constant 0 : i32
      %dma_wait3A_56 = tpu.memref_slice %arg5[%dma_wait3A_55] : memref<640xi32, #tpu.memory_space<vmem>> -> memref<128xi32, #tpu.memory_space<vmem>>
      %dma_wait3A_57 = arith.constant 0 : i32
      %dma_wait3A_58 = arith.constant 0 : i32
      %dma_wait3A_59 = tpu.memref_slice %arg2[%dma_wait3A_57, %dma_wait3A_58] : memref<320000x128xf32, #tpu.memory_space<hbm>> -> memref<320000x128xf32, #tpu.memory_space<hbm>>
      tpu.wait_indirect_dma semaphore(%arg8 : memref<!tpu.dma_semaphore, #tpu.memory_space<semaphore_mem>>) src(%dma_wait3A_59 : memref<320000x128xf32, #tpu.memory_space<hbm>>) dst(%dma_wait3A_54 : memref<128x128xf32, #tpu.memory_space<vmem>>)
      %dma_wait3A_60 = arith.constant 128 : i32
      %dma_wait3A_61 = arith.constant 0 : i32
      %dma_wait3A_62 = tpu.memref_slice %arg6[%dma_wait3A_60, %dma_wait3A_61] : memref<640x128xf32, #tpu.memory_space<vmem>> -> memref<128x128xf32, #tpu.memory_space<vmem>>
      %dma_wait3A_63 = arith.constant 128 : i32
      %dma_wait3A_64 = tpu.memref_slice %arg5[%dma_wait3A_63] : memref<640xi32, #tpu.memory_space<vmem>> -> memref<128xi32, #tpu.memory_space<vmem>>
      %dma_wait3A_65 = arith.constant 0 : i32
      %dma_wait3A_66 = arith.constant 0 : i32
      %dma_wait3A_67 = tpu.memref_slice %arg2[%dma_wait3A_65, %dma_wait3A_66] : memref<320000x128xf32, #tpu.memory_space<hbm>> -> memref<320000x128xf32, #tpu.memory_space<hbm>>
      tpu.wait_indirect_dma semaphore(%arg8 : memref<!tpu.dma_semaphore, #tpu.memory_space<semaphore_mem>>) src(%dma_wait3A_67 : memref<320000x128xf32, #tpu.memory_space<hbm>>) dst(%dma_wait3A_62 : memref<128x128xf32, #tpu.memory_space<vmem>>)
      %dma_wait3A_68 = arith.constant 256 : i32
      %dma_wait3A_69 = arith.constant 0 : i32
      %dma_wait3A_70 = tpu.memref_slice %arg6[%dma_wait3A_68, %dma_wait3A_69] : memref<640x128xf32, #tpu.memory_space<vmem>> -> memref<128x128xf32, #tpu.memory_space<vmem>>
      %dma_wait3A_71 = arith.constant 256 : i32
      %dma_wait3A_72 = tpu.memref_slice %arg5[%dma_wait3A_71] : memref<640xi32, #tpu.memory_space<vmem>> -> memref<128xi32, #tpu.memory_space<vmem>>
      %dma_wait3A_73 = arith.constant 0 : i32
      %dma_wait3A_74 = arith.constant 0 : i32
      %dma_wait3A_75 = tpu.memref_slice %arg2[%dma_wait3A_73, %dma_wait3A_74] : memref<320000x128xf32, #tpu.memory_space<hbm>> -> memref<320000x128xf32, #tpu.memory_space<hbm>>
      tpu.wait_indirect_dma semaphore(%arg8 : memref<!tpu.dma_semaphore, #tpu.memory_space<semaphore_mem>>) src(%dma_wait3A_75 : memref<320000x128xf32, #tpu.memory_space<hbm>>) dst(%dma_wait3A_70 : memref<128x128xf32, #tpu.memory_space<vmem>>)
      %dma_wait3A_76 = arith.constant 384 : i32
      %dma_wait3A_77 = arith.constant 0 : i32
      %dma_wait3A_78 = tpu.memref_slice %arg6[%dma_wait3A_76, %dma_wait3A_77] : memref<640x128xf32, #tpu.memory_space<vmem>> -> memref<128x128xf32, #tpu.memory_space<vmem>>
      %dma_wait3A_79 = arith.constant 384 : i32
      %dma_wait3A_80 = tpu.memref_slice %arg5[%dma_wait3A_79] : memref<640xi32, #tpu.memory_space<vmem>> -> memref<128xi32, #tpu.memory_space<vmem>>
      %dma_wait3A_81 = arith.constant 0 : i32
      %dma_wait3A_82 = arith.constant 0 : i32
      %dma_wait3A_83 = tpu.memref_slice %arg2[%dma_wait3A_81, %dma_wait3A_82] : memref<320000x128xf32, #tpu.memory_space<hbm>> -> memref<320000x128xf32, #tpu.memory_space<hbm>>
      tpu.wait_indirect_dma semaphore(%arg8 : memref<!tpu.dma_semaphore, #tpu.memory_space<semaphore_mem>>) src(%dma_wait3A_83 : memref<320000x128xf32, #tpu.memory_space<hbm>>) dst(%dma_wait3A_78 : memref<128x128xf32, #tpu.memory_space<vmem>>)
      %dma_wait3A_84 = arith.constant 512 : i32
      %dma_wait3A_85 = arith.constant 0 : i32
      %dma_wait3A_86 = tpu.memref_slice %arg6[%dma_wait3A_84, %dma_wait3A_85] : memref<640x128xf32, #tpu.memory_space<vmem>> -> memref<128x128xf32, #tpu.memory_space<vmem>>
      %dma_wait3A_87 = arith.constant 512 : i32
      %dma_wait3A_88 = tpu.memref_slice %arg5[%dma_wait3A_87] : memref<640xi32, #tpu.memory_space<vmem>> -> memref<128xi32, #tpu.memory_space<vmem>>
      %dma_wait3A_89 = arith.constant 0 : i32
      %dma_wait3A_90 = arith.constant 0 : i32
      %dma_wait3A_91 = tpu.memref_slice %arg2[%dma_wait3A_89, %dma_wait3A_90] : memref<320000x128xf32, #tpu.memory_space<hbm>> -> memref<320000x128xf32, #tpu.memory_space<hbm>>
      tpu.wait_indirect_dma semaphore(%arg8 : memref<!tpu.dma_semaphore, #tpu.memory_space<semaphore_mem>>) src(%dma_wait3A_91 : memref<320000x128xf32, #tpu.memory_space<hbm>>) dst(%dma_wait3A_86 : memref<128x128xf32, #tpu.memory_space<vmem>>)
      %scan3A_92 = arith.constant 0 : i32
      %scan3A_93 = arith.constant 0 : i32
      %scan3A_94 = arith.constant 80 : i32
      %scan3A_95 = arith.addi %scan3A_93, %scan3A_94 : i32
      %scan3A_96 = arith.constant 1 : i32
      scf.for %scan3A_98 = %scan3A_93 to %scan3A_95 step %scan3A_96  : i32 {
        %mul3A_99 = arith.constant 8 : i32
        %mul3A_100 = arith.muli %scan3A_98, %mul3A_99 : i32
        %get3A = arith.index_cast %mul3A_100 : i32 to index
        %get3A_101 = arith.constant 0 : index
        %get3A_102 = tpu.vector_load %arg6[%get3A, %get3A_101] {strides = array<i32>} : memref<640x128xf32, #tpu.memory_space<vmem>>, vector<1x16xf32>,
        %get3A_103 = vector.shape_cast %get3A_102 : vector<1x16xf32> to vector<16xf32>
        %add3A_104 = arith.constant 1 : i32
        %add3A_105 = arith.addi %mul3A_100, %add3A_104 : i32
        %get3A_106 = arith.index_cast %add3A_105 : i32 to index
        %get3A_107 = arith.constant 0 : index
        %get3A_108 = tpu.vector_load %arg6[%get3A_106, %get3A_107] {strides = array<i32>} : memref<640x128xf32, #tpu.memory_space<vmem>>, vector<1x16xf32>,
        %get3A_109 = vector.shape_cast %get3A_108 : vector<1x16xf32> to vector<16xf32>
        %add3A_110 = arith.addf %get3A_103, %get3A_109 : vector<16xf32>
        %add3A_111 = arith.constant 2 : i32
        %add3A_112 = arith.addi %mul3A_100, %add3A_111 : i32
        %get3A_113 = arith.index_cast %add3A_112 : i32 to index
        %get3A_114 = arith.constant 0 : index
        %get3A_115 = tpu.vector_load %arg6[%get3A_113, %get3A_114] {strides = array<i32>} : memref<640x128xf32, #tpu.memory_space<vmem>>, vector<1x16xf32>,
        %get3A_116 = vector.shape_cast %get3A_115 : vector<1x16xf32> to vector<16xf32>
        %add3A_117 = arith.addf %add3A_110, %get3A_116 : vector<16xf32>
        %add3A_118 = arith.constant 3 : i32
        %add3A_119 = arith.addi %mul3A_100, %add3A_118 : i32
        %get3A_120 = arith.index_cast %add3A_119 : i32 to index
        %get3A_121 = arith.constant 0 : index
        %get3A_122 = tpu.vector_load %arg6[%get3A_120, %get3A_121] {strides = array<i32>} : memref<640x128xf32, #tpu.memory_space<vmem>>, vector<1x16xf32>,
        %get3A_123 = vector.shape_cast %get3A_122 : vector<1x16xf32> to vector<16xf32>
        %add3A_124 = arith.addf %add3A_117, %get3A_123 : vector<16xf32>
        %add3A_125 = arith.constant 4 : i32
        %add3A_126 = arith.addi %mul3A_100, %add3A_125 : i32
        %get3A_127 = arith.index_cast %add3A_126 : i32 to index
        %get3A_128 = arith.constant 0 : index
        %get3A_129 = tpu.vector_load %arg6[%get3A_127, %get3A_128] {strides = array<i32>} : memref<640x128xf32, #tpu.memory_space<vmem>>, vector<1x16xf32>,
        %get3A_130 = vector.shape_cast %get3A_129 : vector<1x16xf32> to vector<16xf32>
        %add3A_131 = arith.addf %add3A_124, %get3A_130 : vector<16xf32>
        %add3A_132 = arith.constant 5 : i32
        %add3A_133 = arith.addi %mul3A_100, %add3A_132 : i32
        %get3A_134 = arith.index_cast %add3A_133 : i32 to index
        %get3A_135 = arith.constant 0 : index
        %get3A_136 = tpu.vector_load %arg6[%get3A_134, %get3A_135] {strides = array<i32>} : memref<640x128xf32, #tpu.memory_space<vmem>>, vector<1x16xf32>,
        %get3A_137 = vector.shape_cast %get3A_136 : vector<1x16xf32> to vector<16xf32>
        %add3A_138 = arith.addf %add3A_131, %get3A_137 : vector<16xf32>
        %add3A_139 = arith.constant 6 : i32
        %add3A_140 = arith.addi %mul3A_100, %add3A_139 : i32
        %get3A_141 = arith.index_cast %add3A_140 : i32 to index
        %get3A_142 = arith.constant 0 : index
        %get3A_143 = tpu.vector_load %arg6[%get3A_141, %get3A_142] {strides = array<i32>} : memref<640x128xf32, #tpu.memory_space<vmem>>, vector<1x16xf32>,
        %get3A_144 = vector.shape_cast %get3A_143 : vector<1x16xf32> to vector<16xf32>
        %add3A_145 = arith.addf %add3A_138, %get3A_144 : vector<16xf32>
        %add3A_146 = arith.constant 7 : i32
        %add3A_147 = arith.addi %mul3A_100, %add3A_146 : i32
        %get3A_148 = arith.index_cast %add3A_147 : i32 to index
        %get3A_149 = arith.constant 0 : index
        %get3A_150 = tpu.vector_load %arg6[%get3A_148, %get3A_149] {strides = array<i32>} : memref<640x128xf32, #tpu.memory_space<vmem>>, vector<1x16xf32>,
        %get3A_151 = vector.shape_cast %get3A_150 : vector<1x16xf32> to vector<16xf32>
        %add3A_152 = arith.addf %add3A_145, %get3A_151 : vector<16xf32>
        %mul3A_153 = arith.constant 1.250000e-01 : f32
        %mul3A_154 = vector.broadcast %mul3A_153 : f32 to vector<16xf32>
        %mul3A_155 = arith.mulf %add3A_152, %mul3A_154 : vector<16xf32>
        %swap3A = arith.index_cast %scan3A_98 : i32 to index
        %swap3A_156 = arith.constant 0 : index
        %swap3A_157 = tpu.vector_load %arg7[%swap3A, %swap3A_156] {strides = array<i32>} : memref<80x128xf32, #tpu.memory_space<vmem>>, vector<1x16xf32>,
        %swap3A_158 = vector.shape_cast %swap3A_157 : vector<1x16xf32> to vector<16xf32>
        %swap3A_159 = vector.shape_cast %mul3A_155 : vector<16xf32> to vector<1x16xf32>
        tpu.vector_store %arg7[%swap3A, %swap3A_156], %swap3A_159 {strides = array<i32>} : memref<80x128xf32, #tpu.memory_space<vmem>>, vector<1x16xf32>,
        %get3A_160 = arith.index_cast %mul3A_100 : i32 to index
        %get3A_161 = arith.constant 16 : index
        %get3A_162 = tpu.vector_load %arg6[%get3A_160, %get3A_161] {strides = array<i32>} : memref<640x128xf32, #tpu.memory_space<vmem>>, vector<1x16xf32>,
        %get3A_163 = vector.shape_cast %get3A_162 : vector<1x16xf32> to vector<16xf32>
        %add3A_164 = arith.constant 1 : i32
        %add3A_165 = arith.addi %mul3A_100, %add3A_164 : i32
        %get3A_166 = arith.index_cast %add3A_165 : i32 to index
        %get3A_167 = arith.constant 16 : index
        %get3A_168 = tpu.vector_load %arg6[%get3A_166, %get3A_167] {strides = array<i32>} : memref<640x128xf32, #tpu.memory_space<vmem>>, vector<1x16xf32>,
        %get3A_169 = vector.shape_cast %get3A_168 : vector<1x16xf32> to vector<16xf32>
        %add3A_170 = arith.addf %get3A_163, %get3A_169 : vector<16xf32>
        %add3A_171 = arith.constant 2 : i32
        %add3A_172 = arith.addi %mul3A_100, %add3A_171 : i32
        %get3A_173 = arith.index_cast %add3A_172 : i32 to index
        %get3A_174 = arith.constant 16 : index
        %get3A_175 = tpu.vector_load %arg6[%get3A_173, %get3A_174] {strides = array<i32>} : memref<640x128xf32, #tpu.memory_space<vmem>>, vector<1x16xf32>,
        %get3A_176 = vector.shape_cast %get3A_175 : vector<1x16xf32> to vector<16xf32>
        %add3A_177 = arith.addf %add3A_170, %get3A_176 : vector<16xf32>
        %add3A_178 = arith.constant 3 : i32
        %add3A_179 = arith.addi %mul3A_100, %add3A_178 : i32
        %get3A_180 = arith.index_cast %add3A_179 : i32 to index
        %get3A_181 = arith.constant 16 : index
        %get3A_182 = tpu.vector_load %arg6[%get3A_180, %get3A_181] {strides = array<i32>} : memref<640x128xf32, #tpu.memory_space<vmem>>, vector<1x16xf32>,
        %get3A_183 = vector.shape_cast %get3A_182 : vector<1x16xf32> to vector<16xf32>
        %add3A_184 = arith.addf %add3A_177, %get3A_183 : vector<16xf32>
        %add3A_185 = arith.constant 4 : i32
        %add3A_186 = arith.addi %mul3A_100, %add3A_185 : i32
        %get3A_187 = arith.index_cast %add3A_186 : i32 to index
        %get3A_188 = arith.constant 16 : index
        %get3A_189 = tpu.vector_load %arg6[%get3A_187, %get3A_188] {strides = array<i32>} : memref<640x128xf32, #tpu.memory_space<vmem>>, vector<1x16xf32>,
        %get3A_190 = vector.shape_cast %get3A_189 : vector<1x16xf32> to vector<16xf32>
        %add3A_191 = arith.addf %add3A_184, %get3A_190 : vector<16xf32>
        %add3A_192 = arith.constant 5 : i32
        %add3A_193 = arith.addi %mul3A_100, %add3A_192 : i32
        %get3A_194 = arith.index_cast %add3A_193 : i32 to index
        %get3A_195 = arith.constant 16 : index
        %get3A_196 = tpu.vector_load %arg6[%get3A_194, %get3A_195] {strides = array<i32>} : memref<640x128xf32, #tpu.memory_space<vmem>>, vector<1x16xf32>,
        %get3A_197 = vector.shape_cast %get3A_196 : vector<1x16xf32> to vector<16xf32>
        %add3A_198 = arith.addf %add3A_191, %get3A_197 : vector<16xf32>
        %add3A_199 = arith.constant 6 : i32
        %add3A_200 = arith.addi %mul3A_100, %add3A_199 : i32
        %get3A_201 = arith.index_cast %add3A_200 : i32 to index
        %get3A_202 = arith.constant 16 : index
        %get3A_203 = tpu.vector_load %arg6[%get3A_201, %get3A_202] {strides = array<i32>} : memref<640x128xf32, #tpu.memory_space<vmem>>, vector<1x16xf32>,
        %get3A_204 = vector.shape_cast %get3A_203 : vector<1x16xf32> to vector<16xf32>
        %add3A_205 = arith.addf %add3A_198, %get3A_204 : vector<16xf32>
        %add3A_206 = arith.constant 7 : i32
        %add3A_207 = arith.addi %mul3A_100, %add3A_206 : i32
        %get3A_208 = arith.index_cast %add3A_207 : i32 to index
        %get3A_209 = arith.constant 16 : index
        %get3A_210 = tpu.vector_load %arg6[%get3A_208, %get3A_209] {strides = array<i32>} : memref<640x128xf32, #tpu.memory_space<vmem>>, vector<1x16xf32>,
        %get3A_211 = vector.shape_cast %get3A_210 : vector<1x16xf32> to vector<16xf32>
        %add3A_212 = arith.addf %add3A_205, %get3A_211 : vector<16xf32>
        %mul3A_213 = arith.constant 1.250000e-01 : f32
        %mul3A_214 = vector.broadcast %mul3A_213 : f32 to vector<16xf32>
        %mul3A_215 = arith.mulf %add3A_212, %mul3A_214 : vector<16xf32>
        %swap3A_216 = arith.index_cast %scan3A_98 : i32 to index
        %swap3A_217 = arith.constant 16 : index
        %swap3A_218 = tpu.vector_load %arg7[%swap3A_216, %swap3A_217] {strides = array<i32>} : memref<80x128xf32, #tpu.memory_space<vmem>>, vector<1x16xf32>,
        %swap3A_219 = vector.shape_cast %swap3A_218 : vector<1x16xf32> to vector<16xf32>
        %swap3A_220 = vector.shape_cast %mul3A_215 : vector<16xf32> to vector<1x16xf32>
        tpu.vector_store %arg7[%swap3A_216, %swap3A_217], %swap3A_220 {strides = array<i32>} : memref<80x128xf32, #tpu.memory_space<vmem>>, vector<1x16xf32>,
        %get3A_221 = arith.index_cast %mul3A_100 : i32 to index
        %get3A_222 = arith.constant 32 : index
        %get3A_223 = tpu.vector_load %arg6[%get3A_221, %get3A_222] {strides = array<i32>} : memref<640x128xf32, #tpu.memory_space<vmem>>, vector<1x16xf32>,
        %get3A_224 = vector.shape_cast %get3A_223 : vector<1x16xf32> to vector<16xf32>
        %add3A_225 = arith.constant 1 : i32
        %add3A_226 = arith.addi %mul3A_100, %add3A_225 : i32
        %get3A_227 = arith.index_cast %add3A_226 : i32 to index
        %get3A_228 = arith.constant 32 : index
        %get3A_229 = tpu.vector_load %arg6[%get3A_227, %get3A_228] {strides = array<i32>} : memref<640x128xf32, #tpu.memory_space<vmem>>, vector<1x16xf32>,
        %get3A_230 = vector.shape_cast %get3A_229 : vector<1x16xf32> to vector<16xf32>
        %add3A_231 = arith.addf %get3A_224, %get3A_230 : vector<16xf32>
        %add3A_232 = arith.constant 2 : i32
        %add3A_233 = arith.addi %mul3A_100, %add3A_232 : i32
        %get3A_234 = arith.index_cast %add3A_233 : i32 to index
        %get3A_235 = arith.constant 32 : index
        %get3A_236 = tpu.vector_load %arg6[%get3A_234, %get3A_235] {strides = array<i32>} : memref<640x128xf32, #tpu.memory_space<vmem>>, vector<1x16xf32>,
        %get3A_237 = vector.shape_cast %get3A_236 : vector<1x16xf32> to vector<16xf32>
        %add3A_238 = arith.addf %add3A_231, %get3A_237 : vector<16xf32>
        %add3A_239 = arith.constant 3 : i32
        %add3A_240 = arith.addi %mul3A_100, %add3A_239 : i32
        %get3A_241 = arith.index_cast %add3A_240 : i32 to index
        %get3A_242 = arith.constant 32 : index
        %get3A_243 = tpu.vector_load %arg6[%get3A_241, %get3A_242] {strides = array<i32>} : memref<640x128xf32, #tpu.memory_space<vmem>>, vector<1x16xf32>,
        %get3A_244 = vector.shape_cast %get3A_243 : vector<1x16xf32> to vector<16xf32>
        %add3A_245 = arith.addf %add3A_238, %get3A_244 : vector<16xf32>
        %add3A_246 = arith.constant 4 : i32
        %add3A_247 = arith.addi %mul3A_100, %add3A_246 : i32
        %get3A_248 = arith.index_cast %add3A_247 : i32 to index
        %get3A_249 = arith.constant 32 : index
        %get3A_250 = tpu.vector_load %arg6[%get3A_248, %get3A_249] {strides = array<i32>} : memref<640x128xf32, #tpu.memory_space<vmem>>, vector<1x16xf32>,
        %get3A_251 = vector.shape_cast %get3A_250 : vector<1x16xf32> to vector<16xf32>
        %add3A_252 = arith.addf %add3A_245, %get3A_251 : vector<16xf32>
        %add3A_253 = arith.constant 5 : i32
        %add3A_254 = arith.addi %mul3A_100, %add3A_253 : i32
        %get3A_255 = arith.index_cast %add3A_254 : i32 to index
        %get3A_256 = arith.constant 32 : index
        %get3A_257 = tpu.vector_load %arg6[%get3A_255, %get3A_256] {strides = array<i32>} : memref<640x128xf32, #tpu.memory_space<vmem>>, vector<1x16xf32>,
        %get3A_258 = vector.shape_cast %get3A_257 : vector<1x16xf32> to vector<16xf32>
        %add3A_259 = arith.addf %add3A_252, %get3A_258 : vector<16xf32>
        %add3A_260 = arith.constant 6 : i32
        %add3A_261 = arith.addi %mul3A_100, %add3A_260 : i32
        %get3A_262 = arith.index_cast %add3A_261 : i32 to index
        %get3A_263 = arith.constant 32 : index
        %get3A_264 = tpu.vector_load %arg6[%get3A_262, %get3A_263] {strides = array<i32>} : memref<640x128xf32, #tpu.memory_space<vmem>>, vector<1x16xf32>,
        %get3A_265 = vector.shape_cast %get3A_264 : vector<1x16xf32> to vector<16xf32>
        %add3A_266 = arith.addf %add3A_259, %get3A_265 : vector<16xf32>
        %add3A_267 = arith.constant 7 : i32
        %add3A_268 = arith.addi %mul3A_100, %add3A_267 : i32
        %get3A_269 = arith.index_cast %add3A_268 : i32 to index
        %get3A_270 = arith.constant 32 : index
        %get3A_271 = tpu.vector_load %arg6[%get3A_269, %get3A_270] {strides = array<i32>} : memref<640x128xf32, #tpu.memory_space<vmem>>, vector<1x16xf32>,
        %get3A_272 = vector.shape_cast %get3A_271 : vector<1x16xf32> to vector<16xf32>
        %add3A_273 = arith.addf %add3A_266, %get3A_272 : vector<16xf32>
        %mul3A_274 = arith.constant 1.250000e-01 : f32
        %mul3A_275 = vector.broadcast %mul3A_274 : f32 to vector<16xf32>
        %mul3A_276 = arith.mulf %add3A_273, %mul3A_275 : vector<16xf32>
        %swap3A_277 = arith.index_cast %scan3A_98 : i32 to index
        %swap3A_278 = arith.constant 32 : index
        %swap3A_279 = tpu.vector_load %arg7[%swap3A_277, %swap3A_278] {strides = array<i32>} : memref<80x128xf32, #tpu.memory_space<vmem>>, vector<1x16xf32>,
        %swap3A_280 = vector.shape_cast %swap3A_279 : vector<1x16xf32> to vector<16xf32>
        %swap3A_281 = vector.shape_cast %mul3A_276 : vector<16xf32> to vector<1x16xf32>
        tpu.vector_store %arg7[%swap3A_277, %swap3A_278], %swap3A_281 {strides = array<i32>} : memref<80x128xf32, #tpu.memory_space<vmem>>, vector<1x16xf32>,
        %get3A_282 = arith.index_cast %mul3A_100 : i32 to index
        %get3A_283 = arith.constant 48 : index
        %get3A_284 = tpu.vector_load %arg6[%get3A_282, %get3A_283] {strides = array<i32>} : memref<640x128xf32, #tpu.memory_space<vmem>>, vector<1x16xf32>,
        %get3A_285 = vector.shape_cast %get3A_284 : vector<1x16xf32> to vector<16xf32>
        %add3A_286 = arith.constant 1 : i32
        %add3A_287 = arith.addi %mul3A_100, %add3A_286 : i32
        %get3A_288 = arith.index_cast %add3A_287 : i32 to index
        %get3A_289 = arith.constant 48 : index
        %get3A_290 = tpu.vector_load %arg6[%get3A_288, %get3A_289] {strides = array<i32>} : memref<640x128xf32, #tpu.memory_space<vmem>>, vector<1x16xf32>,
        %get3A_291 = vector.shape_cast %get3A_290 : vector<1x16xf32> to vector<16xf32>
        %add3A_292 = arith.addf %get3A_285, %get3A_291 : vector<16xf32>
        %add3A_293 = arith.constant 2 : i32
        %add3A_294 = arith.addi %mul3A_100, %add3A_293 : i32
        %get3A_295 = arith.index_cast %add3A_294 : i32 to index
        %get3A_296 = arith.constant 48 : index
        %get3A_297 = tpu.vector_load %arg6[%get3A_295, %get3A_296] {strides = array<i32>} : memref<640x128xf32, #tpu.memory_space<vmem>>, vector<1x16xf32>,
        %get3A_298 = vector.shape_cast %get3A_297 : vector<1x16xf32> to vector<16xf32>
        %add3A_299 = arith.addf %add3A_292, %get3A_298 : vector<16xf32>
        %add3A_300 = arith.constant 3 : i32
        %add3A_301 = arith.addi %mul3A_100, %add3A_300 : i32
        %get3A_302 = arith.index_cast %add3A_301 : i32 to index
        %get3A_303 = arith.constant 48 : index
        %get3A_304 = tpu.vector_load %arg6[%get3A_302, %get3A_303] {strides = array<i32>} : memref<640x128xf32, #tpu.memory_space<vmem>>, vector<1x16xf32>,
        %get3A_305 = vector.shape_cast %get3A_304 : vector<1x16xf32> to vector<16xf32>
        %add3A_306 = arith.addf %add3A_299, %get3A_305 : vector<16xf32>
        %add3A_307 = arith.constant 4 : i32
        %add3A_308 = arith.addi %mul3A_100, %add3A_307 : i32
        %get3A_309 = arith.index_cast %add3A_308 : i32 to index
        %get3A_310 = arith.constant 48 : index
        %get3A_311 = tpu.vector_load %arg6[%get3A_309, %get3A_310] {strides = array<i32>} : memref<640x128xf32, #tpu.memory_space<vmem>>, vector<1x16xf32>,
        %get3A_312 = vector.shape_cast %get3A_311 : vector<1x16xf32> to vector<16xf32>
        %add3A_313 = arith.addf %add3A_306, %get3A_312 : vector<16xf32>
        %add3A_314 = arith.constant 5 : i32
        %add3A_315 = arith.addi %mul3A_100, %add3A_314 : i32
        %get3A_316 = arith.index_cast %add3A_315 : i32 to index
        %get3A_317 = arith.constant 48 : index
        %get3A_318 = tpu.vector_load %arg6[%get3A_316, %get3A_317] {strides = array<i32>} : memref<640x128xf32, #tpu.memory_space<vmem>>, vector<1x16xf32>,
        %get3A_319 = vector.shape_cast %get3A_318 : vector<1x16xf32> to vector<16xf32>
        %add3A_320 = arith.addf %add3A_313, %get3A_319 : vector<16xf32>
        %add3A_321 = arith.constant 6 : i32
        %add3A_322 = arith.addi %mul3A_100, %add3A_321 : i32
        %get3A_323 = arith.index_cast %add3A_322 : i32 to index
        %get3A_324 = arith.constant 48 : index
        %get3A_325 = tpu.vector_load %arg6[%get3A_323, %get3A_324] {strides = array<i32>} : memref<640x128xf32, #tpu.memory_space<vmem>>, vector<1x16xf32>,
        %get3A_326 = vector.shape_cast %get3A_325 : vector<1x16xf32> to vector<16xf32>
        %add3A_327 = arith.addf %add3A_320, %get3A_326 : vector<16xf32>
        %add3A_328 = arith.constant 7 : i32
        %add3A_329 = arith.addi %mul3A_100, %add3A_328 : i32
        %get3A_330 = arith.index_cast %add3A_329 : i32 to index
        %get3A_331 = arith.constant 48 : index
        %get3A_332 = tpu.vector_load %arg6[%get3A_330, %get3A_331] {strides = array<i32>} : memref<640x128xf32, #tpu.memory_space<vmem>>, vector<1x16xf32>,
        %get3A_333 = vector.shape_cast %get3A_332 : vector<1x16xf32> to vector<16xf32>
        %add3A_334 = arith.addf %add3A_327, %get3A_333 : vector<16xf32>
        %mul3A_335 = arith.constant 1.250000e-01 : f32
        %mul3A_336 = vector.broadcast %mul3A_335 : f32 to vector<16xf32>
        %mul3A_337 = arith.mulf %add3A_334, %mul3A_336 : vector<16xf32>
        %swap3A_338 = arith.index_cast %scan3A_98 : i32 to index
        %swap3A_339 = arith.constant 48 : index
        %swap3A_340 = tpu.vector_load %arg7[%swap3A_338, %swap3A_339] {strides = array<i32>} : memref<80x128xf32, #tpu.memory_space<vmem>>, vector<1x16xf32>,
        %swap3A_341 = vector.shape_cast %swap3A_340 : vector<1x16xf32> to vector<16xf32>
        %swap3A_342 = vector.shape_cast %mul3A_337 : vector<16xf32> to vector<1x16xf32>
        tpu.vector_store %arg7[%swap3A_338, %swap3A_339], %swap3A_342 {strides = array<i32>} : memref<80x128xf32, #tpu.memory_space<vmem>>, vector<1x16xf32>,
        %get3A_343 = arith.index_cast %mul3A_100 : i32 to index
        %get3A_344 = arith.constant 64 : index
        %get3A_345 = tpu.vector_load %arg6[%get3A_343, %get3A_344] {strides = array<i32>} : memref<640x128xf32, #tpu.memory_space<vmem>>, vector<1x16xf32>,
        %get3A_346 = vector.shape_cast %get3A_345 : vector<1x16xf32> to vector<16xf32>
        %add3A_347 = arith.constant 1 : i32
        %add3A_348 = arith.addi %mul3A_100, %add3A_347 : i32
        %get3A_349 = arith.index_cast %add3A_348 : i32 to index
        %get3A_350 = arith.constant 64 : index
        %get3A_351 = tpu.vector_load %arg6[%get3A_349, %get3A_350] {strides = array<i32>} : memref<640x128xf32, #tpu.memory_space<vmem>>, vector<1x16xf32>,
        %get3A_352 = vector.shape_cast %get3A_351 : vector<1x16xf32> to vector<16xf32>
        %add3A_353 = arith.addf %get3A_346, %get3A_352 : vector<16xf32>
        %add3A_354 = arith.constant 2 : i32
        %add3A_355 = arith.addi %mul3A_100, %add3A_354 : i32
        %get3A_356 = arith.index_cast %add3A_355 : i32 to index
        %get3A_357 = arith.constant 64 : index
        %get3A_358 = tpu.vector_load %arg6[%get3A_356, %get3A_357] {strides = array<i32>} : memref<640x128xf32, #tpu.memory_space<vmem>>, vector<1x16xf32>,
        %get3A_359 = vector.shape_cast %get3A_358 : vector<1x16xf32> to vector<16xf32>
        %add3A_360 = arith.addf %add3A_353, %get3A_359 : vector<16xf32>
        %add3A_361 = arith.constant 3 : i32
        %add3A_362 = arith.addi %mul3A_100, %add3A_361 : i32
        %get3A_363 = arith.index_cast %add3A_362 : i32 to index
        %get3A_364 = arith.constant 64 : index
        %get3A_365 = tpu.vector_load %arg6[%get3A_363, %get3A_364] {strides = array<i32>} : memref<640x128xf32, #tpu.memory_space<vmem>>, vector<1x16xf32>,
        %get3A_366 = vector.shape_cast %get3A_365 : vector<1x16xf32> to vector<16xf32>
        %add3A_367 = arith.addf %add3A_360, %get3A_366 : vector<16xf32>
        %add3A_368 = arith.constant 4 : i32
        %add3A_369 = arith.addi %mul3A_100, %add3A_368 : i32
        %get3A_370 = arith.index_cast %add3A_369 : i32 to index
        %get3A_371 = arith.constant 64 : index
        %get3A_372 = tpu.vector_load %arg6[%get3A_370, %get3A_371] {strides = array<i32>} : memref<640x128xf32, #tpu.memory_space<vmem>>, vector<1x16xf32>,
        %get3A_373 = vector.shape_cast %get3A_372 : vector<1x16xf32> to vector<16xf32>
        %add3A_374 = arith.addf %add3A_367, %get3A_373 : vector<16xf32>
        %add3A_375 = arith.constant 5 : i32
        %add3A_376 = arith.addi %mul3A_100, %add3A_375 : i32
        %get3A_377 = arith.index_cast %add3A_376 : i32 to index
        %get3A_378 = arith.constant 64 : index
        %get3A_379 = tpu.vector_load %arg6[%get3A_377, %get3A_378] {strides = array<i32>} : memref<640x128xf32, #tpu.memory_space<vmem>>, vector<1x16xf32>,
        %get3A_380 = vector.shape_cast %get3A_379 : vector<1x16xf32> to vector<16xf32>
        %add3A_381 = arith.addf %add3A_374, %get3A_380 : vector<16xf32>
        %add3A_382 = arith.constant 6 : i32
        %add3A_383 = arith.addi %mul3A_100, %add3A_382 : i32
        %get3A_384 = arith.index_cast %add3A_383 : i32 to index
        %get3A_385 = arith.constant 64 : index
        %get3A_386 = tpu.vector_load %arg6[%get3A_384, %get3A_385] {strides = array<i32>} : memref<640x128xf32, #tpu.memory_space<vmem>>, vector<1x16xf32>,
        %get3A_387 = vector.shape_cast %get3A_386 : vector<1x16xf32> to vector<16xf32>
        %add3A_388 = arith.addf %add3A_381, %get3A_387 : vector<16xf32>
        %add3A_389 = arith.constant 7 : i32
        %add3A_390 = arith.addi %mul3A_100, %add3A_389 : i32
        %get3A_391 = arith.index_cast %add3A_390 : i32 to index
        %get3A_392 = arith.constant 64 : index
        %get3A_393 = tpu.vector_load %arg6[%get3A_391, %get3A_392] {strides = array<i32>} : memref<640x128xf32, #tpu.memory_space<vmem>>, vector<1x16xf32>,
        %get3A_394 = vector.shape_cast %get3A_393 : vector<1x16xf32> to vector<16xf32>
        %add3A_395 = arith.addf %add3A_388, %get3A_394 : vector<16xf32>
        %mul3A_396 = arith.constant 1.250000e-01 : f32
        %mul3A_397 = vector.broadcast %mul3A_396 : f32 to vector<16xf32>
        %mul3A_398 = arith.mulf %add3A_395, %mul3A_397 : vector<16xf32>
        %swap3A_399 = arith.index_cast %scan3A_98 : i32 to index
        %swap3A_400 = arith.constant 64 : index
        %swap3A_401 = tpu.vector_load %arg7[%swap3A_399, %swap3A_400] {strides = array<i32>} : memref<80x128xf32, #tpu.memory_space<vmem>>, vector<1x16xf32>,
        %swap3A_402 = vector.shape_cast %swap3A_401 : vector<1x16xf32> to vector<16xf32>
        %swap3A_403 = vector.shape_cast %mul3A_398 : vector<16xf32> to vector<1x16xf32>
        tpu.vector_store %arg7[%swap3A_399, %swap3A_400], %swap3A_403 {strides = array<i32>} : memref<80x128xf32, #tpu.memory_space<vmem>>, vector<1x16xf32>,
        %get3A_404 = arith.index_cast %mul3A_100 : i32 to index
        %get3A_405 = arith.constant 80 : index
        %get3A_406 = tpu.vector_load %arg6[%get3A_404, %get3A_405] {strides = array<i32>} : memref<640x128xf32, #tpu.memory_space<vmem>>, vector<1x16xf32>,
        %get3A_407 = vector.shape_cast %get3A_406 : vector<1x16xf32> to vector<16xf32>
        %add3A_408 = arith.constant 1 : i32
        %add3A_409 = arith.addi %mul3A_100, %add3A_408 : i32
        %get3A_410 = arith.index_cast %add3A_409 : i32 to index
        %get3A_411 = arith.constant 80 : index
        %get3A_412 = tpu.vector_load %arg6[%get3A_410, %get3A_411] {strides = array<i32>} : memref<640x128xf32, #tpu.memory_space<vmem>>, vector<1x16xf32>,
        %get3A_413 = vector.shape_cast %get3A_412 : vector<1x16xf32> to vector<16xf32>
        %add3A_414 = arith.addf %get3A_407, %get3A_413 : vector<16xf32>
        %add3A_415 = arith.constant 2 : i32
        %add3A_416 = arith.addi %mul3A_100, %add3A_415 : i32
        %get3A_417 = arith.index_cast %add3A_416 : i32 to index
        %get3A_418 = arith.constant 80 : index
        %get3A_419 = tpu.vector_load %arg6[%get3A_417, %get3A_418] {strides = array<i32>} : memref<640x128xf32, #tpu.memory_space<vmem>>, vector<1x16xf32>,
        %get3A_420 = vector.shape_cast %get3A_419 : vector<1x16xf32> to vector<16xf32>
        %add3A_421 = arith.addf %add3A_414, %get3A_420 : vector<16xf32>
        %add3A_422 = arith.constant 3 : i32
        %add3A_423 = arith.addi %mul3A_100, %add3A_422 : i32
        %get3A_424 = arith.index_cast %add3A_423 : i32 to index
        %get3A_425 = arith.constant 80 : index
        %get3A_426 = tpu.vector_load %arg6[%get3A_424, %get3A_425] {strides = array<i32>} : memref<640x128xf32, #tpu.memory_space<vmem>>, vector<1x16xf32>,
        %get3A_427 = vector.shape_cast %get3A_426 : vector<1x16xf32> to vector<16xf32>
        %add3A_428 = arith.addf %add3A_421, %get3A_427 : vector<16xf32>
        %add3A_429 = arith.constant 4 : i32
        %add3A_430 = arith.addi %mul3A_100, %add3A_429 : i32
        %get3A_431 = arith.index_cast %add3A_430 : i32 to index
        %get3A_432 = arith.constant 80 : index
        %get3A_433 = tpu.vector_load %arg6[%get3A_431, %get3A_432] {strides = array<i32>} : memref<640x128xf32, #tpu.memory_space<vmem>>, vector<1x16xf32>,
        %get3A_434 = vector.shape_cast %get3A_433 : vector<1x16xf32> to vector<16xf32>
        %add3A_435 = arith.addf %add3A_428, %get3A_434 : vector<16xf32>
        %add3A_436 = arith.constant 5 : i32
        %add3A_437 = arith.addi %mul3A_100, %add3A_436 : i32
        %get3A_438 = arith.index_cast %add3A_437 : i32 to index
        %get3A_439 = arith.constant 80 : index
        %get3A_440 = tpu.vector_load %arg6[%get3A_438, %get3A_439] {strides = array<i32>} : memref<640x128xf32, #tpu.memory_space<vmem>>, vector<1x16xf32>,
        %get3A_441 = vector.shape_cast %get3A_440 : vector<1x16xf32> to vector<16xf32>
        %add3A_442 = arith.addf %add3A_435, %get3A_441 : vector<16xf32>
        %add3A_443 = arith.constant 6 : i32
        %add3A_444 = arith.addi %mul3A_100, %add3A_443 : i32
        %get3A_445 = arith.index_cast %add3A_444 : i32 to index
        %get3A_446 = arith.constant 80 : index
        %get3A_447 = tpu.vector_load %arg6[%get3A_445, %get3A_446] {strides = array<i32>} : memref<640x128xf32, #tpu.memory_space<vmem>>, vector<1x16xf32>,
        %get3A_448 = vector.shape_cast %get3A_447 : vector<1x16xf32> to vector<16xf32>
        %add3A_449 = arith.addf %add3A_442, %get3A_448 : vector<16xf32>
        %add3A_450 = arith.constant 7 : i32
        %add3A_451 = arith.addi %mul3A_100, %add3A_450 : i32
        %get3A_452 = arith.index_cast %add3A_451 : i32 to index
        %get3A_453 = arith.constant 80 : index
        %get3A_454 = tpu.vector_load %arg6[%get3A_452, %get3A_453] {strides = array<i32>} : memref<640x128xf32, #tpu.memory_space<vmem>>, vector<1x16xf32>,
        %get3A_455 = vector.shape_cast %get3A_454 : vector<1x16xf32> to vector<16xf32>
        %add3A_456 = arith.addf %add3A_449, %get3A_455 : vector<16xf32>
        %mul3A_457 = arith.constant 1.250000e-01 : f32
        %mul3A_458 = vector.broadcast %mul3A_457 : f32 to vector<16xf32>
        %mul3A_459 = arith.mulf %add3A_456, %mul3A_458 : vector<16xf32>
        %swap3A_460 = arith.index_cast %scan3A_98 : i32 to index
        %swap3A_461 = arith.constant 80 : index
        %swap3A_462 = tpu.vector_load %arg7[%swap3A_460, %swap3A_461] {strides = array<i32>} : memref<80x128xf32, #tpu.memory_space<vmem>>, vector<1x16xf32>,
        %swap3A_463 = vector.shape_cast %swap3A_462 : vector<1x16xf32> to vector<16xf32>
        %swap3A_464 = vector.shape_cast %mul3A_459 : vector<16xf32> to vector<1x16xf32>
        tpu.vector_store %arg7[%swap3A_460, %swap3A_461], %swap3A_464 {strides = array<i32>} : memref<80x128xf32, #tpu.memory_space<vmem>>, vector<1x16xf32>,
        %get3A_465 = arith.index_cast %mul3A_100 : i32 to index
        %get3A_466 = arith.constant 96 : index
        %get3A_467 = tpu.vector_load %arg6[%get3A_465, %get3A_466] {strides = array<i32>} : memref<640x128xf32, #tpu.memory_space<vmem>>, vector<1x16xf32>,
        %get3A_468 = vector.shape_cast %get3A_467 : vector<1x16xf32> to vector<16xf32>
        %add3A_469 = arith.constant 1 : i32
        %add3A_470 = arith.addi %mul3A_100, %add3A_469 : i32
        %get3A_471 = arith.index_cast %add3A_470 : i32 to index
        %get3A_472 = arith.constant 96 : index
        %get3A_473 = tpu.vector_load %arg6[%get3A_471, %get3A_472] {strides = array<i32>} : memref<640x128xf32, #tpu.memory_space<vmem>>, vector<1x16xf32>,
        %get3A_474 = vector.shape_cast %get3A_473 : vector<1x16xf32> to vector<16xf32>
        %add3A_475 = arith.addf %get3A_468, %get3A_474 : vector<16xf32>
        %add3A_476 = arith.constant 2 : i32
        %add3A_477 = arith.addi %mul3A_100, %add3A_476 : i32
        %get3A_478 = arith.index_cast %add3A_477 : i32 to index
        %get3A_479 = arith.constant 96 : index
        %get3A_480 = tpu.vector_load %arg6[%get3A_478, %get3A_479] {strides = array<i32>} : memref<640x128xf32, #tpu.memory_space<vmem>>, vector<1x16xf32>,
        %get3A_481 = vector.shape_cast %get3A_480 : vector<1x16xf32> to vector<16xf32>
        %add3A_482 = arith.addf %add3A_475, %get3A_481 : vector<16xf32>
        %add3A_483 = arith.constant 3 : i32
        %add3A_484 = arith.addi %mul3A_100, %add3A_483 : i32
        %get3A_485 = arith.index_cast %add3A_484 : i32 to index
        %get3A_486 = arith.constant 96 : index
        %get3A_487 = tpu.vector_load %arg6[%get3A_485, %get3A_486] {strides = array<i32>} : memref<640x128xf32, #tpu.memory_space<vmem>>, vector<1x16xf32>,
        %get3A_488 = vector.shape_cast %get3A_487 : vector<1x16xf32> to vector<16xf32>
        %add3A_489 = arith.addf %add3A_482, %get3A_488 : vector<16xf32>
        %add3A_490 = arith.constant 4 : i32
        %add3A_491 = arith.addi %mul3A_100, %add3A_490 : i32
        %get3A_492 = arith.index_cast %add3A_491 : i32 to index
        %get3A_493 = arith.constant 96 : index
        %get3A_494 = tpu.vector_load %arg6[%get3A_492, %get3A_493] {strides = array<i32>} : memref<640x128xf32, #tpu.memory_space<vmem>>, vector<1x16xf32>,
        %get3A_495 = vector.shape_cast %get3A_494 : vector<1x16xf32> to vector<16xf32>
        %add3A_496 = arith.addf %add3A_489, %get3A_495 : vector<16xf32>
        %add3A_497 = arith.constant 5 : i32
        %add3A_498 = arith.addi %mul3A_100, %add3A_497 : i32
        %get3A_499 = arith.index_cast %add3A_498 : i32 to index
        %get3A_500 = arith.constant 96 : index
        %get3A_501 = tpu.vector_load %arg6[%get3A_499, %get3A_500] {strides = array<i32>} : memref<640x128xf32, #tpu.memory_space<vmem>>, vector<1x16xf32>,
        %get3A_502 = vector.shape_cast %get3A_501 : vector<1x16xf32> to vector<16xf32>
        %add3A_503 = arith.addf %add3A_496, %get3A_502 : vector<16xf32>
        %add3A_504 = arith.constant 6 : i32
        %add3A_505 = arith.addi %mul3A_100, %add3A_504 : i32
        %get3A_506 = arith.index_cast %add3A_505 : i32 to index
        %get3A_507 = arith.constant 96 : index
        %get3A_508 = tpu.vector_load %arg6[%get3A_506, %get3A_507] {strides = array<i32>} : memref<640x128xf32, #tpu.memory_space<vmem>>, vector<1x16xf32>,
        %get3A_509 = vector.shape_cast %get3A_508 : vector<1x16xf32> to vector<16xf32>
        %add3A_510 = arith.addf %add3A_503, %get3A_509 : vector<16xf32>
        %add3A_511 = arith.constant 7 : i32
        %add3A_512 = arith.addi %mul3A_100, %add3A_511 : i32
        %get3A_513 = arith.index_cast %add3A_512 : i32 to index
        %get3A_514 = arith.constant 96 : index
        %get3A_515 = tpu.vector_load %arg6[%get3A_513, %get3A_514] {strides = array<i32>} : memref<640x128xf32, #tpu.memory_space<vmem>>, vector<1x16xf32>,
        %get3A_516 = vector.shape_cast %get3A_515 : vector<1x16xf32> to vector<16xf32>
        %add3A_517 = arith.addf %add3A_510, %get3A_516 : vector<16xf32>
        %mul3A_518 = arith.constant 1.250000e-01 : f32
        %mul3A_519 = vector.broadcast %mul3A_518 : f32 to vector<16xf32>
        %mul3A_520 = arith.mulf %add3A_517, %mul3A_519 : vector<16xf32>
        %swap3A_521 = arith.index_cast %scan3A_98 : i32 to index
        %swap3A_522 = arith.constant 96 : index
        %swap3A_523 = tpu.vector_load %arg7[%swap3A_521, %swap3A_522] {strides = array<i32>} : memref<80x128xf32, #tpu.memory_space<vmem>>, vector<1x16xf32>,
        %swap3A_524 = vector.shape_cast %swap3A_523 : vector<1x16xf32> to vector<16xf32>
        %swap3A_525 = vector.shape_cast %mul3A_520 : vector<16xf32> to vector<1x16xf32>
        tpu.vector_store %arg7[%swap3A_521, %swap3A_522], %swap3A_525 {strides = array<i32>} : memref<80x128xf32, #tpu.memory_space<vmem>>, vector<1x16xf32>,
        %get3A_526 = arith.index_cast %mul3A_100 : i32 to index
        %get3A_527 = arith.constant 112 : index
        %get3A_528 = tpu.vector_load %arg6[%get3A_526, %get3A_527] {strides = array<i32>} : memref<640x128xf32, #tpu.memory_space<vmem>>, vector<1x16xf32>,
        %get3A_529 = vector.shape_cast %get3A_528 : vector<1x16xf32> to vector<16xf32>
        %add3A_530 = arith.constant 1 : i32
        %add3A_531 = arith.addi %mul3A_100, %add3A_530 : i32
        %get3A_532 = arith.index_cast %add3A_531 : i32 to index
        %get3A_533 = arith.constant 112 : index
        %get3A_534 = tpu.vector_load %arg6[%get3A_532, %get3A_533] {strides = array<i32>} : memref<640x128xf32, #tpu.memory_space<vmem>>, vector<1x16xf32>,
        %get3A_535 = vector.shape_cast %get3A_534 : vector<1x16xf32> to vector<16xf32>
        %add3A_536 = arith.addf %get3A_529, %get3A_535 : vector<16xf32>
        %add3A_537 = arith.constant 2 : i32
        %add3A_538 = arith.addi %mul3A_100, %add3A_537 : i32
        %get3A_539 = arith.index_cast %add3A_538 : i32 to index
        %get3A_540 = arith.constant 112 : index
        %get3A_541 = tpu.vector_load %arg6[%get3A_539, %get3A_540] {strides = array<i32>} : memref<640x128xf32, #tpu.memory_space<vmem>>, vector<1x16xf32>,
        %get3A_542 = vector.shape_cast %get3A_541 : vector<1x16xf32> to vector<16xf32>
        %add3A_543 = arith.addf %add3A_536, %get3A_542 : vector<16xf32>
        %add3A_544 = arith.constant 3 : i32
        %add3A_545 = arith.addi %mul3A_100, %add3A_544 : i32
        %get3A_546 = arith.index_cast %add3A_545 : i32 to index
        %get3A_547 = arith.constant 112 : index
        %get3A_548 = tpu.vector_load %arg6[%get3A_546, %get3A_547] {strides = array<i32>} : memref<640x128xf32, #tpu.memory_space<vmem>>, vector<1x16xf32>,
        %get3A_549 = vector.shape_cast %get3A_548 : vector<1x16xf32> to vector<16xf32>
        %add3A_550 = arith.addf %add3A_543, %get3A_549 : vector<16xf32>
        %add3A_551 = arith.constant 4 : i32
        %add3A_552 = arith.addi %mul3A_100, %add3A_551 : i32
        %get3A_553 = arith.index_cast %add3A_552 : i32 to index
        %get3A_554 = arith.constant 112 : index
        %get3A_555 = tpu.vector_load %arg6[%get3A_553, %get3A_554] {strides = array<i32>} : memref<640x128xf32, #tpu.memory_space<vmem>>, vector<1x16xf32>,
        %get3A_556 = vector.shape_cast %get3A_555 : vector<1x16xf32> to vector<16xf32>
        %add3A_557 = arith.addf %add3A_550, %get3A_556 : vector<16xf32>
        %add3A_558 = arith.constant 5 : i32
        %add3A_559 = arith.addi %mul3A_100, %add3A_558 : i32
        %get3A_560 = arith.index_cast %add3A_559 : i32 to index
        %get3A_561 = arith.constant 112 : index
        %get3A_562 = tpu.vector_load %arg6[%get3A_560, %get3A_561] {strides = array<i32>} : memref<640x128xf32, #tpu.memory_space<vmem>>, vector<1x16xf32>,
        %get3A_563 = vector.shape_cast %get3A_562 : vector<1x16xf32> to vector<16xf32>
        %add3A_564 = arith.addf %add3A_557, %get3A_563 : vector<16xf32>
        %add3A_565 = arith.constant 6 : i32
        %add3A_566 = arith.addi %mul3A_100, %add3A_565 : i32
        %get3A_567 = arith.index_cast %add3A_566 : i32 to index
        %get3A_568 = arith.constant 112 : index
        %get3A_569 = tpu.vector_load %arg6[%get3A_567, %get3A_568] {strides = array<i32>} : memref<640x128xf32, #tpu.memory_space<vmem>>, vector<1x16xf32>,
        %get3A_570 = vector.shape_cast %get3A_569 : vector<1x16xf32> to vector<16xf32>
        %add3A_571 = arith.addf %add3A_564, %get3A_570 : vector<16xf32>
        %add3A_572 = arith.constant 7 : i32
        %add3A_573 = arith.addi %mul3A_100, %add3A_572 : i32
        %get3A_574 = arith.index_cast %add3A_573 : i32 to index
        %get3A_575 = arith.constant 112 : index
        %get3A_576 = tpu.vector_load %arg6[%get3A_574, %get3A_575] {strides = array<i32>} : memref<640x128xf32, #tpu.memory_space<vmem>>, vector<1x16xf32>,
        %get3A_577 = vector.shape_cast %get3A_576 : vector<1x16xf32> to vector<16xf32>
        %add3A_578 = arith.addf %add3A_571, %get3A_577 : vector<16xf32>
        %mul3A_579 = arith.constant 1.250000e-01 : f32
        %mul3A_580 = vector.broadcast %mul3A_579 : f32 to vector<16xf32>
        %mul3A_581 = arith.mulf %add3A_578, %mul3A_580 : vector<16xf32>
        %swap3A_582 = arith.index_cast %scan3A_98 : i32 to index
        %swap3A_583 = arith.constant 112 : index
        %swap3A_584 = tpu.vector_load %arg7[%swap3A_582, %swap3A_583] {strides = array<i32>} : memref<80x128xf32, #tpu.memory_space<vmem>>, vector<1x16xf32>,
        %swap3A_585 = vector.shape_cast %swap3A_584 : vector<1x16xf32> to vector<16xf32>
        %swap3A_586 = vector.shape_cast %mul3A_581 : vector<16xf32> to vector<1x16xf32>
        tpu.vector_store %arg7[%swap3A_582, %swap3A_583], %swap3A_586 {strides = array<i32>} : memref<80x128xf32, #tpu.memory_space<vmem>>, vector<1x16xf32>,
      }
      %scan3A_97 = arith.constant 80 : i32
      "tpu.region"() ({
        %run_scoped3A = tpu.sem_alloc : memref<!tpu.dma_semaphore, #tpu.memory_space<semaphore_mem>>
        %dma_start3A_98 = arith.constant 0 : i32
        %dma_start3A_99 = tpu.memref_slice %arg4[%mul3A_11, %dma_start3A_98] : memref<320000x128xf32, #tpu.memory_space<hbm>> -> memref<80x128xf32, #tpu.memory_space<hbm>>
        %dma_start3A_100 = arith.constant 0 : i32
        %dma_start3A_101 = tpu.memref_slice %arg4[%mul3A_11, %dma_start3A_100] : memref<320000x128xf32, #tpu.memory_space<hbm>> -> memref<80x128xf32, #tpu.memory_space<hbm>>
        tpu.enqueue_dma source(%arg7 : memref<80x128xf32, #tpu.memory_space<vmem>>) target(%dma_start3A_101 : memref<80x128xf32, #tpu.memory_space<hbm>>) target_semaphore(%run_scoped3A : memref<!tpu.dma_semaphore, #tpu.memory_space<semaphore_mem>>)
        %dma_wait3A_102 = arith.constant 0 : i32
        %dma_wait3A_103 = tpu.memref_slice %arg4[%mul3A_11, %dma_wait3A_102] : memref<320000x128xf32, #tpu.memory_space<hbm>> -> memref<80x128xf32, #tpu.memory_space<hbm>>
        %dma_wait3A_104 = arith.constant 0 : i32
        %dma_wait3A_105 = tpu.memref_slice %arg4[%mul3A_11, %dma_wait3A_104] : memref<320000x128xf32, #tpu.memory_space<hbm>> -> memref<80x128xf32, #tpu.memory_space<hbm>>
        tpu.wait_dma2 semaphore(%run_scoped3A : memref<!tpu.dma_semaphore, #tpu.memory_space<semaphore_mem>>) src(%arg7 : memref<80x128xf32, #tpu.memory_space<vmem>>) dst(%dma_wait3A_105 : memref<80x128xf32, #tpu.memory_space<hbm>>)
        tpu.yield
      }) : () -> ()
    }
    %scan3A_5 = arith.constant 125 : i32
    return
  }
}

module attributes {stable_mosaic.version = 14 : i64} {
  func.func @_edge_proj_body(%arg0: i32, %arg1: memref<2000x16xf32, #tpu.memory_space<vmem>>, %arg2: memref<16x128xf32, #tpu.memory_space<vmem>>, %arg3: memref<128xf32, #tpu.memory_space<vmem>>, %arg4: memref<2000x128xf32, #tpu.memory_space<vmem>>) attributes {dimension_semantics = [#tpu.dimension_semantics<arbitrary>], iteration_bounds = array<i64: 160>, scalar_prefetch = 0 : i64, scratch_operands = 0 : i64, tpu.core_type = #tpu.core_type<tc>, window_params = [{transform_indices = @transform_0, window_bounds = array<i64: 2000, 16>}, {pipeline_mode = #tpu.pipeline_mode<synchronous>, transform_indices = @transform_1, window_bounds = array<i64: 16, 128>}, {pipeline_mode = #tpu.pipeline_mode<synchronous>, transform_indices = @transform_2, window_bounds = array<i64: 128>}, {transform_indices = @transform_3, window_bounds = array<i64: 2000, 128>}]} {
    %get3A = arith.constant 0 : index
    %get3A_0 = arith.constant 0 : index
    %get3A_1 = vector.load %arg1[%get3A, %get3A_0] : memref<2000x16xf32, #tpu.memory_space<vmem>>, vector<2000x16xf32>
    %get3A_2 = arith.constant 0 : index
    %get3A_3 = arith.constant 0 : index
    %get3A_4 = vector.load %arg2[%get3A_2, %get3A_3] : memref<16x128xf32, #tpu.memory_space<vmem>>, vector<16x128xf32>
    %dot_general3A = arith.constant dense<0.000000e+00> : vector<2000x128xf32>
    %dot_general3A_5 = tpu.matmul %get3A_1, %get3A_4, %dot_general3A {dimension_numbers = #tpu.dot_dimension_numbers<[1], [0], [0], [1], [0, 0, 1, 1], [], []>, transpose_lhs_hint = false} : vector<2000x16xf32>, vector<16x128xf32>, vector<2000x128xf32> -> vector<2000x128xf32>
    %get3A_6 = arith.constant 0 : index
    %get3A_7 = vector.load %arg3[%get3A_6] : memref<128xf32, #tpu.memory_space<vmem>>, vector<128xf32>
    %broadcast_in_dim3A = vector.shape_cast %get3A_7 : vector<128xf32> to vector<1x128xf32>
    %add3A = vector.broadcast %broadcast_in_dim3A : vector<1x128xf32> to vector<2000x128xf32>
    %add3A_8 = arith.addf %dot_general3A_5, %add3A : vector<2000x128xf32>
    %swap3A = arith.constant 0 : index
    %swap3A_9 = arith.constant 0 : index
    %swap3A_10 = vector.load %arg4[%swap3A, %swap3A_9] : memref<2000x128xf32, #tpu.memory_space<vmem>>, vector<2000x128xf32>
    tpu.vector_store %arg4[%swap3A, %swap3A_9], %add3A_8 {strides = array<i32>} : memref<2000x128xf32, #tpu.memory_space<vmem>>, vector<2000x128xf32>,
    return
  }
  func.func @transform_0(%arg0: i32) -> (i32, i32) {
    %c0_i32 = arith.constant 0 : i32
    %c0_i32_0 = arith.constant 0 : i32
    return %arg0, %c0_i32 : i32, i32
  }
  func.func @transform_1(%arg0: i32) -> (i32, i32) {
    %c0_i32 = arith.constant 0 : i32
    %c0_i32_0 = arith.constant 0 : i32
    %c0_i32_1 = arith.constant 0 : i32
    return %c0_i32, %c0_i32_0 : i32, i32
  }
  func.func @transform_2(%arg0: i32) -> i32 {
    %c0_i32 = arith.constant 0 : i32
    %c0_i32_0 = arith.constant 0 : i32
    return %c0_i32 : i32
  }
  func.func @transform_3(%arg0: i32) -> (i32, i32) {
    %c0_i32 = arith.constant 0 : i32
    %c0_i32_0 = arith.constant 0 : i32
    return %arg0, %c0_i32 : i32, i32
  }
}

module attributes {stable_mosaic.version = 14 : i64} {
  func.func @_edge_com_body(%arg0: i32, %arg1: memref<2000x128xf32, #tpu.memory_space<vmem>>, %arg2: memref<2000x128xf32, #tpu.memory_space<vmem>>, %arg3: memref<128x128xf32, #tpu.memory_space<vmem>>, %arg4: memref<128xf32, #tpu.memory_space<vmem>>, %arg5: memref<128xf32, #tpu.memory_space<vmem>>, %arg6: memref<128xf32, #tpu.memory_space<vmem>>, %arg7: memref<2000x128xf32, #tpu.memory_space<vmem>>) attributes {dimension_semantics = [#tpu.dimension_semantics<arbitrary>], iteration_bounds = array<i64: 160>, scalar_prefetch = 0 : i64, scratch_operands = 0 : i64, tpu.core_type = #tpu.core_type<tc>, window_params = [{transform_indices = @transform_0, window_bounds = array<i64: 2000, 128>}, {transform_indices = @transform_1, window_bounds = array<i64: 2000, 128>}, {pipeline_mode = #tpu.pipeline_mode<synchronous>, transform_indices = @transform_2, window_bounds = array<i64: 128, 128>}, {pipeline_mode = #tpu.pipeline_mode<synchronous>, transform_indices = @transform_3, window_bounds = array<i64: 128>}, {pipeline_mode = #tpu.pipeline_mode<synchronous>, transform_indices = @transform_4, window_bounds = array<i64: 128>}, {pipeline_mode = #tpu.pipeline_mode<synchronous>, transform_indices = @transform_5, window_bounds = array<i64: 128>}, {transform_indices = @transform_6, window_bounds = array<i64: 2000, 128>}]} {
    %get3A = arith.constant 0 : index
    %get3A_0 = arith.constant 0 : index
    %get3A_1 = vector.load %arg1[%get3A, %get3A_0] : memref<2000x128xf32, #tpu.memory_space<vmem>>, vector<2000x128xf32>
    %get3A_2 = arith.constant 0 : index
    %get3A_3 = arith.constant 0 : index
    %get3A_4 = vector.load %arg2[%get3A_2, %get3A_3] : memref<2000x128xf32, #tpu.memory_space<vmem>>, vector<2000x128xf32>
    %add3A = arith.addf %get3A_1, %get3A_4 : vector<2000x128xf32>
    %get3A_5 = arith.constant 0 : index
    %get3A_6 = arith.constant 0 : index
    %get3A_7 = vector.load %arg3[%get3A_5, %get3A_6] : memref<128x128xf32, #tpu.memory_space<vmem>>, vector<128x128xf32>
    %dot_general3A = arith.constant dense<0.000000e+00> : vector<2000x128xf32>
    %dot_general3A_8 = tpu.matmul %add3A, %get3A_7, %dot_general3A {dimension_numbers = #tpu.dot_dimension_numbers<[1], [0], [0], [1], [0, 0, 1, 1], [], []>, transpose_lhs_hint = false} : vector<2000x128xf32>, vector<128x128xf32>, vector<2000x128xf32> -> vector<2000x128xf32>
    %get3A_9 = arith.constant 0 : index
    %get3A_10 = vector.load %arg4[%get3A_9] : memref<128xf32, #tpu.memory_space<vmem>>, vector<128xf32>
    %broadcast_in_dim3A = vector.shape_cast %get3A_10 : vector<128xf32> to vector<1x128xf32>
    %add3A_11 = vector.broadcast %broadcast_in_dim3A : vector<1x128xf32> to vector<2000x128xf32>
    %add3A_12 = arith.addf %dot_general3A_8, %add3A_11 : vector<2000x128xf32>
    %max3A = arith.constant 0.000000e+00 : f32
    %max3A_13 = vector.broadcast %max3A : f32 to vector<2000x128xf32>
    %max3A_14 = arith.maximumf %add3A_12, %max3A_13 : vector<2000x128xf32>
    %get3A_15 = arith.constant 0 : index
    %get3A_16 = vector.load %arg5[%get3A_15] : memref<128xf32, #tpu.memory_space<vmem>>, vector<128xf32>
    %get3A_17 = arith.constant 0 : index
    %get3A_18 = vector.load %arg6[%get3A_17] : memref<128xf32, #tpu.memory_space<vmem>>, vector<128xf32>
    %reduce_sum3A = arith.constant dense<0.000000e+00> : vector<2000xf32>
    %reduce_sum3A_19 = vector.multi_reduction <add>, %max3A_14, %reduce_sum3A [1] : vector<2000x128xf32> to vector<2000xf32>
    %broadcast_in_dim3A_20 = vector.shape_cast %reduce_sum3A_19 : vector<2000xf32> to vector<2000x1xf32>
    %div3A = arith.constant 1.280000e+02 : f32
    %div3A_21 = vector.broadcast %div3A : f32 to vector<2000x1xf32>
    %div3A_22 = arith.divf %broadcast_in_dim3A_20, %div3A_21 : vector<2000x1xf32>
    %sub3A = vector.broadcast %div3A_22 : vector<2000x1xf32> to vector<2000x128xf32>
    %sub3A_23 = arith.subf %max3A_14, %sub3A : vector<2000x128xf32>
    %integer_pow3A = arith.mulf %sub3A_23, %sub3A_23 : vector<2000x128xf32>
    %reduce_sum3A_24 = arith.constant dense<0.000000e+00> : vector<2000xf32>
    %reduce_sum3A_25 = vector.multi_reduction <add>, %integer_pow3A, %reduce_sum3A_24 [1] : vector<2000x128xf32> to vector<2000xf32>
    %broadcast_in_dim3A_26 = vector.shape_cast %reduce_sum3A_25 : vector<2000xf32> to vector<2000x1xf32>
    %div3A_27 = arith.constant 1.280000e+02 : f32
    %div3A_28 = vector.broadcast %div3A_27 : f32 to vector<2000x1xf32>
    %div3A_29 = arith.divf %broadcast_in_dim3A_26, %div3A_28 : vector<2000x1xf32>
    %sub3A_30 = vector.broadcast %div3A_22 : vector<2000x1xf32> to vector<2000x128xf32>
    %sub3A_31 = arith.subf %max3A_14, %sub3A_30 : vector<2000x128xf32>
    %add3A_32 = arith.constant 9.99999974E-6 : f32
    %add3A_33 = vector.broadcast %add3A_32 : f32 to vector<2000x1xf32>
    %add3A_34 = arith.addf %div3A_29, %add3A_33 : vector<2000x1xf32>
    %sqrt3A = math.sqrt %add3A_34 : vector<2000x1xf32>
    %div3A_35 = vector.broadcast %sqrt3A : vector<2000x1xf32> to vector<2000x128xf32>
    %div3A_36 = arith.divf %sub3A_31, %div3A_35 : vector<2000x128xf32>
    %broadcast_in_dim3A_37 = vector.shape_cast %get3A_16 : vector<128xf32> to vector<1x128xf32>
    %mul3A = vector.broadcast %broadcast_in_dim3A_37 : vector<1x128xf32> to vector<2000x128xf32>
    %mul3A_38 = arith.mulf %div3A_36, %mul3A : vector<2000x128xf32>
    %broadcast_in_dim3A_39 = vector.shape_cast %get3A_18 : vector<128xf32> to vector<1x128xf32>
    %add3A_40 = vector.broadcast %broadcast_in_dim3A_39 : vector<1x128xf32> to vector<2000x128xf32>
    %add3A_41 = arith.addf %mul3A_38, %add3A_40 : vector<2000x128xf32>
    %swap3A = arith.constant 0 : index
    %swap3A_42 = arith.constant 0 : index
    %swap3A_43 = vector.load %arg7[%swap3A, %swap3A_42] : memref<2000x128xf32, #tpu.memory_space<vmem>>, vector<2000x128xf32>
    tpu.vector_store %arg7[%swap3A, %swap3A_42], %add3A_41 {strides = array<i32>} : memref<2000x128xf32, #tpu.memory_space<vmem>>, vector<2000x128xf32>,
    return
  }
  func.func @transform_0(%arg0: i32) -> (i32, i32) {
    %c0_i32 = arith.constant 0 : i32
    %c0_i32_0 = arith.constant 0 : i32
    return %arg0, %c0_i32 : i32, i32
  }
  func.func @transform_1(%arg0: i32) -> (i32, i32) {
    %c0_i32 = arith.constant 0 : i32
    %c0_i32_0 = arith.constant 0 : i32
    return %arg0, %c0_i32 : i32, i32
  }
  func.func @transform_2(%arg0: i32) -> (i32, i32) {
    %c0_i32 = arith.constant 0 : i32
    %c0_i32_0 = arith.constant 0 : i32
    %c0_i32_1 = arith.constant 0 : i32
    return %c0_i32, %c0_i32_0 : i32, i32
  }
  func.func @transform_3(%arg0: i32) -> i32 {
    %c0_i32 = arith.constant 0 : i32
    %c0_i32_0 = arith.constant 0 : i32
    return %c0_i32 : i32
  }
  func.func @transform_4(%arg0: i32) -> i32 {
    %c0_i32 = arith.constant 0 : i32
    %c0_i32_0 = arith.constant 0 : i32
    return %c0_i32 : i32
  }
  func.func @transform_5(%arg0: i32) -> i32 {
    %c0_i32 = arith.constant 0 : i32
    %c0_i32_0 = arith.constant 0 : i32
    return %c0_i32 : i32
  }
  func.func @transform_6(%arg0: i32) -> (i32, i32) {
    %c0_i32 = arith.constant 0 : i32
    %c0_i32_0 = arith.constant 0 : i32
    return %arg0, %c0_i32 : i32, i32
  }
}

module attributes {stable_mosaic.version = 14 : i64} {
  func.func @_node_body(%arg0: i32, %arg1: memref<1024x128xf32, #tpu.memory_space<vmem>>, %arg2: memref<1024x128xf32, #tpu.memory_space<vmem>>, %arg3: memref<128x128xf32, #tpu.memory_space<vmem>>, %arg4: memref<128xf32, #tpu.memory_space<vmem>>, %arg5: memref<128x128xf32, #tpu.memory_space<vmem>>, %arg6: memref<128xf32, #tpu.memory_space<vmem>>, %arg7: memref<128xf32, #tpu.memory_space<vmem>>, %arg8: memref<128xf32, #tpu.memory_space<vmem>>, %arg9: memref<1024x128xf32, #tpu.memory_space<vmem>>) attributes {dimension_semantics = [#tpu.dimension_semantics<arbitrary>], iteration_bounds = array<i64: 10>, scalar_prefetch = 0 : i64, scratch_operands = 0 : i64, tpu.core_type = #tpu.core_type<tc>, window_params = [{transform_indices = @transform_0, window_bounds = array<i64: 1024, 128>}, {transform_indices = @transform_1, window_bounds = array<i64: 1024, 128>}, {pipeline_mode = #tpu.pipeline_mode<synchronous>, transform_indices = @transform_2, window_bounds = array<i64: 128, 128>}, {pipeline_mode = #tpu.pipeline_mode<synchronous>, transform_indices = @transform_3, window_bounds = array<i64: 128>}, {pipeline_mode = #tpu.pipeline_mode<synchronous>, transform_indices = @transform_4, window_bounds = array<i64: 128, 128>}, {pipeline_mode = #tpu.pipeline_mode<synchronous>, transform_indices = @transform_5, window_bounds = array<i64: 128>}, {pipeline_mode = #tpu.pipeline_mode<synchronous>, transform_indices = @transform_6, window_bounds = array<i64: 128>}, {pipeline_mode = #tpu.pipeline_mode<synchronous>, transform_indices = @transform_7, window_bounds = array<i64: 128>}, {transform_indices = @transform_8, window_bounds = array<i64: 1024, 128>}]} {
    %get3A = arith.constant 0 : index
    %get3A_0 = arith.constant 0 : index
    %get3A_1 = vector.load %arg1[%get3A, %get3A_0] : memref<1024x128xf32, #tpu.memory_space<vmem>>, vector<1024x128xf32>
    %get3A_2 = arith.constant 0 : index
    %get3A_3 = arith.constant 0 : index
    %get3A_4 = vector.load %arg3[%get3A_2, %get3A_3] : memref<128x128xf32, #tpu.memory_space<vmem>>, vector<128x128xf32>
    %dot_general3A = arith.constant dense<0.000000e+00> : vector<1024x128xf32>
    %dot_general3A_5 = tpu.matmul %get3A_1, %get3A_4, %dot_general3A {dimension_numbers = #tpu.dot_dimension_numbers<[1], [0], [0], [1], [0, 0, 1, 1], [], []>, transpose_lhs_hint = false} : vector<1024x128xf32>, vector<128x128xf32>, vector<1024x128xf32> -> vector<1024x128xf32>
    %get3A_6 = arith.constant 0 : index
    %get3A_7 = vector.load %arg4[%get3A_6] : memref<128xf32, #tpu.memory_space<vmem>>, vector<128xf32>
    %broadcast_in_dim3A = vector.shape_cast %get3A_7 : vector<128xf32> to vector<1x128xf32>
    %add3A = vector.broadcast %broadcast_in_dim3A : vector<1x128xf32> to vector<1024x128xf32>
    %add3A_8 = arith.addf %dot_general3A_5, %add3A : vector<1024x128xf32>
    %get3A_9 = arith.constant 0 : index
    %get3A_10 = arith.constant 0 : index
    %get3A_11 = vector.load %arg2[%get3A_9, %get3A_10] : memref<1024x128xf32, #tpu.memory_space<vmem>>, vector<1024x128xf32>
    %add3A_12 = arith.addf %add3A_8, %get3A_11 : vector<1024x128xf32>
    %get3A_13 = arith.constant 0 : index
    %get3A_14 = arith.constant 0 : index
    %get3A_15 = vector.load %arg5[%get3A_13, %get3A_14] : memref<128x128xf32, #tpu.memory_space<vmem>>, vector<128x128xf32>
    %dot_general3A_16 = arith.constant dense<0.000000e+00> : vector<1024x128xf32>
    %dot_general3A_17 = tpu.matmul %add3A_12, %get3A_15, %dot_general3A_16 {dimension_numbers = #tpu.dot_dimension_numbers<[1], [0], [0], [1], [0, 0, 1, 1], [], []>, transpose_lhs_hint = false} : vector<1024x128xf32>, vector<128x128xf32>, vector<1024x128xf32> -> vector<1024x128xf32>
    %get3A_18 = arith.constant 0 : index
    %get3A_19 = vector.load %arg6[%get3A_18] : memref<128xf32, #tpu.memory_space<vmem>>, vector<128xf32>
    %broadcast_in_dim3A_20 = vector.shape_cast %get3A_19 : vector<128xf32> to vector<1x128xf32>
    %add3A_21 = vector.broadcast %broadcast_in_dim3A_20 : vector<1x128xf32> to vector<1024x128xf32>
    %add3A_22 = arith.addf %dot_general3A_17, %add3A_21 : vector<1024x128xf32>
    %max3A = arith.constant 0.000000e+00 : f32
    %max3A_23 = vector.broadcast %max3A : f32 to vector<1024x128xf32>
    %max3A_24 = arith.maximumf %add3A_22, %max3A_23 : vector<1024x128xf32>
    %get3A_25 = arith.constant 0 : index
    %get3A_26 = vector.load %arg7[%get3A_25] : memref<128xf32, #tpu.memory_space<vmem>>, vector<128xf32>
    %get3A_27 = arith.constant 0 : index
    %get3A_28 = vector.load %arg8[%get3A_27] : memref<128xf32, #tpu.memory_space<vmem>>, vector<128xf32>
    %reduce_sum3A = arith.constant dense<0.000000e+00> : vector<1024xf32>
    %reduce_sum3A_29 = vector.multi_reduction <add>, %max3A_24, %reduce_sum3A [1] : vector<1024x128xf32> to vector<1024xf32>
    %broadcast_in_dim3A_30 = vector.shape_cast %reduce_sum3A_29 : vector<1024xf32> to vector<1024x1xf32>
    %div3A = arith.constant 1.280000e+02 : f32
    %div3A_31 = vector.broadcast %div3A : f32 to vector<1024x1xf32>
    %div3A_32 = arith.divf %broadcast_in_dim3A_30, %div3A_31 : vector<1024x1xf32>
    %sub3A = vector.broadcast %div3A_32 : vector<1024x1xf32> to vector<1024x128xf32>
    %sub3A_33 = arith.subf %max3A_24, %sub3A : vector<1024x128xf32>
    %integer_pow3A = arith.mulf %sub3A_33, %sub3A_33 : vector<1024x128xf32>
    %reduce_sum3A_34 = arith.constant dense<0.000000e+00> : vector<1024xf32>
    %reduce_sum3A_35 = vector.multi_reduction <add>, %integer_pow3A, %reduce_sum3A_34 [1] : vector<1024x128xf32> to vector<1024xf32>
    %broadcast_in_dim3A_36 = vector.shape_cast %reduce_sum3A_35 : vector<1024xf32> to vector<1024x1xf32>
    %div3A_37 = arith.constant 1.280000e+02 : f32
    %div3A_38 = vector.broadcast %div3A_37 : f32 to vector<1024x1xf32>
    %div3A_39 = arith.divf %broadcast_in_dim3A_36, %div3A_38 : vector<1024x1xf32>
    %sub3A_40 = vector.broadcast %div3A_32 : vector<1024x1xf32> to vector<1024x128xf32>
    %sub3A_41 = arith.subf %max3A_24, %sub3A_40 : vector<1024x128xf32>
    %add3A_42 = arith.constant 9.99999974E-6 : f32
    %add3A_43 = vector.broadcast %add3A_42 : f32 to vector<1024x1xf32>
    %add3A_44 = arith.addf %div3A_39, %add3A_43 : vector<1024x1xf32>
    %sqrt3A = math.sqrt %add3A_44 : vector<1024x1xf32>
    %div3A_45 = vector.broadcast %sqrt3A : vector<1024x1xf32> to vector<1024x128xf32>
    %div3A_46 = arith.divf %sub3A_41, %div3A_45 : vector<1024x128xf32>
    %broadcast_in_dim3A_47 = vector.shape_cast %get3A_26 : vector<128xf32> to vector<1x128xf32>
    %mul3A = vector.broadcast %broadcast_in_dim3A_47 : vector<1x128xf32> to vector<1024x128xf32>
    %mul3A_48 = arith.mulf %div3A_46, %mul3A : vector<1024x128xf32>
    %broadcast_in_dim3A_49 = vector.shape_cast %get3A_28 : vector<128xf32> to vector<1x128xf32>
    %add3A_50 = vector.broadcast %broadcast_in_dim3A_49 : vector<1x128xf32> to vector<1024x128xf32>
    %add3A_51 = arith.addf %mul3A_48, %add3A_50 : vector<1024x128xf32>
    %swap3A = arith.constant 0 : index
    %swap3A_52 = arith.constant 0 : index
    %swap3A_53 = vector.load %arg9[%swap3A, %swap3A_52] : memref<1024x128xf32, #tpu.memory_space<vmem>>, vector<1024x128xf32>
    tpu.vector_store %arg9[%swap3A, %swap3A_52], %add3A_51 {strides = array<i32>} : memref<1024x128xf32, #tpu.memory_space<vmem>>, vector<1024x128xf32>,
    return
  }
  func.func @transform_0(%arg0: i32) -> (i32, i32) {
    %c0_i32 = arith.constant 0 : i32
    %c0_i32_0 = arith.constant 0 : i32
    return %arg0, %c0_i32 : i32, i32
  }
  func.func @transform_1(%arg0: i32) -> (i32, i32) {
    %c0_i32 = arith.constant 0 : i32
    %c0_i32_0 = arith.constant 0 : i32
    return %arg0, %c0_i32 : i32, i32
  }
  func.func @transform_2(%arg0: i32) -> (i32, i32) {
    %c0_i32 = arith.constant 0 : i32
    %c0_i32_0 = arith.constant 0 : i32
    %c0_i32_1 = arith.constant 0 : i32
    return %c0_i32, %c0_i32_0 : i32, i32
  }
  func.func @transform_3(%arg0: i32) -> i32 {
    %c0_i32 = arith.constant 0 : i32
    %c0_i32_0 = arith.constant 0 : i32
    return %c0_i32 : i32
  }
  func.func @transform_4(%arg0: i32) -> (i32, i32) {
    %c0_i32 = arith.constant 0 : i32
    %c0_i32_0 = arith.constant 0 : i32
    %c0_i32_1 = arith.constant 0 : i32
    return %c0_i32, %c0_i32_0 : i32, i32
  }
  func.func @transform_5(%arg0: i32) -> i32 {
    %c0_i32 = arith.constant 0 : i32
    %c0_i32_0 = arith.constant 0 : i32
    return %c0_i32 : i32
  }
  func.func @transform_6(%arg0: i32) -> i32 {
    %c0_i32 = arith.constant 0 : i32
    %c0_i32_0 = arith.constant 0 : i32
    return %c0_i32 : i32
  }
  func.func @transform_7(%arg0: i32) -> i32 {
    %c0_i32 = arith.constant 0 : i32
    %c0_i32_0 = arith.constant 0 : i32
    return %c0_i32 : i32
  }
  func.func @transform_8(%arg0: i32) -> (i32, i32) {
    %c0_i32 = arith.constant 0 : i32
    %c0_i32_0 = arith.constant 0 : i32
    return %arg0, %c0_i32 : i32, i32
  }
}

</mosaic_0001>

<sc_bundles>
// kernel: kernel.10.cloned.1.call-start
scs
__scs_entry_jumppad:
0x0: {  	(pc) =	sbr.rel $0x88, $3  }
0x1: {  	(tag) =	ssettag $0x0;
	lr =	simm.s32 $0x1  }
0x2: {  	[smem:$0x3F93] =	sst lr;
	_ =	strace $0xD0000000  }
0x3: {  	_ = 	snop  }
0x4: {  	_ = 	snop  }
0x5: {  	_ = 	snop  }
0x6: {  	_ = 	snop  }
0x7: {  	_ = 	snop  }
__scs_overlays_trampoline_lowered:
0x8: {  	[smem:$0x3FA2] =	sst s0  }
0x9: {  	[smem:$0x3FA3] =	sst s1  }
0xa: {  	[smem:$0x3FA4] =	sst s2  }
0xb: {  	[smem:$0x3FA5] =	sst s3  }
0xc: {  	[smem:$0x3FA6] =	sst s4  }
0xd: {  	[smem:$0x3FA7] =	sst s5  }
0xe: {  	[smem:$0x3FA8] =	sst s6  }
0xf: {  	[smem:$0x3FA9] =	sst s7  }
0x10: {  	[smem:$0x3FAA] =	sst s8  }
0x11: {  	[smem:$0x3FAB] =	sst s9;
	s0 =	simm.s32 @!p0 $0x0  }
0x12: {  	s1 =	sld [smem:$0x3F91];
	s0 =	simm.s32 @p0 $0x1  }
0x13: {  	[smem:$0x3FAC] =	sst s0;
	s0 =	simm.s32 @!p1 $0x0  }
0x14: {  	s2 =	sld [smem:$0x3F90];
	s0 =	simm.s32 @p1 $0x1  }
0x15: {  	[smem:$0x3FAD] =	sst s0;
	s0 =	simm.s32 @!p2 $0x0  }
0x16: {  	s3 =	sld [smem:$0x3FDB];
	s0 =	simm.s32 @p2 $0x1  }
0x17: {  	s4 =	simm.s32 $0x1BF5;
	[smem:$0x3FAF] =	sst s0  }
0x18: {  	s0 =	sld [smem:$0x3F92];
	_ =	swait.ge [sflag:s4], $0x0  }
0x19: {  	s7 =	sld [smem:$0x3F93]  }
0x1a: {  	s8 =	sadd.s32 $0xFFFFE003, lr  }
0x1b: {  	s9 =	sadd.s32 $0xFFFFFEF7, lr;
	s5 =	simm.s32 $0xFFFFFFFF;
	p2 =	slt.u32 s8, $0xFFFFF086  }
0x1c: {  	p1 =	slt.u32 s9, $0xF7A;
	s5 =	simm.s32 @!p2 $0x0  }
0x1d: {  	s5 =	simm.s32 @p1 $0x1;
	p0 =	seq.s32 s7, s2  }
0x1e: {  	s7 =	smul.u32 @!p0 $0xF7A, s2;
	p2 =	seq.s32 @!p0 s5, $0x0  }
0x1f: {  	s9 =	smul.u32 $0xF7A, s1;
	s8 =	simm.s32 @!p0 $0x1BF5;
	p2 =	por !p2, p0  }
0x20: {  	[sflag:s8] =	ssyncset.s32 @!p0 $0xFFFFF086;
	s6 =	sadd.s32 @!p0 s3, s7;
	s7 =	simm.s32 @!p0 $0x108  }
0x21: {  	s3 =	sadd.s32 s3, s9;
	s6 =	sadd.s32 @!p0 $0x88, s6;
	s7 =	simm.s32 @p2 $0x1082  }
0x22: {  	[simem:s7], [sflag:s8] =	dma.local @!p0 [hbm:s6], $0xF7A  }
0x23: {  	s9 =	sor.u32 $0xD0000000, s2;
	s6 =	simm.s32 $0x108;
	_ =	swait.ge @!p0 [sflag:s8], $0x0  }
0x24: {  	s3 =	sadd.s32 $0x88, s3;
	s6 =	simm.s32 @!p1 $0x1082;
	[sflag:s4] =	ssyncset.s32 $0xFFFFF086  }
0x25: {  	[simem:s6], [sflag:s4] =	dma.local [hbm:s3], $0xF7A  }
0x26: {  	[smem:$0x3F93] =	sst s1;
	(tag) =	ssettag s2;
	_ =	strace s9  }
0x27: {  	s1 =	sld [smem:$0x3FA3]  }
0x28: {  	s2 =	sld [smem:$0x3FA4]  }
0x29: {  	s4 =	sld [smem:$0x3FA6]  }
0x2a: {  	p0 =	seq.s32 s5, $0x0;
	s5 =	sld [smem:$0x3FA7]  }
0x2b: {  	s6 =	sld [smem:$0x3FA8]  }
0x2c: {  	s7 =	sld [smem:$0x3FA9]  }
0x2d: {  	s3 =	simm.s32 $0x108;
	s8 =	sld [smem:$0x3FAA]  }
0x2e: {  	s3 =	simm.s32 @!p0 $0x1082;
	s9 =	sld [smem:$0x3FAB]  }
0x2f: {  	lr =	sadd.s32 s0, s3;
	s0 =	sld [smem:$0x3FA2]  }
0x30: {  	s3 =	sld [smem:$0x3FA5]  }
0x31: {  	[smem:$0x3FAE] =	sst s10  }
0x32: {  	s10 =	sld [smem:$0x3FAC];
	_ =	sdelay $0x3  }
0x33: {  	p0 =	seq.s32 s10, $0x1;
	s10 =	sld [smem:$0x3FAE];
	_ =	sdelay $0x3  }
0x34: {  	[smem:$0x3FAE] =	sst s10  }
0x35: {  	s10 =	sld [smem:$0x3FAD];
	_ =	sdelay $0x3  }
0x36: {  	p1 =	seq.s32 s10, $0x1;
	s10 =	sld [smem:$0x3FAE];
	_ =	sdelay $0x3  }
0x37: {  	[smem:$0x3FAE] =	sst s10  }
0x38: {  	s10 =	sld [smem:$0x3FAF]  }
0x39: {  	_ = 	snop;
	(pc) =	sbr.ind lr, $3  }
0x3a: {  	_ = 	snop  }
0x3b: {  	_ = 	snop  }
0x3c: {  	p2 =	seq.s32 s10, $0x1;
	s10 =	sld [smem:$0x3FAE]  }
0x3d: {  	_ =	shalt  }
0x3e: {  	_ =	shalt  }
0x3f: {  	_ =	shalt  }
0x40: {  	_ =	shalt  }
0x41: {  	_ =	shalt  }
0x42: {  	_ =	shalt  }
0x43: {  	_ =	shalt  }
0x44: {  	_ =	shalt  }
0x45: {  	_ =	shalt  }
0x46: {  	_ =	shalt  }
0x47: {  	_ =	shalt  }
0x48: {  	_ =	shalt  }
0x49: {  	_ =	shalt  }
0x4a: {  	_ =	shalt  }
0x4b: {  	_ =	shalt  }
0x4c: {  	_ =	shalt  }
0x4d: {  	_ =	shalt  }
0x4e: {  	_ =	shalt  }
0x4f: {  	_ =	shalt  }
0x50: {  	_ =	shalt  }
0x51: {  	_ =	shalt  }
0x52: {  	_ =	shalt  }
0x53: {  	_ =	shalt  }
0x54: {  	_ =	shalt  }
0x55: {  	_ =	shalt  }
0x56: {  	_ =	shalt  }
0x57: {  	_ =	shalt  }
0x58: {  	_ =	shalt  }
0x59: {  	_ =	shalt  }
0x5a: {  	_ =	shalt  }
0x5b: {  	_ =	shalt  }
0x5c: {  	_ =	shalt  }
0x5d: {  	_ =	shalt  }
0x5e: {  	_ =	shalt  }
0x5f: {  	_ =	shalt  }
0x60: {  	_ =	shalt  }
0x61: {  	_ =	shalt  }
0x62: {  	_ =	shalt  }
0x63: {  	_ =	shalt  }
0x64: {  	_ =	shalt  }
0x65: {  	_ =	shalt  }
0x66: {  	_ =	shalt  }
0x67: {  	_ =	shalt  }
0x68: {  	_ =	shalt  }
0x69: {  	_ =	shalt  }
0x6a: {  	_ =	shalt  }
0x6b: {  	_ =	shalt  }
0x6c: {  	_ =	shalt  }
0x6d: {  	_ =	shalt  }
0x6e: {  	_ =	shalt  }
0x6f: {  	_ =	shalt  }
0x70: {  	_ =	shalt  }
0x71: {  	_ =	shalt  }
0x72: {  	_ =	shalt  }
0x73: {  	_ =	shalt  }
0x74: {  	_ =	shalt  }
0x75: {  	_ =	shalt  }
0x76: {  	_ =	shalt  }
0x77: {  	_ =	shalt  }
0x78: {  	_ =	shalt  }
0x79: {  	_ =	shalt  }
0x7a: {  	_ =	shalt  }
0x7b: {  	_ =	shalt  }
0x7c: {  	_ =	shalt  }
0x7d: {  	_ =	shalt  }
0x7e: {  	_ =	shalt  }
0x7f: {  	_ =	shalt  }
0x80: {  	_ =	shalt  }
0x81: {  	_ =	shalt  }
0x82: {  	_ =	shalt  }
0x83: {  	_ =	shalt  }
0x84: {  	_ =	shalt  }
0x85: {  	_ =	shalt  }
0x86: {  	_ =	shalt  }
0x87: {  	_ =	shalt  }
.Lfunc_end0:
.L_simem_size_0:
called_computation.1_lowered:
.L_overlay_start_0:
0x88: {  	s2 =	sld [smem:$0x3FD9]  }
0x89: {  	s3 =	sld [smem:$0x3FFE];
	_ =	sdelay $0x1  }
0x8a: {  	s1 =	srdreg.scid  }
0x8b: {  	s0 =	sand.u32 $0x1, s1  }
0x8c: {  	s14 =	sshll.u32 s0, $0xA;
	s2 =	sadd.s32 s3, s2  }
0x8d: {  	s2 =	sadd.s32 s2, s14  }
0x8e: {  	[smem:$0x3FBA] =	sst s2  }
0x8f: {  	_ = 	snop  }
0x90: {  	s2 =	sld [smem:$0x3FD0];
	_ =	sdelay $0x2  }
0x91: {  	s15 =	simm.s32 $0xA;
	s4 =	simm.s32 $0x10  }
0x92: {  	[smem:s4], [sflag:s15] =	dma.local [hbm:s2], $0x1  }
0x93: {  	_ =	swait.eq [sflag:s15], $0x1  }
0x94: {  	[sflag:s15] =	ssyncset.done $0x0  }
0x95: {  	s16 =	sld [smem:$0x10];
	[sflag:s15] =	ssyncadd.s32 $0xFFFFFFFF  }
0x96: {  	s17 =	sld [smem:$0x11];
	(tm) =	ssettm $0x1  }
0x97: {  	s18 =	sld [smem:$0x3FFB];
	_ =	sdelay $0x3  }
0x98: {  	_ =	strace s18  }
0x99: {  	s4 =	sld [smem:$0x3FFC];
	_ =	sdelay $0x3  }
0x9a: {  	_ =	strace s4  }
0x9b: {  	s4 =	sld [smem:$0x3FFD];
	_ =	sdelay $0x3  }
0x9c: {  	_ =	strace s4  }
0x9d: {  	_ =	strace $0x8FFFFFFF  }
0x9e: {  	s19 =	sld [smem:$0x3FDB];
	_ =	sdelay $0x1  }
0x9f: {  	s5 =	simm.s32 $_scs_section_size  }
0xa0: {  	s6 =	simm.s32 $_size__tile_overlayer_lowered;
	s7 =	simm.s32 $_tile_overlayer_lowered  }
0xa1: {  	s22 =	simm.s32 $0x1BFF;
	s21 =	sshll.u32 s7, $0x1;
	s4 =	sadd.s32 s5, s19  }
0xa2: {  	s8 =	simm.s32 $0x0;
	s20 =	sshll.u32 s6, $0x1;
	s6 =	sadd.s32 s21, s4  }
0xa3: {  	[timem:s8], [sflag:s22] =	dma.local [hbm:s6], s20  }
0xa4: {  	_ =	swait.ge [sflag:s22], s20  }
0xa5: {  	s5 =	ssub.s32 $0x0, s20;
	[sflag:s22] =	ssyncset.done $0x0  }
0xa6: {  	[sflag:s22] =	ssyncadd.s32 s5;
	_ =	sdelay $0x1  }
0xa7: {  	s23 =	simm.s32 $0x1B8B  }
0xa8: {  	_ =	swait.ge [sflag:s23], $0x1  }
0xa9: {  	[sflag:s23] =	ssyncset.done $0x0  }
0xaa: {  	s25 =	simm.s32 $0x1B8E;
	s24 =	sld [smem:$0x3FFE];
	[sflag:s23] =	ssyncadd.s32 $0xFFFFFFFF  }
0xab: {  	s26 =	simm.s32 $execute0_lowered;
	[smem:$0x3FD2] =	sst s25  }
0xac: {  	s6 =	sshll.u32 s26, $0x1;
	_ =	strace $0x80000049;
	[dreg:$0x1] =	wrdreg $0xFFFFFFFF  }
0xad: {  	s28 =	simm.s32 $_size_execute0_lowered;
	s4 =	sadd.s32 s4, s6;
	[dreg:$0x0] =	wrdreg $0x0  }
0xae: {  	s6 =	sshll.u32 s28, $0x1;
	[dreg:$0x2] =	wrdreg s4  }
0xaf: {  	[dreg:$0x3] =	wrdreg s6  }
0xb0: {  	[dreg:$0x4] =	wrdreg $0xC0  }
0xb1: {  	_ =	task [dreg:s8], $0x5FFFF  }
0xb2: {  	[dreg:$0x1] =	wrdreg $0xFFFFFFFF  }
0xb3: {  	[dreg:$0x0] =	wrdreg $0x60  }
0xb4: {  	[dreg:$0x2] =	wrdreg s17  }
0xb5: {  	[dreg:$0x3] =	wrdreg s16  }
0xb6: {  	[dreg:$0x4] =	wrdreg s24  }
0xb7: {  	[dreg:$0x5] =	wrdreg $0x9  }
0xb8: {  	_ =	task.clear_ibuf [dreg:s8], $0x6FFFF;
	_ =	strace $0x90000049  }
0xb9: {  	s29 =	simm.s32 $0x9;
	_ =	strace $0x8000004B  }
0xba: {  	_ =	swait.ge [sflag:s29], $0x1  }
0xbb: {  	[sflag:s29] =	ssyncadd.s32 $0xFFFFFFFF  }
0xbc: {  	_ =	strace $0x9000004B  }
0xbd: {  	_ =	sfence  }
0xbe: {  	s30 =	sld [smem:$0x0];
	_ =	sdelay $0x2  }
0xbf: {  	s31 =	sshll.u32 s1, $0xD;
	s1 =	sshrl.u32 s1, $0x2  }
0xc0: {  	s3 =	sand.u32 $0x4000, s31;
	s1 =	sadd.s32 s1, s30  }
0xc1: {  	s0 =	sor.u32 s3, s0;
	s1 =	sshll.u32 s1, $0x11  }
0xc2: {  	s0 =	sor.u32 s1, s0  }
0xc3: {  	s0 =	sadd.s32 $0x8F2B, s0  }
0xc4: {  	[sflag:s0] =	ssyncadd.remote.s32 $0x1  }
0xc5: {  	_ =	sfence.sel $0xFFFF  }
0xc6: {  	[dreg:$0x0] =	wrdreg $0xFFFFFFFF;
	(pc) =	sbr.abs _section_cstart, $3  }
0xc7: {  	[dreg:$0x1] =	wrdreg $0xFFFFFFFF  }
0xc8: {  	_ =	task.clear_ibuf [dreg:s8], $0x2FFFF;
	_ =	strace $0x9FFFFFFF  }
0xc9: {  	(tm) =	ssettm $0x7FFFFFFF  }
tec
execute0_lowered:
.L_overlay_start_1:
0x0: {  	(tag) =	ssettag $0x1  }
0x1: {  	s1 =	rddreg [dreg:$0x0]  }
0x2: {  	s2 =	rddreg [dreg:$0x1]  }
0x3: {  	s5 =	rddreg [dreg:$0x2]  }
0x4: {  	s0 =	rddreg [dreg:$0x3];
	s6 =	srdreg.scid  }
0x5: {  	s4 =	simm.s32 $0x0;
	s3 =	stileid.u32;
	s10 =	simm.s32 $0x200  }
0x6: {  	s11 =	simm.s32 $0x4200;
	s12 =	simm.s32 $0x100;
	s13 =	simm.s32 $0x8200  }
0x7: {  	s14 =	simm.s32 $0x180;
	s15 =	simm.s32 $0xC200;
	s16 =	simm.s32 $0x1  }
0x8: {  	s17 =	simm.s32 $0x10200;
	s18 =	simm.s32 $0x0;
	s6 =	sand.u32 $0x1, s6  }
0x9: {  	[smem:$0x7FF] =	sst s4;
	s8 =	sshll.u32 s3, $0x1;
	s7 =	ssub.s32 $0x2, s6  }
0xa: {  	s5 =	sadd.s32 $0x2400, s5;
	_ =	strace $0x8000004A;
	s9 =	sshrl.u32 s7, $0x1  }
0xb: {  	s6 =	sor.u32 s6, s8;
	s8 =	simm.s32 $0x2;
	s7 =	ssub.s32 s7, s9  }
0xc: {  	s6 =	smul.u32 $0x14, s6;
	s9 =	simm.s32 $0x80;
	s7 =	smax.u32 s7, $0x1  }
.LBB2_1:
0xd: {  	s19 =	simm.s32 $0x0  }
.LBB2_2:
0xe: {  	s20 =	sadd.s32 s6, s19  }
0xf: {  	s21 =	sshll.u32 s20, $0x6  }
0x10: {  	s22 =	sadd.s32 s2, s21;
	s21 =	simm.s32 $0x0  }
0x11: {  	[tilespmem:s21], [sflag:$0x2] =	stream.linear.gather [hbm4b:s22+s21], $0x200, $0x38;
	[tilespmem:$0x10A00] =	vst v63  }
0x12: {  	_ =	swait.ge [sflag:s8], $0x200  }
0x13: {  	[sflag:s8] =	ssyncset.done $0x0  }
0x14: {  	[sflag:s8] =	ssyncadd.s32 $0xFFFFFE00  }
0x15: {  	[tilespmem:s10], [sflag:$0x1] =	stream.indirect.gather [hbm4b:s1+s9], $0x80, s21, s9, $0xb8;
	[tilespmem:$0x10A00] =	vst v63  }
0x16: {  	_ = 	snop  }
0x17: {  	[tilespmem:s11], [sflag:$0x1] =	stream.indirect.gather [hbm4b:s1+s9], $0x80, s9, s9, $0xb8;
	[tilespmem:$0x10A00] =	vst v63  }
0x18: {  	_ = 	snop  }
0x19: {  	[tilespmem:s13], [sflag:$0x1] =	stream.indirect.gather [hbm4b:s1+s9], $0x80, s12, s9, $0xb8;
	[tilespmem:$0x10A00] =	vst v63  }
0x1a: {  	_ = 	snop  }
0x1b: {  	[tilespmem:s15], [sflag:$0x1] =	stream.indirect.gather [hbm4b:s1+s9], $0x80, s14, s9, $0xb8;
	[tilespmem:$0x10A00] =	vst v63  }
0x1c: {  	_ =	swait.ge [sflag:s16], $0x4000  }
0x1d: {  	[sflag:s16] =	ssyncset.done $0x0  }
0x1e: {  	[sflag:s16] =	ssyncadd.s32 $0xFFFFC000  }
0x1f: {  	_ =	swait.ge [sflag:s16], $0x4000  }
0x20: {  	[sflag:s16] =	ssyncset.done $0x0  }
0x21: {  	[sflag:s16] =	ssyncadd.s32 $0xFFFFC000  }
0x22: {  	_ =	swait.ge [sflag:s16], $0x4000  }
0x23: {  	[sflag:s16] =	ssyncset.done $0x0  }
0x24: {  	[sflag:s16] =	ssyncadd.s32 $0xFFFFC000  }
0x25: {  	_ =	swait.ge [sflag:s16], $0x4000  }
0x26: {  	[sflag:s16] =	ssyncset.done $0x0  }
0x27: {  	[sflag:s16] =	ssyncadd.s32 $0xFFFFC000  }
.LBB2_3:
0x28: {  	s22 =	sshll.u32 s21, $0xC  }
0x29: {  	s22 =	sand.u32 $0x3FFFF000, s22  }
0x2a: {  	v0 =	vld [tilespmem:s22+$0x200]  }
0x2b: {  	v1 =	vld [tilespmem:s22+$0x280];
	_ =	sdelay $0x1  }
0x2c: {  	v2 =	vld [tilespmem:s22+$0x300];
	_ =	sdelay $0x1  }
0x2d: {  	v3 =	vld [tilespmem:s22+$0x380]  }
0x2e: {  	v0 =	vadd.f32 v1, v0  }
0x2f: {  	v51 =	vld [tilespmem:s22+$0x400]  }
0x30: {  	v0 =	vadd.f32 v2, v0  }
0x31: {  	v52 =	vld [tilespmem:s22+$0x480]  }
0x32: {  	v0 =	vadd.f32 v3, v0  }
0x33: {  	v53 =	vld [tilespmem:s22+$0x500]  }
0x34: {  	v0 =	vadd.f32 v51, v0  }
0x35: {  	v54 =	vld [tilespmem:s22+$0x580]  }
0x36: {  	v0 =	vadd.f32 v52, v0  }
0x37: {  	v55 =	vld [tilespmem:s22+$0x600]  }
0x38: {  	v0 =	vadd.f32 v53, v0  }
0x39: {  	v56 =	vld [tilespmem:s22+$0x680]  }
0x3a: {  	v0 =	vadd.f32 v54, v0  }
0x3b: {  	v57 =	vld [tilespmem:s22+$0x700]  }
0x3c: {  	v0 =	vadd.f32 v55, v0  }
0x3d: {  	v58 =	vld [tilespmem:s22+$0x780]  }
0x3e: {  	v0 =	vadd.f32 v56, v0  }
0x3f: {  	v59 =	vld [tilespmem:s22+$0x800]  }
0x40: {  	v0 =	vadd.f32 v57, v0  }
0x41: {  	v60 =	vld [tilespmem:s22+$0x880]  }
0x42: {  	v0 =	vadd.f32 v58, v0  }
0x43: {  	v61 =	vld [tilespmem:s22+$0x900]  }
0x44: {  	v0 =	vadd.f32 v59, v0  }
0x45: {  	v62 =	vld [tilespmem:s22+$0x980]  }
0x46: {  	v0 =	vadd.f32 v60, v0  }
0x47: {  	v63 =	vld [tilespmem:s22+$0xA00]  }
0x48: {  	v0 =	vadd.f32 v61, v0  }
0x49: {  	v6 =	vld [tilespmem:s22+$0xA80]  }
0x4a: {  	v0 =	vadd.f32 v62, v0  }
0x4b: {  	v7 =	vld [tilespmem:s22+$0xB00]  }
0x4c: {  	v0 =	vadd.f32 v63, v0  }
0x4d: {  	v8 =	vld [tilespmem:s22+$0xB80]  }
0x4e: {  	v0 =	vadd.f32 v6, v0  }
0x4f: {  	v9 =	vld [tilespmem:s22+$0xC00]  }
0x50: {  	v0 =	vadd.f32 v7, v0  }
0x51: {  	v10 =	vld [tilespmem:s22+$0xC80]  }
0x52: {  	v0 =	vadd.f32 v8, v0  }
0x53: {  	v11 =	vld [tilespmem:s22+$0xD00]  }
0x54: {  	v0 =	vadd.f32 v9, v0  }
0x55: {  	v12 =	vld [tilespmem:s22+$0xD80]  }
0x56: {  	v0 =	vadd.f32 v10, v0  }
0x57: {  	v13 =	vld [tilespmem:s22+$0xE00]  }
0x58: {  	v0 =	vadd.f32 v11, v0  }
0x59: {  	v14 =	vld [tilespmem:s22+$0xE80]  }
0x5a: {  	v0 =	vadd.f32 v12, v0  }
0x5b: {  	v15 =	vld [tilespmem:s22+$0xF00]  }
0x5c: {  	v0 =	vadd.f32 v13, v0  }
0x5d: {  	v16 =	vld [tilespmem:s22+$0xF80]  }
0x5e: {  	v0 =	vadd.f32 v14, v0  }
0x5f: {  	v17 =	vld [tilespmem:s22+$0x1000]  }
0x60: {  	v0 =	vadd.f32 v15, v0  }
0x61: {  	v18 =	vld [tilespmem:s22+$0x1080]  }
0x62: {  	v0 =	vadd.f32 v16, v0  }
0x63: {  	v19 =	vld [tilespmem:s22+$0x1100]  }
0x64: {  	v0 =	vadd.f32 v17, v0  }
0x65: {  	v20 =	vld [tilespmem:s22+$0x1180]  }
0x66: {  	v0 =	vadd.f32 v18, v0;
	_ =	sdelay $0x1  }
0x67: {  	v0 =	vadd.f32 v19, v0;
	_ =	sdelay $0x1  }
0x68: {  	v0 =	vadd.f32 v20, v0;
	_ =	sdelay $0x1  }
0x69: {  	s23 =	sshll.u32 s21, $0x7;
	v0 =	vmul.f32 $3.125000000e-02, v0  }
0x6a: {  	s23 =	sand.u32 $0x3FFFFF80, s23  }
0x6b: {  	[tilespmem:s23+$0x10200] =	vst v0  }
0x6c: {  	v0 =	vld [tilespmem:s22+$0x210]  }
0x6d: {  	v21 =	vld [tilespmem:s22+$0x290];
	_ =	sdelay $0x1  }
0x6e: {  	v22 =	vld [tilespmem:s22+$0x310];
	_ =	sdelay $0x1  }
0x6f: {  	v23 =	vld [tilespmem:s22+$0x390]  }
0x70: {  	v0 =	vadd.f32 v21, v0  }
0x71: {  	v24 =	vld [tilespmem:s22+$0x410]  }
0x72: {  	v0 =	vadd.f32 v22, v0  }
0x73: {  	v25 =	vld [tilespmem:s22+$0x490]  }
0x74: {  	v0 =	vadd.f32 v23, v0  }
0x75: {  	v26 =	vld [tilespmem:s22+$0x510]  }
0x76: {  	v0 =	vadd.f32 v24, v0  }
0x77: {  	v27 =	vld [tilespmem:s22+$0x590]  }
0x78: {  	v0 =	vadd.f32 v25, v0  }
0x79: {  	v28 =	vld [tilespmem:s22+$0x610]  }
0x7a: {  	v0 =	vadd.f32 v26, v0  }
0x7b: {  	v29 =	vld [tilespmem:s22+$0x690]  }
0x7c: {  	v0 =	vadd.f32 v27, v0  }
0x7d: {  	v30 =	vld [tilespmem:s22+$0x710]  }
0x7e: {  	v0 =	vadd.f32 v28, v0  }
0x7f: {  	v31 =	vld [tilespmem:s22+$0x790]  }
0x80: {  	v0 =	vadd.f32 v29, v0  }
0x81: {  	v32 =	vld [tilespmem:s22+$0x810]  }
0x82: {  	v0 =	vadd.f32 v30, v0  }
0x83: {  	v33 =	vld [tilespmem:s22+$0x890]  }
0x84: {  	v0 =	vadd.f32 v31, v0  }
0x85: {  	v34 =	vld [tilespmem:s22+$0x910]  }
0x86: {  	v0 =	vadd.f32 v32, v0  }
0x87: {  	v35 =	vld [tilespmem:s22+$0x990]  }
0x88: {  	v0 =	vadd.f32 v33, v0  }
0x89: {  	v36 =	vld [tilespmem:s22+$0xA10]  }
0x8a: {  	v0 =	vadd.f32 v34, v0  }
0x8b: {  	v37 =	vld [tilespmem:s22+$0xA90]  }
0x8c: {  	v0 =	vadd.f32 v35, v0  }
0x8d: {  	v38 =	vld [tilespmem:s22+$0xB10]  }
0x8e: {  	v0 =	vadd.f32 v36, v0  }
0x8f: {  	v39 =	vld [tilespmem:s22+$0xB90]  }
0x90: {  	v0 =	vadd.f32 v37, v0  }
0x91: {  	v40 =	vld [tilespmem:s22+$0xC10]  }
0x92: {  	v0 =	vadd.f32 v38, v0  }
0x93: {  	v41 =	vld [tilespmem:s22+$0xC90]  }
0x94: {  	v0 =	vadd.f32 v39, v0  }
0x95: {  	v42 =	vld [tilespmem:s22+$0xD10]  }
0x96: {  	v0 =	vadd.f32 v40, v0  }
0x97: {  	v43 =	vld [tilespmem:s22+$0xD90]  }
0x98: {  	v0 =	vadd.f32 v41, v0  }
0x99: {  	v44 =	vld [tilespmem:s22+$0xE10]  }
0x9a: {  	v0 =	vadd.f32 v42, v0  }
0x9b: {  	v45 =	vld [tilespmem:s22+$0xE90]  }
0x9c: {  	v0 =	vadd.f32 v43, v0  }
0x9d: {  	v46 =	vld [tilespmem:s22+$0xF10]  }
0x9e: {  	v0 =	vadd.f32 v44, v0  }
0x9f: {  	v47 =	vld [tilespmem:s22+$0xF90]  }
0xa0: {  	v0 =	vadd.f32 v45, v0  }
0xa1: {  	v48 =	vld [tilespmem:s22+$0x1010]  }
0xa2: {  	v0 =	vadd.f32 v46, v0  }
0xa3: {  	v49 =	vld [tilespmem:s22+$0x1090]  }
0xa4: {  	v0 =	vadd.f32 v47, v0  }
0xa5: {  	v50 =	vld [tilespmem:s22+$0x1110]  }
0xa6: {  	v0 =	vadd.f32 v48, v0  }
0xa7: {  	v51 =	vld [tilespmem:s22+$0x1190]  }
0xa8: {  	v0 =	vadd.f32 v49, v0;
	_ =	sdelay $0x1  }
0xa9: {  	v0 =	vadd.f32 v50, v0;
	_ =	sdelay $0x1  }
0xaa: {  	v0 =	vadd.f32 v51, v0;
	_ =	sdelay $0x1  }
0xab: {  	v0 =	vmul.f32 $3.125000000e-02, v0;
	_ =	sdelay $0x1  }
0xac: {  	[tilespmem:s23+$0x10210] =	vst v0  }
0xad: {  	v0 =	vld [tilespmem:s22+$0x220]  }
0xae: {  	v52 =	vld [tilespmem:s22+$0x2A0];
	_ =	sdelay $0x1  }
0xaf: {  	v53 =	vld [tilespmem:s22+$0x320];
	_ =	sdelay $0x1  }
0xb0: {  	v54 =	vld [tilespmem:s22+$0x3A0]  }
0xb1: {  	v0 =	vadd.f32 v52, v0  }
0xb2: {  	v55 =	vld [tilespmem:s22+$0x420]  }
0xb3: {  	v0 =	vadd.f32 v53, v0  }
0xb4: {  	v56 =	vld [tilespmem:s22+$0x4A0]  }
0xb5: {  	v0 =	vadd.f32 v54, v0  }
0xb6: {  	v57 =	vld [tilespmem:s22+$0x520]  }
0xb7: {  	v0 =	vadd.f32 v55, v0  }
0xb8: {  	v58 =	vld [tilespmem:s22+$0x5A0]  }
0xb9: {  	v0 =	vadd.f32 v56, v0  }
0xba: {  	v59 =	vld [tilespmem:s22+$0x620]  }
0xbb: {  	v0 =	vadd.f32 v57, v0  }
0xbc: {  	v60 =	vld [tilespmem:s22+$0x6A0]  }
0xbd: {  	v0 =	vadd.f32 v58, v0  }
0xbe: {  	v61 =	vld [tilespmem:s22+$0x720]  }
0xbf: {  	v0 =	vadd.f32 v59, v0  }
0xc0: {  	v62 =	vld [tilespmem:s22+$0x7A0]  }
0xc1: {  	v0 =	vadd.f32 v60, v0  }
0xc2: {  	v63 =	vld [tilespmem:s22+$0x820]  }
0xc3: {  	v0 =	vadd.f32 v61, v0  }
0xc4: {  	v6 =	vld [tilespmem:s22+$0x8A0]  }
0xc5: {  	v0 =	vadd.f32 v62, v0  }
0xc6: {  	v7 =	vld [tilespmem:s22+$0x920]  }
0xc7: {  	v0 =	vadd.f32 v63, v0  }
0xc8: {  	v8 =	vld [tilespmem:s22+$0x9A0]  }
0xc9: {  	v0 =	vadd.f32 v6, v0  }
0xca: {  	v9 =	vld [tilespmem:s22+$0xA20]  }
0xcb: {  	v0 =	vadd.f32 v7, v0  }
0xcc: {  	v10 =	vld [tilespmem:s22+$0xAA0]  }
0xcd: {  	v0 =	vadd.f32 v8, v0  }
0xce: {  	v11 =	vld [tilespmem:s22+$0xB20]  }
0xcf: {  	v0 =	vadd.f32 v9, v0  }
0xd0: {  	v12 =	vld [tilespmem:s22+$0xBA0]  }
0xd1: {  	v0 =	vadd.f32 v10, v0  }
0xd2: {  	v13 =	vld [tilespmem:s22+$0xC20]  }
0xd3: {  	v0 =	vadd.f32 v11, v0  }
0xd4: {  	v14 =	vld [tilespmem:s22+$0xCA0]  }
0xd5: {  	v0 =	vadd.f32 v12, v0  }
0xd6: {  	v15 =	vld [tilespmem:s22+$0xD20]  }
0xd7: {  	v0 =	vadd.f32 v13, v0  }
0xd8: {  	v16 =	vld [tilespmem:s22+$0xDA0]  }
0xd9: {  	v0 =	vadd.f32 v14, v0  }
0xda: {  	v17 =	vld [tilespmem:s22+$0xE20]  }
0xdb: {  	v0 =	vadd.f32 v15, v0  }
0xdc: {  	v18 =	vld [tilespmem:s22+$0xEA0]  }
0xdd: {  	v0 =	vadd.f32 v16, v0  }
0xde: {  	v19 =	vld [tilespmem:s22+$0xF20]  }
0xdf: {  	v0 =	vadd.f32 v17, v0  }
0xe0: {  	v20 =	vld [tilespmem:s22+$0xFA0]  }
0xe1: {  	v0 =	vadd.f32 v18, v0  }
0xe2: {  	v21 =	vld [tilespmem:s22+$0x1020]  }
0xe3: {  	v0 =	vadd.f32 v19, v0  }
0xe4: {  	v22 =	vld [tilespmem:s22+$0x10A0]  }
0xe5: {  	v0 =	vadd.f32 v20, v0  }
0xe6: {  	v23 =	vld [tilespmem:s22+$0x1120]  }
0xe7: {  	v0 =	vadd.f32 v21, v0  }
0xe8: {  	v24 =	vld [tilespmem:s22+$0x11A0]  }
0xe9: {  	v0 =	vadd.f32 v22, v0;
	_ =	sdelay $0x1  }
0xea: {  	v0 =	vadd.f32 v23, v0;
	_ =	sdelay $0x1  }
0xeb: {  	v0 =	vadd.f32 v24, v0;
	_ =	sdelay $0x1  }
0xec: {  	v0 =	vmul.f32 $3.125000000e-02, v0;
	_ =	sdelay $0x1  }
0xed: {  	[tilespmem:s23+$0x10220] =	vst v0  }
0xee: {  	v0 =	vld [tilespmem:s22+$0x230]  }
0xef: {  	v25 =	vld [tilespmem:s22+$0x2B0];
	_ =	sdelay $0x1  }
0xf0: {  	v26 =	vld [tilespmem:s22+$0x330];
	_ =	sdelay $0x1  }
0xf1: {  	v27 =	vld [tilespmem:s22+$0x3B0]  }
0xf2: {  	v0 =	vadd.f32 v25, v0  }
0xf3: {  	v28 =	vld [tilespmem:s22+$0x430]  }
0xf4: {  	v0 =	vadd.f32 v26, v0  }
0xf5: {  	v29 =	vld [tilespmem:s22+$0x4B0]  }
0xf6: {  	v0 =	vadd.f32 v27, v0  }
0xf7: {  	v30 =	vld [tilespmem:s22+$0x530]  }
0xf8: {  	v0 =	vadd.f32 v28, v0  }
0xf9: {  	v31 =	vld [tilespmem:s22+$0x5B0]  }
0xfa: {  	v0 =	vadd.f32 v29, v0  }
0xfb: {  	v32 =	vld [tilespmem:s22+$0x630]  }
0xfc: {  	v0 =	vadd.f32 v30, v0  }
0xfd: {  	v33 =	vld [tilespmem:s22+$0x6B0]  }
0xfe: {  	v0 =	vadd.f32 v31, v0  }
0xff: {  	v34 =	vld [tilespmem:s22+$0x730]  }
0x100: {  	v0 =	vadd.f32 v32, v0  }
0x101: {  	v35 =	vld [tilespmem:s22+$0x7B0]  }
0x102: {  	v0 =	vadd.f32 v33, v0  }
0x103: {  	v36 =	vld [tilespmem:s22+$0x830]  }
0x104: {  	v0 =	vadd.f32 v34, v0  }
0x105: {  	v37 =	vld [tilespmem:s22+$0x8B0]  }
0x106: {  	v0 =	vadd.f32 v35, v0  }
0x107: {  	v38 =	vld [tilespmem:s22+$0x930]  }
0x108: {  	v0 =	vadd.f32 v36, v0  }
0x109: {  	v39 =	vld [tilespmem:s22+$0x9B0]  }
0x10a: {  	v0 =	vadd.f32 v37, v0  }
0x10b: {  	v40 =	vld [tilespmem:s22+$0xA30]  }
0x10c: {  	v0 =	vadd.f32 v38, v0  }
0x10d: {  	v41 =	vld [tilespmem:s22+$0xAB0]  }
0x10e: {  	v0 =	vadd.f32 v39, v0  }
0x10f: {  	v42 =	vld [tilespmem:s22+$0xB30]  }
0x110: {  	v0 =	vadd.f32 v40, v0  }
0x111: {  	v43 =	vld [tilespmem:s22+$0xBB0]  }
0x112: {  	v0 =	vadd.f32 v41, v0  }
0x113: {  	v44 =	vld [tilespmem:s22+$0xC30]  }
0x114: {  	v0 =	vadd.f32 v42, v0  }
0x115: {  	v45 =	vld [tilespmem:s22+$0xCB0]  }
0x116: {  	v0 =	vadd.f32 v43, v0  }
0x117: {  	v46 =	vld [tilespmem:s22+$0xD30]  }
0x118: {  	v0 =	vadd.f32 v44, v0  }
0x119: {  	v47 =	vld [tilespmem:s22+$0xDB0]  }
0x11a: {  	v0 =	vadd.f32 v45, v0  }
0x11b: {  	v48 =	vld [tilespmem:s22+$0xE30]  }
0x11c: {  	v0 =	vadd.f32 v46, v0  }
0x11d: {  	v49 =	vld [tilespmem:s22+$0xEB0]  }
0x11e: {  	v0 =	vadd.f32 v47, v0  }
0x11f: {  	v50 =	vld [tilespmem:s22+$0xF30]  }
0x120: {  	v0 =	vadd.f32 v48, v0  }
0x121: {  	v51 =	vld [tilespmem:s22+$0xFB0]  }
0x122: {  	v0 =	vadd.f32 v49, v0  }
0x123: {  	v52 =	vld [tilespmem:s22+$0x1030]  }
0x124: {  	v0 =	vadd.f32 v50, v0  }
0x125: {  	v53 =	vld [tilespmem:s22+$0x10B0]  }
0x126: {  	v0 =	vadd.f32 v51, v0  }
0x127: {  	v54 =	vld [tilespmem:s22+$0x1130]  }
0x128: {  	v0 =	vadd.f32 v52, v0  }
0x129: {  	v55 =	vld [tilespmem:s22+$0x11B0]  }
0x12a: {  	v0 =	vadd.f32 v53, v0;
	_ =	sdelay $0x1  }
0x12b: {  	v0 =	vadd.f32 v54, v0;
	_ =	sdelay $0x1  }
0x12c: {  	v0 =	vadd.f32 v55, v0;
	_ =	sdelay $0x1  }
0x12d: {  	v0 =	vmul.f32 $3.125000000e-02, v0;
	_ =	sdelay $0x1  }
0x12e: {  	[tilespmem:s23+$0x10230] =	vst v0  }
0x12f: {  	v0 =	vld [tilespmem:s22+$0x240]  }
0x130: {  	v56 =	vld [tilespmem:s22+$0x2C0];
	_ =	sdelay $0x1  }
0x131: {  	v57 =	vld [tilespmem:s22+$0x340];
	_ =	sdelay $0x1  }
0x132: {  	v58 =	vld [tilespmem:s22+$0x3C0]  }
0x133: {  	v0 =	vadd.f32 v56, v0  }
0x134: {  	v59 =	vld [tilespmem:s22+$0x440]  }
0x135: {  	v0 =	vadd.f32 v57, v0  }
0x136: {  	v60 =	vld [tilespmem:s22+$0x4C0]  }
0x137: {  	v0 =	vadd.f32 v58, v0  }
0x138: {  	v61 =	vld [tilespmem:s22+$0x540]  }
0x139: {  	v0 =	vadd.f32 v59, v0  }
0x13a: {  	v62 =	vld [tilespmem:s22+$0x5C0]  }
0x13b: {  	v0 =	vadd.f32 v60, v0  }
0x13c: {  	v63 =	vld [tilespmem:s22+$0x640]  }
0x13d: {  	v0 =	vadd.f32 v61, v0  }
0x13e: {  	v6 =	vld [tilespmem:s22+$0x6C0]  }
0x13f: {  	v0 =	vadd.f32 v62, v0  }
0x140: {  	v7 =	vld [tilespmem:s22+$0x740]  }
0x141: {  	v0 =	vadd.f32 v63, v0  }
0x142: {  	v8 =	vld [tilespmem:s22+$0x7C0]  }
0x143: {  	v0 =	vadd.f32 v6, v0  }
0x144: {  	v9 =	vld [tilespmem:s22+$0x840]  }
0x145: {  	v0 =	vadd.f32 v7, v0  }
0x146: {  	v10 =	vld [tilespmem:s22+$0x8C0]  }
0x147: {  	v0 =	vadd.f32 v8, v0  }
0x148: {  	v11 =	vld [tilespmem:s22+$0x940]  }
0x149: {  	v0 =	vadd.f32 v9, v0  }
0x14a: {  	v12 =	vld [tilespmem:s22+$0x9C0]  }
0x14b: {  	v0 =	vadd.f32 v10, v0  }
0x14c: {  	v13 =	vld [tilespmem:s22+$0xA40]  }
0x14d: {  	v0 =	vadd.f32 v11, v0  }
0x14e: {  	v14 =	vld [tilespmem:s22+$0xAC0]  }
0x14f: {  	v0 =	vadd.f32 v12, v0  }
0x150: {  	v15 =	vld [tilespmem:s22+$0xB40]  }
0x151: {  	v0 =	vadd.f32 v13, v0  }
0x152: {  	v16 =	vld [tilespmem:s22+$0xBC0]  }
0x153: {  	v0 =	vadd.f32 v14, v0  }
0x154: {  	v17 =	vld [tilespmem:s22+$0xC40]  }
0x155: {  	v0 =	vadd.f32 v15, v0  }
0x156: {  	v18 =	vld [tilespmem:s22+$0xCC0]  }
0x157: {  	v0 =	vadd.f32 v16, v0  }
0x158: {  	v19 =	vld [tilespmem:s22+$0xD40]  }
0x159: {  	v0 =	vadd.f32 v17, v0  }
0x15a: {  	v20 =	vld [tilespmem:s22+$0xDC0]  }
0x15b: {  	v0 =	vadd.f32 v18, v0  }
0x15c: {  	v21 =	vld [tilespmem:s22+$0xE40]  }
0x15d: {  	v0 =	vadd.f32 v19, v0  }
0x15e: {  	v22 =	vld [tilespmem:s22+$0xEC0]  }
0x15f: {  	v0 =	vadd.f32 v20, v0  }
0x160: {  	v23 =	vld [tilespmem:s22+$0xF40]  }
0x161: {  	v0 =	vadd.f32 v21, v0  }
0x162: {  	v24 =	vld [tilespmem:s22+$0xFC0]  }
0x163: {  	v0 =	vadd.f32 v22, v0  }
0x164: {  	v25 =	vld [tilespmem:s22+$0x1040]  }
0x165: {  	v0 =	vadd.f32 v23, v0  }
0x166: {  	v26 =	vld [tilespmem:s22+$0x10C0]  }
0x167: {  	v0 =	vadd.f32 v24, v0  }
0x168: {  	v27 =	vld [tilespmem:s22+$0x1140]  }
0x169: {  	v0 =	vadd.f32 v25, v0  }
0x16a: {  	v28 =	vld [tilespmem:s22+$0x11C0]  }
0x16b: {  	v0 =	vadd.f32 v26, v0;
	_ =	sdelay $0x1  }
0x16c: {  	v0 =	vadd.f32 v27, v0;
	_ =	sdelay $0x1  }
0x16d: {  	v0 =	vadd.f32 v28, v0;
	_ =	sdelay $0x1  }
0x16e: {  	v0 =	vmul.f32 $3.125000000e-02, v0;
	_ =	sdelay $0x1  }
0x16f: {  	[tilespmem:s23+$0x10240] =	vst v0  }
0x170: {  	v0 =	vld [tilespmem:s22+$0x250]  }
0x171: {  	v29 =	vld [tilespmem:s22+$0x2D0];
	_ =	sdelay $0x1  }
0x172: {  	v30 =	vld [tilespmem:s22+$0x350];
	_ =	sdelay $0x1  }
0x173: {  	v31 =	vld [tilespmem:s22+$0x3D0]  }
0x174: {  	v0 =	vadd.f32 v29, v0  }
0x175: {  	v32 =	vld [tilespmem:s22+$0x450]  }
0x176: {  	v0 =	vadd.f32 v30, v0  }
0x177: {  	v33 =	vld [tilespmem:s22+$0x4D0]  }
0x178: {  	v0 =	vadd.f32 v31, v0  }
0x179: {  	v34 =	vld [tilespmem:s22+$0x550]  }
0x17a: {  	v0 =	vadd.f32 v32, v0  }
0x17b: {  	v35 =	vld [tilespmem:s22+$0x5D0]  }
0x17c: {  	v0 =	vadd.f32 v33, v0  }
0x17d: {  	v36 =	vld [tilespmem:s22+$0x650]  }
0x17e: {  	v0 =	vadd.f32 v34, v0  }
0x17f: {  	v37 =	vld [tilespmem:s22+$0x6D0]  }
0x180: {  	v0 =	vadd.f32 v35, v0  }
0x181: {  	v38 =	vld [tilespmem:s22+$0x750]  }
0x182: {  	v0 =	vadd.f32 v36, v0  }
0x183: {  	v39 =	vld [tilespmem:s22+$0x7D0]  }
0x184: {  	v0 =	vadd.f32 v37, v0  }
0x185: {  	v40 =	vld [tilespmem:s22+$0x850]  }
0x186: {  	v0 =	vadd.f32 v38, v0  }
0x187: {  	v41 =	vld [tilespmem:s22+$0x8D0]  }
0x188: {  	v0 =	vadd.f32 v39, v0  }
0x189: {  	v42 =	vld [tilespmem:s22+$0x950]  }
0x18a: {  	v0 =	vadd.f32 v40, v0  }
0x18b: {  	v43 =	vld [tilespmem:s22+$0x9D0]  }
0x18c: {  	v0 =	vadd.f32 v41, v0  }
0x18d: {  	v44 =	vld [tilespmem:s22+$0xA50]  }
0x18e: {  	v0 =	vadd.f32 v42, v0  }
0x18f: {  	v45 =	vld [tilespmem:s22+$0xAD0]  }
0x190: {  	v0 =	vadd.f32 v43, v0  }
0x191: {  	v46 =	vld [tilespmem:s22+$0xB50]  }
0x192: {  	v0 =	vadd.f32 v44, v0  }
0x193: {  	v47 =	vld [tilespmem:s22+$0xBD0]  }
0x194: {  	v0 =	vadd.f32 v45, v0  }
0x195: {  	v48 =	vld [tilespmem:s22+$0xC50]  }
0x196: {  	v0 =	vadd.f32 v46, v0  }
0x197: {  	v49 =	vld [tilespmem:s22+$0xCD0]  }
0x198: {  	v0 =	vadd.f32 v47, v0  }
0x199: {  	v50 =	vld [tilespmem:s22+$0xD50]  }
0x19a: {  	v0 =	vadd.f32 v48, v0  }
0x19b: {  	v51 =	vld [tilespmem:s22+$0xDD0]  }
0x19c: {  	v0 =	vadd.f32 v49, v0  }
0x19d: {  	v52 =	vld [tilespmem:s22+$0xE50]  }
0x19e: {  	v0 =	vadd.f32 v50, v0  }
0x19f: {  	v53 =	vld [tilespmem:s22+$0xED0]  }
0x1a0: {  	v0 =	vadd.f32 v51, v0  }
0x1a1: {  	v54 =	vld [tilespmem:s22+$0xF50]  }
0x1a2: {  	v0 =	vadd.f32 v52, v0  }
0x1a3: {  	v55 =	vld [tilespmem:s22+$0xFD0]  }
0x1a4: {  	v0 =	vadd.f32 v53, v0  }
0x1a5: {  	v56 =	vld [tilespmem:s22+$0x1050]  }
0x1a6: {  	v0 =	vadd.f32 v54, v0  }
0x1a7: {  	v57 =	vld [tilespmem:s22+$0x10D0]  }
0x1a8: {  	v0 =	vadd.f32 v55, v0  }
0x1a9: {  	v58 =	vld [tilespmem:s22+$0x1150]  }
0x1aa: {  	v0 =	vadd.f32 v56, v0  }
0x1ab: {  	v59 =	vld [tilespmem:s22+$0x11D0]  }
0x1ac: {  	v0 =	vadd.f32 v57, v0;
	_ =	sdelay $0x1  }
0x1ad: {  	v0 =	vadd.f32 v58, v0;
	_ =	sdelay $0x1  }
0x1ae: {  	v0 =	vadd.f32 v59, v0;
	_ =	sdelay $0x1  }
0x1af: {  	v0 =	vmul.f32 $3.125000000e-02, v0;
	_ =	sdelay $0x1  }
0x1b0: {  	[tilespmem:s23+$0x10250] =	vst v0  }
0x1b1: {  	v0 =	vld [tilespmem:s22+$0x260]  }
0x1b2: {  	v60 =	vld [tilespmem:s22+$0x2E0];
	_ =	sdelay $0x1  }
0x1b3: {  	v61 =	vld [tilespmem:s22+$0x360];
	_ =	sdelay $0x1  }
0x1b4: {  	v62 =	vld [tilespmem:s22+$0x3E0]  }
0x1b5: {  	v0 =	vadd.f32 v60, v0  }
0x1b6: {  	v63 =	vld [tilespmem:s22+$0x460]  }
0x1b7: {  	v0 =	vadd.f32 v61, v0  }
0x1b8: {  	v6 =	vld [tilespmem:s22+$0x4E0]  }
0x1b9: {  	v0 =	vadd.f32 v62, v0  }
0x1ba: {  	v7 =	vld [tilespmem:s22+$0x560]  }
0x1bb: {  	v0 =	vadd.f32 v63, v0  }
0x1bc: {  	v8 =	vld [tilespmem:s22+$0x5E0]  }
0x1bd: {  	v0 =	vadd.f32 v6, v0  }
0x1be: {  	v9 =	vld [tilespmem:s22+$0x660]  }
0x1bf: {  	v0 =	vadd.f32 v7, v0  }
0x1c0: {  	v10 =	vld [tilespmem:s22+$0x6E0]  }
0x1c1: {  	v0 =	vadd.f32 v8, v0  }
0x1c2: {  	v11 =	vld [tilespmem:s22+$0x760]  }
0x1c3: {  	v0 =	vadd.f32 v9, v0  }
0x1c4: {  	v12 =	vld [tilespmem:s22+$0x7E0]  }
0x1c5: {  	v0 =	vadd.f32 v10, v0  }
0x1c6: {  	v13 =	vld [tilespmem:s22+$0x860]  }
0x1c7: {  	v0 =	vadd.f32 v11, v0  }
0x1c8: {  	v14 =	vld [tilespmem:s22+$0x8E0]  }
0x1c9: {  	v0 =	vadd.f32 v12, v0  }
0x1ca: {  	v15 =	vld [tilespmem:s22+$0x960]  }
0x1cb: {  	v0 =	vadd.f32 v13, v0  }
0x1cc: {  	v16 =	vld [tilespmem:s22+$0x9E0]  }
0x1cd: {  	v0 =	vadd.f32 v14, v0  }
0x1ce: {  	v17 =	vld [tilespmem:s22+$0xA60]  }
0x1cf: {  	v0 =	vadd.f32 v15, v0  }
0x1d0: {  	v18 =	vld [tilespmem:s22+$0xAE0]  }
0x1d1: {  	v0 =	vadd.f32 v16, v0  }
0x1d2: {  	v19 =	vld [tilespmem:s22+$0xB60]  }
0x1d3: {  	v0 =	vadd.f32 v17, v0  }
0x1d4: {  	v20 =	vld [tilespmem:s22+$0xBE0]  }
0x1d5: {  	v0 =	vadd.f32 v18, v0  }
0x1d6: {  	v21 =	vld [tilespmem:s22+$0xC60]  }
0x1d7: {  	v0 =	vadd.f32 v19, v0  }
0x1d8: {  	v22 =	vld [tilespmem:s22+$0xCE0]  }
0x1d9: {  	v0 =	vadd.f32 v20, v0  }
0x1da: {  	v23 =	vld [tilespmem:s22+$0xD60]  }
0x1db: {  	v0 =	vadd.f32 v21, v0  }
0x1dc: {  	v24 =	vld [tilespmem:s22+$0xDE0]  }
0x1dd: {  	v0 =	vadd.f32 v22, v0  }
0x1de: {  	v25 =	vld [tilespmem:s22+$0xE60]  }
0x1df: {  	v0 =	vadd.f32 v23, v0  }
0x1e0: {  	v26 =	vld [tilespmem:s22+$0xEE0]  }
0x1e1: {  	v0 =	vadd.f32 v24, v0  }
0x1e2: {  	v27 =	vld [tilespmem:s22+$0xF60]  }
0x1e3: {  	v0 =	vadd.f32 v25, v0  }
0x1e4: {  	v28 =	vld [tilespmem:s22+$0xFE0]  }
0x1e5: {  	v0 =	vadd.f32 v26, v0  }
0x1e6: {  	v29 =	vld [tilespmem:s22+$0x1060]  }
0x1e7: {  	v0 =	vadd.f32 v27, v0  }
0x1e8: {  	v30 =	vld [tilespmem:s22+$0x10E0]  }
0x1e9: {  	v0 =	vadd.f32 v28, v0  }
0x1ea: {  	v31 =	vld [tilespmem:s22+$0x1160]  }
0x1eb: {  	v0 =	vadd.f32 v29, v0  }
0x1ec: {  	v32 =	vld [tilespmem:s22+$0x11E0]  }
0x1ed: {  	v0 =	vadd.f32 v30, v0;
	_ =	sdelay $0x1  }
0x1ee: {  	v0 =	vadd.f32 v31, v0;
	_ =	sdelay $0x1  }
0x1ef: {  	v0 =	vadd.f32 v32, v0;
	_ =	sdelay $0x1  }
0x1f0: {  	v0 =	vmul.f32 $3.125000000e-02, v0;
	_ =	sdelay $0x1  }
0x1f1: {  	[tilespmem:s23+$0x10260] =	vst v0  }
0x1f2: {  	v0 =	vld [tilespmem:s22+$0x270]  }
0x1f3: {  	v33 =	vld [tilespmem:s22+$0x2F0];
	_ =	sdelay $0x1  }
0x1f4: {  	v34 =	vld [tilespmem:s22+$0x370];
	_ =	sdelay $0x1  }
0x1f5: {  	v35 =	vld [tilespmem:s22+$0x3F0]  }
0x1f6: {  	v0 =	vadd.f32 v33, v0  }
0x1f7: {  	v36 =	vld [tilespmem:s22+$0x470]  }
0x1f8: {  	v0 =	vadd.f32 v34, v0  }
0x1f9: {  	v37 =	vld [tilespmem:s22+$0x4F0]  }
0x1fa: {  	v0 =	vadd.f32 v35, v0  }
0x1fb: {  	v38 =	vld [tilespmem:s22+$0x570]  }
0x1fc: {  	v0 =	vadd.f32 v36, v0  }
0x1fd: {  	v39 =	vld [tilespmem:s22+$0x5F0]  }
0x1fe: {  	v0 =	vadd.f32 v37, v0  }
0x1ff: {  	v40 =	vld [tilespmem:s22+$0x670]  }
0x200: {  	v0 =	vadd.f32 v38, v0  }
0x201: {  	v41 =	vld [tilespmem:s22+$0x6F0]  }
0x202: {  	v0 =	vadd.f32 v39, v0  }
0x203: {  	v42 =	vld [tilespmem:s22+$0x770]  }
0x204: {  	v0 =	vadd.f32 v40, v0  }
0x205: {  	v43 =	vld [tilespmem:s22+$0x7F0]  }
0x206: {  	v0 =	vadd.f32 v41, v0  }
0x207: {  	v44 =	vld [tilespmem:s22+$0x870]  }
0x208: {  	v0 =	vadd.f32 v42, v0  }
0x209: {  	v45 =	vld [tilespmem:s22+$0x8F0]  }
0x20a: {  	v0 =	vadd.f32 v43, v0  }
0x20b: {  	v46 =	vld [tilespmem:s22+$0x970]  }
0x20c: {  	v0 =	vadd.f32 v44, v0  }
0x20d: {  	v47 =	vld [tilespmem:s22+$0x9F0]  }
0x20e: {  	v0 =	vadd.f32 v45, v0  }
0x20f: {  	v48 =	vld [tilespmem:s22+$0xA70]  }
0x210: {  	v0 =	vadd.f32 v46, v0  }
0x211: {  	v49 =	vld [tilespmem:s22+$0xAF0]  }
0x212: {  	v0 =	vadd.f32 v47, v0  }
0x213: {  	v50 =	vld [tilespmem:s22+$0xB70]  }
0x214: {  	v0 =	vadd.f32 v48, v0  }
0x215: {  	v51 =	vld [tilespmem:s22+$0xBF0]  }
0x216: {  	v0 =	vadd.f32 v49, v0  }
0x217: {  	v52 =	vld [tilespmem:s22+$0xC70]  }
0x218: {  	v0 =	vadd.f32 v50, v0  }
0x219: {  	v53 =	vld [tilespmem:s22+$0xCF0]  }
0x21a: {  	v0 =	vadd.f32 v51, v0  }
0x21b: {  	v54 =	vld [tilespmem:s22+$0xD70]  }
0x21c: {  	v0 =	vadd.f32 v52, v0  }
0x21d: {  	v55 =	vld [tilespmem:s22+$0xDF0]  }
0x21e: {  	v0 =	vadd.f32 v53, v0  }
0x21f: {  	v56 =	vld [tilespmem:s22+$0xE70]  }
0x220: {  	v0 =	vadd.f32 v54, v0  }
0x221: {  	v57 =	vld [tilespmem:s22+$0xEF0]  }
0x222: {  	v0 =	vadd.f32 v55, v0  }
0x223: {  	v58 =	vld [tilespmem:s22+$0xF70]  }
0x224: {  	v0 =	vadd.f32 v56, v0  }
0x225: {  	v59 =	vld [tilespmem:s22+$0xFF0]  }
0x226: {  	v0 =	vadd.f32 v57, v0  }
0x227: {  	v60 =	vld [tilespmem:s22+$0x1070]  }
0x228: {  	v0 =	vadd.f32 v58, v0  }
0x229: {  	v61 =	vld [tilespmem:s22+$0x10F0]  }
0x22a: {  	v0 =	vadd.f32 v59, v0  }
0x22b: {  	v62 =	vld [tilespmem:s22+$0x1170]  }
0x22c: {  	v0 =	vadd.f32 v60, v0  }
0x22d: {  	v63 =	vld [tilespmem:s22+$0x11F0]  }
0x22e: {  	v0 =	vadd.f32 v61, v0;
	_ =	sdelay $0x1  }
0x22f: {  	v0 =	vadd.f32 v62, v0  }
0x230: {  	p0 =	sne.s32 s21, $0xF  }
.Ltmp0:
0x231: {  	v0 =	vadd.f32 v63, v0;
	(pc) =	sbr.rel @p0 .LBB2_3-.Ltmp0, $3  }
0x232: {  	_ = 	snop  }
0x233: {  	v0 =	vmul.f32 $3.125000000e-02, v0;
	_ =	sdelay $0x1  }
0x234: {  	s21 =	sadd.s32 $0x1, s21;
	[tilespmem:s23+$0x10270] =	vst v0  }
0x235: {  	s19 =	sadd.s32 $0x1, s19  }
0x236: {  	s20 =	sshll.u32 s20, $0x8;
	p0 =	sne.s32 s19, $0x14  }
.Ltmp1:
0x237: {  	s20 =	sadd.s32 s5, s20;
	(pc) =	sbr.rel @p0 .LBB2_2-.Ltmp1, $4  }
0x238: {  	[hbm4b:s20+s4] =	stream.linear.scatter [tilespmem:s17], [sflag:$0x2], $0x800, $0x38;
	[tilespmem:$0x10A00] =	vst v63  }
0x239: {  	_ =	swait.ge [sflag:s8], $0x800  }
0x23a: {  	[sflag:s8] =	ssyncset.done $0x0  }
0x23b: {  	[sflag:s8] =	ssyncadd.s32 $0xFFFFF800  }
0x23c: {  	s18 =	sadd.s32 $0x1, s18  }
0x23d: {  	p0 =	sne.s32 s18, s7  }
.Ltmp2:
0x23e: {  	_ = 	snop;
	(pc) =	sbr.rel @p0 .LBB2_1-.Ltmp2, $1  }
0x23f: {  	_ =	sdelay $0x3  }
0x240: {  	_ =	sfence.sel $0x180000  }
0x241: {  	[bflag:$0x0] =	sbarrier.arrive $0xFFFF  }
0x242: {  	p0 =	sne.s32 s3, $0x0;
	_ =	strace $0x9000004A  }
0x243: {  	s0 =	sadd.s32 @!p0 $0x100000, s0;
	[bflag:$0x2] =	sbarrier.arrive $0xFFFF  }
0x244: {  	[sflag:s0] =	ssyncadd.tile.s32 @!p0 $0x1;
	_ =	shalt  }
.Lfunc_end2:
_tile_overlayer_lowered:
.L_overlay_start_2:
0x245: {  	(tag) =	ssettag $0x2  }
0x246: {  	s0 =	rddreg [dreg:$0x0];
	s2 =	stileid.u32  }
0x247: {  	s1 =	rddreg [dreg:$0x1];
	p0 =	sne.s32 s2, $0x0  }
0x248: {  	s3 =	rddreg [dreg:$0x2];
	[bflag:$0x3] =	sbarrier.arrive $0xFFFF;
	s2 =	simm.s32 @!p0 $0x1C02  }
0x249: {  	[timem:s3], [sflag:s2] =	dma.local @!p0 [hbm:s0], s1  }
0x24a: {  	s0 =	simm.s32 @!p0 $0x2  }
0x24b: {  	_ =	swait.ge @!p0 [sflag:s0], s1  }
0x24c: {  	s1 =	ssub.s32 @!p0 $0x0, s1;
	[sflag:s0] =	ssyncset.done @!p0 $0x0  }
0x24d: {  	[sflag:s0] =	ssyncadd.s32 @!p0 s1  }
0x24e: {  	[bflag:$0x3] =	sbarrier.arrive $0xFFFF  }
0x24f: {  	_ =	shalt  }

// kernel: kernel.7.cloned.1.call-start
scs
__scs_entry_jumppad:
0x0: {  	(pc) =	sbr.rel $0x88, $3  }
0x1: {  	(tag) =	ssettag $0x0;
	lr =	simm.s32 $0x1  }
0x2: {  	[smem:$0x3F93] =	sst lr;
	_ =	strace $0xD0000000  }
0x3: {  	_ = 	snop  }
0x4: {  	_ = 	snop  }
0x5: {  	_ = 	snop  }
0x6: {  	_ = 	snop  }
0x7: {  	_ = 	snop  }
__scs_overlays_trampoline_lowered:
0x8: {  	[smem:$0x3FA2] =	sst s0  }
0x9: {  	[smem:$0x3FA3] =	sst s1  }
0xa: {  	[smem:$0x3FA4] =	sst s2  }
0xb: {  	[smem:$0x3FA5] =	sst s3  }
0xc: {  	[smem:$0x3FA6] =	sst s4  }
0xd: {  	[smem:$0x3FA7] =	sst s5  }
0xe: {  	[smem:$0x3FA8] =	sst s6  }
0xf: {  	[smem:$0x3FA9] =	sst s7  }
0x10: {  	[smem:$0x3FAA] =	sst s8  }
0x11: {  	[smem:$0x3FAB] =	sst s9;
	s0 =	simm.s32 @!p0 $0x0  }
0x12: {  	s1 =	sld [smem:$0x3F91];
	s0 =	simm.s32 @p0 $0x1  }
0x13: {  	[smem:$0x3FAC] =	sst s0;
	s0 =	simm.s32 @!p1 $0x0  }
0x14: {  	s2 =	sld [smem:$0x3F90];
	s0 =	simm.s32 @p1 $0x1  }
0x15: {  	[smem:$0x3FAD] =	sst s0;
	s0 =	simm.s32 @!p2 $0x0  }
0x16: {  	s3 =	sld [smem:$0x3FDB];
	s0 =	simm.s32 @p2 $0x1  }
0x17: {  	s4 =	simm.s32 $0x1BF5;
	[smem:$0x3FAF] =	sst s0  }
0x18: {  	s0 =	sld [smem:$0x3F92];
	_ =	swait.ge [sflag:s4], $0x0  }
0x19: {  	s7 =	sld [smem:$0x3F93]  }
0x1a: {  	s8 =	sadd.s32 $0xFFFFE003, lr  }
0x1b: {  	s9 =	sadd.s32 $0xFFFFFEF7, lr;
	s5 =	simm.s32 $0xFFFFFFFF;
	p2 =	slt.u32 s8, $0xFFFFF086  }
0x1c: {  	p1 =	slt.u32 s9, $0xF7A;
	s5 =	simm.s32 @!p2 $0x0  }
0x1d: {  	s5 =	simm.s32 @p1 $0x1;
	p0 =	seq.s32 s7, s2  }
0x1e: {  	s7 =	smul.u32 @!p0 $0xF7A, s2;
	p2 =	seq.s32 @!p0 s5, $0x0  }
0x1f: {  	s9 =	smul.u32 $0xF7A, s1;
	s8 =	simm.s32 @!p0 $0x1BF5;
	p2 =	por !p2, p0  }
0x20: {  	[sflag:s8] =	ssyncset.s32 @!p0 $0xFFFFF086;
	s6 =	sadd.s32 @!p0 s3, s7;
	s7 =	simm.s32 @!p0 $0x108  }
0x21: {  	s3 =	sadd.s32 s3, s9;
	s6 =	sadd.s32 @!p0 $0x88, s6;
	s7 =	simm.s32 @p2 $0x1082  }
0x22: {  	[simem:s7], [sflag:s8] =	dma.local @!p0 [hbm:s6], $0xF7A  }
0x23: {  	s9 =	sor.u32 $0xD0000000, s2;
	s6 =	simm.s32 $0x108;
	_ =	swait.ge @!p0 [sflag:s8], $0x0  }
0x24: {  	s3 =	sadd.s32 $0x88, s3;
	s6 =	simm.s32 @!p1 $0x1082;
	[sflag:s4] =	ssyncset.s32 $0xFFFFF086  }
0x25: {  	[simem:s6], [sflag:s4] =	dma.local [hbm:s3], $0xF7A  }
0x26: {  	[smem:$0x3F93] =	sst s1;
	(tag) =	ssettag s2;
	_ =	strace s9  }
0x27: {  	s1 =	sld [smem:$0x3FA3]  }
0x28: {  	s2 =	sld [smem:$0x3FA4]  }
0x29: {  	s4 =	sld [smem:$0x3FA6]  }
0x2a: {  	p0 =	seq.s32 s5, $0x0;
	s5 =	sld [smem:$0x3FA7]  }
0x2b: {  	s6 =	sld [smem:$0x3FA8]  }
0x2c: {  	s7 =	sld [smem:$0x3FA9]  }
0x2d: {  	s3 =	simm.s32 $0x108;
	s8 =	sld [smem:$0x3FAA]  }
0x2e: {  	s3 =	simm.s32 @!p0 $0x1082;
	s9 =	sld [smem:$0x3FAB]  }
0x2f: {  	lr =	sadd.s32 s0, s3;
	s0 =	sld [smem:$0x3FA2]  }
0x30: {  	s3 =	sld [smem:$0x3FA5]  }
0x31: {  	[smem:$0x3FAE] =	sst s10  }
0x32: {  	s10 =	sld [smem:$0x3FAC];
	_ =	sdelay $0x3  }
0x33: {  	p0 =	seq.s32 s10, $0x1;
	s10 =	sld [smem:$0x3FAE];
	_ =	sdelay $0x3  }
0x34: {  	[smem:$0x3FAE] =	sst s10  }
0x35: {  	s10 =	sld [smem:$0x3FAD];
	_ =	sdelay $0x3  }
0x36: {  	p1 =	seq.s32 s10, $0x1;
	s10 =	sld [smem:$0x3FAE];
	_ =	sdelay $0x3  }
0x37: {  	[smem:$0x3FAE] =	sst s10  }
0x38: {  	s10 =	sld [smem:$0x3FAF]  }
0x39: {  	_ = 	snop;
	(pc) =	sbr.ind lr, $3  }
0x3a: {  	_ = 	snop  }
0x3b: {  	_ = 	snop  }
0x3c: {  	p2 =	seq.s32 s10, $0x1;
	s10 =	sld [smem:$0x3FAE]  }
0x3d: {  	_ =	shalt  }
0x3e: {  	_ =	shalt  }
0x3f: {  	_ =	shalt  }
0x40: {  	_ =	shalt  }
0x41: {  	_ =	shalt  }
0x42: {  	_ =	shalt  }
0x43: {  	_ =	shalt  }
0x44: {  	_ =	shalt  }
0x45: {  	_ =	shalt  }
0x46: {  	_ =	shalt  }
0x47: {  	_ =	shalt  }
0x48: {  	_ =	shalt  }
0x49: {  	_ =	shalt  }
0x4a: {  	_ =	shalt  }
0x4b: {  	_ =	shalt  }
0x4c: {  	_ =	shalt  }
0x4d: {  	_ =	shalt  }
0x4e: {  	_ =	shalt  }
0x4f: {  	_ =	shalt  }
0x50: {  	_ =	shalt  }
0x51: {  	_ =	shalt  }
0x52: {  	_ =	shalt  }
0x53: {  	_ =	shalt  }
0x54: {  	_ =	shalt  }
0x55: {  	_ =	shalt  }
0x56: {  	_ =	shalt  }
0x57: {  	_ =	shalt  }
0x58: {  	_ =	shalt  }
0x59: {  	_ =	shalt  }
0x5a: {  	_ =	shalt  }
0x5b: {  	_ =	shalt  }
0x5c: {  	_ =	shalt  }
0x5d: {  	_ =	shalt  }
0x5e: {  	_ =	shalt  }
0x5f: {  	_ =	shalt  }
0x60: {  	_ =	shalt  }
0x61: {  	_ =	shalt  }
0x62: {  	_ =	shalt  }
0x63: {  	_ =	shalt  }
0x64: {  	_ =	shalt  }
0x65: {  	_ =	shalt  }
0x66: {  	_ =	shalt  }
0x67: {  	_ =	shalt  }
0x68: {  	_ =	shalt  }
0x69: {  	_ =	shalt  }
0x6a: {  	_ =	shalt  }
0x6b: {  	_ =	shalt  }
0x6c: {  	_ =	shalt  }
0x6d: {  	_ =	shalt  }
0x6e: {  	_ =	shalt  }
0x6f: {  	_ =	shalt  }
0x70: {  	_ =	shalt  }
0x71: {  	_ =	shalt  }
0x72: {  	_ =	shalt  }
0x73: {  	_ =	shalt  }
0x74: {  	_ =	shalt  }
0x75: {  	_ =	shalt  }
0x76: {  	_ =	shalt  }
0x77: {  	_ =	shalt  }
0x78: {  	_ =	shalt  }
0x79: {  	_ =	shalt  }
0x7a: {  	_ =	shalt  }
0x7b: {  	_ =	shalt  }
0x7c: {  	_ =	shalt  }
0x7d: {  	_ =	shalt  }
0x7e: {  	_ =	shalt  }
0x7f: {  	_ =	shalt  }
0x80: {  	_ =	shalt  }
0x81: {  	_ =	shalt  }
0x82: {  	_ =	shalt  }
0x83: {  	_ =	shalt  }
0x84: {  	_ =	shalt  }
0x85: {  	_ =	shalt  }
0x86: {  	_ =	shalt  }
0x87: {  	_ =	shalt  }
.Lfunc_end0:
.L_simem_size_0:
called_computation_lowered:
.L_overlay_start_0:
0x88: {  	s2 =	sld [smem:$0x3FD9]  }
0x89: {  	s3 =	sld [smem:$0x3FFE];
	_ =	sdelay $0x1  }
0x8a: {  	s1 =	srdreg.scid  }
0x8b: {  	s0 =	sand.u32 $0x1, s1  }
0x8c: {  	s16 =	sshll.u32 s0, $0xA;
	s2 =	sadd.s32 s3, s2  }
0x8d: {  	s2 =	sadd.s32 s2, s16  }
0x8e: {  	[smem:$0x3FBA] =	sst s2  }
0x8f: {  	_ = 	snop  }
0x90: {  	(tm) =	ssettm $0x1  }
0x91: {  	s17 =	sld [smem:$0x3FFB];
	_ =	sdelay $0x3  }
0x92: {  	_ =	strace s17  }
0x93: {  	s2 =	sld [smem:$0x3FFC];
	_ =	sdelay $0x3  }
0x94: {  	_ =	strace s2  }
0x95: {  	s2 =	sld [smem:$0x3FFD];
	_ =	sdelay $0x3  }
0x96: {  	_ =	strace s2  }
0x97: {  	_ =	strace $0x8FFFFFFF  }
0x98: {  	s18 =	sld [smem:$0x3FDB];
	_ =	sdelay $0x1  }
0x99: {  	s19 =	simm.s32 $_scs_section_size  }
0x9a: {  	s4 =	simm.s32 $_size__tile_overlayer_lowered;
	s5 =	simm.s32 $_tile_overlayer_lowered  }
0x9b: {  	s22 =	simm.s32 $0x1BFF;
	s21 =	sshll.u32 s5, $0x1;
	s2 =	sadd.s32 s19, s18  }
0x9c: {  	s6 =	simm.s32 $0x0;
	s20 =	sshll.u32 s4, $0x1;
	s4 =	sadd.s32 s21, s2  }
0x9d: {  	[timem:s6], [sflag:s22] =	dma.local [hbm:s4], s20  }
0x9e: {  	_ =	swait.ge [sflag:s22], s20  }
0x9f: {  	s3 =	ssub.s32 $0x0, s20;
	[sflag:s22] =	ssyncset.done $0x0  }
0xa0: {  	[sflag:s22] =	ssyncadd.s32 s3;
	_ =	sdelay $0x1  }
0xa1: {  	s23 =	simm.s32 $0x1B8B  }
0xa2: {  	_ =	swait.ge [sflag:s23], $0x1  }
0xa3: {  	[sflag:s23] =	ssyncset.done $0x0  }
0xa4: {  	s25 =	simm.s32 $0x1B8E;
	s24 =	sld [smem:$0x3FFE];
	[sflag:s23] =	ssyncadd.s32 $0xFFFFFFFF  }
0xa5: {  	s26 =	simm.s32 $execute0_lowered;
	[smem:$0x3FD2] =	sst s25  }
0xa6: {  	s4 =	sshll.u32 s26, $0x1;
	_ =	strace $0x80000046;
	[dreg:$0x1] =	wrdreg $0xFFFFFFFF  }
0xa7: {  	s28 =	simm.s32 $_size_execute0_lowered;
	s2 =	sadd.s32 s2, s4;
	[dreg:$0x0] =	wrdreg $0x0  }
0xa8: {  	s4 =	sshll.u32 s28, $0x1;
	[dreg:$0x2] =	wrdreg s2  }
0xa9: {  	[dreg:$0x3] =	wrdreg s4  }
0xaa: {  	[dreg:$0x4] =	wrdreg $0xC0  }
0xab: {  	_ =	task [dreg:s6], $0x5FFFF  }
0xac: {  	[dreg:$0x1] =	wrdreg $0xFFFFFFFF  }
0xad: {  	[dreg:$0x0] =	wrdreg $0x60  }
0xae: {  	[dreg:$0x2] =	wrdreg s24  }
0xaf: {  	[dreg:$0x3] =	wrdreg $0x9  }
0xb0: {  	_ =	task.clear_ibuf [dreg:s6], $0x4FFFF;
	_ =	strace $0x90000046  }
0xb1: {  	s29 =	simm.s32 $0x9;
	_ =	strace $0x80000048  }
0xb2: {  	_ =	swait.ge [sflag:s29], $0x1  }
0xb3: {  	[sflag:s29] =	ssyncadd.s32 $0xFFFFFFFF  }
0xb4: {  	_ =	strace $0x90000048  }
0xb5: {  	_ =	sfence  }
0xb6: {  	s30 =	sld [smem:$0x0];
	_ =	sdelay $0x2  }
0xb7: {  	s31 =	sshll.u32 s1, $0xD;
	s1 =	sshrl.u32 s1, $0x2  }
0xb8: {  	s3 =	sand.u32 $0x4000, s31;
	s1 =	sadd.s32 s1, s30  }
0xb9: {  	s0 =	sor.u32 s3, s0;
	s1 =	sshll.u32 s1, $0x11  }
0xba: {  	s0 =	sor.u32 s1, s0  }
0xbb: {  	s0 =	sadd.s32 $0x8F2B, s0  }
0xbc: {  	[sflag:s0] =	ssyncadd.remote.s32 $0x1  }
0xbd: {  	_ =	sfence.sel $0xFFFF  }
0xbe: {  	[dreg:$0x0] =	wrdreg $0xFFFFFFFF;
	(pc) =	sbr.abs _section_cstart, $3  }
0xbf: {  	[dreg:$0x1] =	wrdreg $0xFFFFFFFF  }
0xc0: {  	_ =	task.clear_ibuf [dreg:s6], $0x2FFFF;
	_ =	strace $0x9FFFFFFF  }
0xc1: {  	(tm) =	ssettm $0x7FFFFFFF  }
tec
execute0_lowered:
.L_overlay_start_1:
0x0: {  	(tag) =	ssettag $0x1  }
0x1: {  	s5 =	rddreg [dreg:$0x0]  }
0x2: {  	s0 =	rddreg [dreg:$0x1];
	s1 =	simm.s32 $0x0;
	s2 =	srdreg.scid  }
0x3: {  	s10 =	simm.s32 $0x280;
	s11 =	simm.s32 $0x4280;
	s12 =	simm.s32 $0x100  }
0x4: {  	s13 =	simm.s32 $0x8280;
	s14 =	simm.s32 $0x180;
	s15 =	simm.s32 $0xC280  }
0x5: {  	s16 =	simm.s32 $0x200;
	s17 =	simm.s32 $0x10280;
	s18 =	simm.s32 $0x1  }
0x6: {  	s19 =	simm.s32 $0x14280;
	s20 =	simm.s32 $0x0;
	[smem:$0x7FF] =	sst s1  }
0x7: {  	s6 =	sand.u32 $0x1, s2;
	s3 =	sadd.s32 $0x2400, s5;
	s2 =	stileid.u32  }
0x8: {  	s4 =	sadd.s32 $0x4E4400, s5;
	s5 =	sadd.s32 $0x532600, s5;
	s7 =	ssub.s32 $0x2, s6  }
0x9: {  	_ =	strace $0x80000047;
	s9 =	sshll.u32 s2, $0x1;
	s8 =	sshrl.u32 s7, $0x1  }
0xa: {  	s6 =	sor.u32 s6, s9;
	s9 =	simm.s32 $0x80;
	s7 =	ssub.s32 s7, s8  }
0xb: {  	s6 =	smul.u32 $0x7D, s6;
	s8 =	simm.s32 $0x2;
	s7 =	smax.u32 s7, $0x1  }
.LBB2_1:
0xc: {  	s21 =	simm.s32 $0x0  }
.LBB2_2:
0xd: {  	s22 =	sadd.s32 s6, s21  }
0xe: {  	s23 =	smul.u32 $0x50, s22;
	_ =	sdelay $0x1  }
0xf: {  	s24 =	simm.s32 $0x0;
	s23 =	sadd.s32 s4, s23  }
0x10: {  	[tilespmem:s24], [sflag:$0x2] =	stream.linear.gather [hbm4b:s23+s24], $0x280, $0x38;
	[tilespmem:$0x16A80] =	vst v63  }
0x11: {  	_ =	swait.ge [sflag:s8], $0x280  }
0x12: {  	[sflag:s8] =	ssyncset.done $0x0  }
0x13: {  	[sflag:s8] =	ssyncadd.s32 $0xFFFFFD80  }
0x14: {  	[tilespmem:s10], [sflag:$0x1] =	stream.indirect.gather [hbm4b:s3+s9], $0x80, s24, s9, $0xb8;
	[tilespmem:$0x16A80] =	vst v63  }
0x15: {  	_ = 	snop  }
0x16: {  	[tilespmem:s11], [sflag:$0x1] =	stream.indirect.gather [hbm4b:s3+s9], $0x80, s9, s9, $0xb8;
	[tilespmem:$0x16A80] =	vst v63  }
0x17: {  	_ = 	snop  }
0x18: {  	[tilespmem:s13], [sflag:$0x1] =	stream.indirect.gather [hbm4b:s3+s9], $0x80, s12, s9, $0xb8;
	[tilespmem:$0x16A80] =	vst v63  }
0x19: {  	_ = 	snop  }
0x1a: {  	[tilespmem:s15], [sflag:$0x1] =	stream.indirect.gather [hbm4b:s3+s9], $0x80, s14, s9, $0xb8;
	[tilespmem:$0x16A80] =	vst v63  }
0x1b: {  	_ = 	snop  }
0x1c: {  	[tilespmem:s17], [sflag:$0x1] =	stream.indirect.gather [hbm4b:s3+s9], $0x80, s16, s9, $0xb8;
	[tilespmem:$0x16A80] =	vst v63  }
0x1d: {  	_ =	swait.ge [sflag:s18], $0x4000  }
0x1e: {  	[sflag:s18] =	ssyncset.done $0x0  }
0x1f: {  	[sflag:s18] =	ssyncadd.s32 $0xFFFFC000  }
0x20: {  	_ =	swait.ge [sflag:s18], $0x4000  }
0x21: {  	[sflag:s18] =	ssyncset.done $0x0  }
0x22: {  	[sflag:s18] =	ssyncadd.s32 $0xFFFFC000  }
0x23: {  	_ =	swait.ge [sflag:s18], $0x4000  }
0x24: {  	[sflag:s18] =	ssyncset.done $0x0  }
0x25: {  	[sflag:s18] =	ssyncadd.s32 $0xFFFFC000  }
0x26: {  	_ =	swait.ge [sflag:s18], $0x4000  }
0x27: {  	[sflag:s18] =	ssyncset.done $0x0  }
0x28: {  	[sflag:s18] =	ssyncadd.s32 $0xFFFFC000  }
0x29: {  	_ =	swait.ge [sflag:s18], $0x4000  }
0x2a: {  	[sflag:s18] =	ssyncset.done $0x0  }
0x2b: {  	s23 =	simm.s32 $0x480;
	[sflag:s18] =	ssyncadd.s32 $0xFFFFC000  }
0x2c: {  	v0 =	vld [tilespmem:s23+$0xFFFFFE80]  }
0x2d: {  	v1 =	vld [tilespmem:s23+$0xFFFFFE00];
	_ =	sdelay $0x1  }
0x2e: {  	v2 =	vld [tilespmem:s23+$0xFFFFFF00];
	_ =	sdelay $0x1  }
0x2f: {  	v3 =	vld [tilespmem:s23+$0xFFFFFF80]  }
0x30: {  	v0 =	vadd.f32 v0, v1  }
0x31: {  	v1 =	vld [tilespmem:s23+$0x0]  }
0x32: {  	v0 =	vadd.f32 v2, v0  }
0x33: {  	v2 =	vld [tilespmem:s23+$0x80]  }
0x34: {  	v0 =	vadd.f32 v3, v0  }
0x35: {  	v3 =	vld [tilespmem:s23+$0x100]  }
0x36: {  	v0 =	vadd.f32 v1, v0  }
0x37: {  	v1 =	vld [tilespmem:s23+$0x180]  }
0x38: {  	v0 =	vadd.f32 v2, v0;
	_ =	sdelay $0x1  }
0x39: {  	v0 =	vadd.f32 v3, v0;
	_ =	sdelay $0x1  }
0x3a: {  	v0 =	vadd.f32 v1, v0;
	_ =	sdelay $0x1  }
0x3b: {  	v0 =	vmul.f32 $1.250000000e-01, v0  }
0x3c: {  	s24 =	simm.s32 $0x0  }
0x3d: {  	[tilespmem:s24+$0x14280] =	vst v0  }
0x3e: {  	v0 =	vld [tilespmem:s23+$0xFFFFFE10]  }
0x3f: {  	v1 =	vld [tilespmem:s23+$0xFFFFFE90];
	_ =	sdelay $0x1  }
0x40: {  	v2 =	vld [tilespmem:s23+$0xFFFFFF10];
	_ =	sdelay $0x1  }
0x41: {  	v3 =	vld [tilespmem:s23+$0xFFFFFF90]  }
0x42: {  	v0 =	vadd.f32 v1, v0  }
0x43: {  	v1 =	vld [tilespmem:s23+$0x10]  }
0x44: {  	v0 =	vadd.f32 v2, v0  }
0x45: {  	v2 =	vld [tilespmem:s23+$0x90]  }
0x46: {  	v0 =	vadd.f32 v3, v0  }
0x47: {  	v3 =	vld [tilespmem:s23+$0x110]  }
0x48: {  	v0 =	vadd.f32 v1, v0  }
0x49: {  	v1 =	vld [tilespmem:s23+$0x190]  }
0x4a: {  	v0 =	vadd.f32 v2, v0;
	_ =	sdelay $0x1  }
0x4b: {  	v0 =	vadd.f32 v3, v0;
	_ =	sdelay $0x1  }
0x4c: {  	v0 =	vadd.f32 v1, v0;
	_ =	sdelay $0x1  }
0x4d: {  	v0 =	vmul.f32 $1.250000000e-01, v0;
	_ =	sdelay $0x1  }
0x4e: {  	[tilespmem:s24+$0x14290] =	vst v0  }
0x4f: {  	v0 =	vld [tilespmem:s23+$0xFFFFFE20]  }
0x50: {  	v1 =	vld [tilespmem:s23+$0xFFFFFEA0];
	_ =	sdelay $0x1  }
0x51: {  	v2 =	vld [tilespmem:s23+$0xFFFFFF20];
	_ =	sdelay $0x1  }
0x52: {  	v3 =	vld [tilespmem:s23+$0xFFFFFFA0]  }
0x53: {  	v0 =	vadd.f32 v1, v0  }
0x54: {  	v1 =	vld [tilespmem:s23+$0x20]  }
0x55: {  	v0 =	vadd.f32 v2, v0  }
0x56: {  	v2 =	vld [tilespmem:s23+$0xA0]  }
0x57: {  	v0 =	vadd.f32 v3, v0  }
0x58: {  	v3 =	vld [tilespmem:s23+$0x120]  }
0x59: {  	v0 =	vadd.f32 v1, v0  }
0x5a: {  	v1 =	vld [tilespmem:s23+$0x1A0]  }
0x5b: {  	v0 =	vadd.f32 v2, v0;
	_ =	sdelay $0x1  }
0x5c: {  	v0 =	vadd.f32 v3, v0;
	_ =	sdelay $0x1  }
0x5d: {  	v0 =	vadd.f32 v1, v0;
	_ =	sdelay $0x1  }
0x5e: {  	v0 =	vmul.f32 $1.250000000e-01, v0;
	_ =	sdelay $0x1  }
0x5f: {  	[tilespmem:s24+$0x142A0] =	vst v0  }
0x60: {  	v0 =	vld [tilespmem:s23+$0xFFFFFE30]  }
0x61: {  	v1 =	vld [tilespmem:s23+$0xFFFFFEB0];
	_ =	sdelay $0x1  }
0x62: {  	v2 =	vld [tilespmem:s23+$0xFFFFFF30];
	_ =	sdelay $0x1  }
0x63: {  	v3 =	vld [tilespmem:s23+$0xFFFFFFB0]  }
0x64: {  	v0 =	vadd.f32 v1, v0  }
0x65: {  	v1 =	vld [tilespmem:s23+$0x30]  }
0x66: {  	v0 =	vadd.f32 v2, v0  }
0x67: {  	v2 =	vld [tilespmem:s23+$0xB0]  }
0x68: {  	v0 =	vadd.f32 v3, v0  }
0x69: {  	v3 =	vld [tilespmem:s23+$0x130]  }
0x6a: {  	v0 =	vadd.f32 v1, v0  }
0x6b: {  	v1 =	vld [tilespmem:s23+$0x1B0]  }
0x6c: {  	v0 =	vadd.f32 v2, v0;
	_ =	sdelay $0x1  }
0x6d: {  	v0 =	vadd.f32 v3, v0;
	_ =	sdelay $0x1  }
0x6e: {  	v0 =	vadd.f32 v1, v0;
	_ =	sdelay $0x1  }
0x6f: {  	v0 =	vmul.f32 $1.250000000e-01, v0;
	_ =	sdelay $0x1  }
0x70: {  	[tilespmem:s24+$0x142B0] =	vst v0  }
0x71: {  	v0 =	vld [tilespmem:s23+$0xFFFFFE40]  }
0x72: {  	v1 =	vld [tilespmem:s23+$0xFFFFFEC0];
	_ =	sdelay $0x1  }
0x73: {  	v2 =	vld [tilespmem:s23+$0xFFFFFF40];
	_ =	sdelay $0x1  }
0x74: {  	v3 =	vld [tilespmem:s23+$0xFFFFFFC0]  }
0x75: {  	v0 =	vadd.f32 v1, v0  }
0x76: {  	v1 =	vld [tilespmem:s23+$0x40]  }
0x77: {  	v0 =	vadd.f32 v2, v0  }
0x78: {  	v2 =	vld [tilespmem:s23+$0xC0]  }
0x79: {  	v0 =	vadd.f32 v3, v0  }
0x7a: {  	v3 =	vld [tilespmem:s23+$0x140]  }
0x7b: {  	v0 =	vadd.f32 v1, v0  }
0x7c: {  	v1 =	vld [tilespmem:s23+$0x1C0]  }
0x7d: {  	v0 =	vadd.f32 v2, v0;
	_ =	sdelay $0x1  }
0x7e: {  	v0 =	vadd.f32 v3, v0;
	_ =	sdelay $0x1  }
0x7f: {  	v0 =	vadd.f32 v1, v0;
	_ =	sdelay $0x1  }
0x80: {  	v0 =	vmul.f32 $1.250000000e-01, v0;
	_ =	sdelay $0x1  }
0x81: {  	[tilespmem:s24+$0x142C0] =	vst v0  }
0x82: {  	v0 =	vld [tilespmem:s23+$0xFFFFFE50]  }
0x83: {  	v1 =	vld [tilespmem:s23+$0xFFFFFED0];
	_ =	sdelay $0x1  }
0x84: {  	v2 =	vld [tilespmem:s23+$0xFFFFFF50];
	_ =	sdelay $0x1  }
0x85: {  	v3 =	vld [tilespmem:s23+$0xFFFFFFD0]  }
0x86: {  	v0 =	vadd.f32 v1, v0  }
0x87: {  	v1 =	vld [tilespmem:s23+$0x50]  }
0x88: {  	v0 =	vadd.f32 v2, v0  }
0x89: {  	v2 =	vld [tilespmem:s23+$0xD0]  }
0x8a: {  	v0 =	vadd.f32 v3, v0  }
0x8b: {  	v3 =	vld [tilespmem:s23+$0x150]  }
0x8c: {  	v0 =	vadd.f32 v1, v0  }
0x8d: {  	v1 =	vld [tilespmem:s23+$0x1D0]  }
0x8e: {  	v0 =	vadd.f32 v2, v0;
	_ =	sdelay $0x1  }
0x8f: {  	v0 =	vadd.f32 v3, v0;
	_ =	sdelay $0x1  }
0x90: {  	v0 =	vadd.f32 v1, v0;
	_ =	sdelay $0x1  }
0x91: {  	v0 =	vmul.f32 $1.250000000e-01, v0;
	_ =	sdelay $0x1  }
0x92: {  	[tilespmem:s24+$0x142D0] =	vst v0  }
0x93: {  	v0 =	vld [tilespmem:s23+$0xFFFFFE60]  }
0x94: {  	v1 =	vld [tilespmem:s23+$0xFFFFFEE0];
	_ =	sdelay $0x1  }
0x95: {  	v2 =	vld [tilespmem:s23+$0xFFFFFF60];
	_ =	sdelay $0x1  }
0x96: {  	v3 =	vld [tilespmem:s23+$0xFFFFFFE0]  }
0x97: {  	v0 =	vadd.f32 v1, v0  }
0x98: {  	v1 =	vld [tilespmem:s23+$0x60]  }
0x99: {  	v0 =	vadd.f32 v2, v0  }
0x9a: {  	v2 =	vld [tilespmem:s23+$0xE0]  }
0x9b: {  	v0 =	vadd.f32 v3, v0  }
0x9c: {  	v3 =	vld [tilespmem:s23+$0x160]  }
0x9d: {  	v0 =	vadd.f32 v1, v0  }
0x9e: {  	v1 =	vld [tilespmem:s23+$0x1E0]  }
0x9f: {  	v0 =	vadd.f32 v2, v0;
	_ =	sdelay $0x1  }
0xa0: {  	v0 =	vadd.f32 v3, v0;
	_ =	sdelay $0x1  }
0xa1: {  	v0 =	vadd.f32 v1, v0;
	_ =	sdelay $0x1  }
0xa2: {  	v0 =	vmul.f32 $1.250000000e-01, v0;
	_ =	sdelay $0x1  }
0xa3: {  	[tilespmem:s24+$0x142E0] =	vst v0  }
0xa4: {  	v0 =	vld [tilespmem:s23+$0xFFFFFE70]  }
0xa5: {  	v1 =	vld [tilespmem:s23+$0xFFFFFEF0];
	_ =	sdelay $0x1  }
0xa6: {  	v2 =	vld [tilespmem:s23+$0xFFFFFF70];
	_ =	sdelay $0x1  }
0xa7: {  	v3 =	vld [tilespmem:s23+$0xFFFFFFF0]  }
0xa8: {  	v0 =	vadd.f32 v1, v0  }
0xa9: {  	v4 =	vld [tilespmem:s23+$0x70]  }
0xaa: {  	v0 =	vadd.f32 v2, v0  }
0xab: {  	v2 =	vld [tilespmem:s23+$0xF0]  }
0xac: {  	v3 =	vadd.f32 v3, v0  }
0xad: {  	v0 =	vld [tilespmem:s23+$0x170]  }
0xae: {  	s25 =	simm.s32 $0x200;
	v1 =	vld [tilespmem:s23+$0x1F0];
	v3 =	vadd.f32 v4, v3  }
.LBB2_3:
0xaf: {  	p0 =	sne.s32 s25, $0x9E00  }
0xb0: {  	s23 =	sadd.s32 $0x400, s23;
	s26 =	smov.u32 s25;
	s25 =	sadd.s32 $0x200, s25;
	v2 =	vadd.f32 v2, v3  }
0xb1: {  	_ = 	snop  }
0xb2: {  	v0 =	vadd.f32 v0, v2;
	_ =	sdelay $0x1  }
0xb3: {  	v0 =	vadd.f32 v1, v0;
	_ =	sdelay $0x1  }
0xb4: {  	v0 =	vmul.f32 $1.250000000e-01, v0;
	_ =	sdelay $0x1  }
0xb5: {  	[tilespmem:s24+$0x142F0] =	vst v0  }
0xb6: {  	v0 =	vld [tilespmem:s23+$0xFFFFFE80]  }
0xb7: {  	v1 =	vld [tilespmem:s23+$0xFFFFFE00]  }
0xb8: {  	v2 =	vld [tilespmem:s23+$0xFFFFFF00];
	_ =	sdelay $0x2  }
0xb9: {  	v3 =	vld [tilespmem:s23+$0xFFFFFF80]  }
0xba: {  	v0 =	vadd.f32 v0, v1  }
0xbb: {  	v1 =	vld [tilespmem:s23+$0x0]  }
0xbc: {  	v0 =	vadd.f32 v2, v0  }
0xbd: {  	v2 =	vld [tilespmem:s23+$0x80]  }
0xbe: {  	v0 =	vadd.f32 v3, v0  }
0xbf: {  	v3 =	vld [tilespmem:s23+$0x100]  }
0xc0: {  	v0 =	vadd.f32 v1, v0  }
0xc1: {  	v1 =	vld [tilespmem:s23+$0x180]  }
0xc2: {  	v0 =	vadd.f32 v2, v0;
	_ =	sdelay $0x1  }
0xc3: {  	v0 =	vadd.f32 v3, v0;
	_ =	sdelay $0x1  }
0xc4: {  	v0 =	vadd.f32 v1, v0;
	_ =	sdelay $0x1  }
0xc5: {  	v0 =	vmul.f32 $1.250000000e-01, v0  }
0xc6: {  	s24 =	sshra.s32 s26, $0x2  }
0xc7: {  	[tilespmem:s24+$0x14280] =	vst v0  }
0xc8: {  	v0 =	vld [tilespmem:s23+$0xFFFFFE10]  }
0xc9: {  	v1 =	vld [tilespmem:s23+$0xFFFFFE90];
	_ =	sdelay $0x1  }
0xca: {  	v2 =	vld [tilespmem:s23+$0xFFFFFF10];
	_ =	sdelay $0x1  }
0xcb: {  	v3 =	vld [tilespmem:s23+$0xFFFFFF90]  }
0xcc: {  	v0 =	vadd.f32 v1, v0  }
0xcd: {  	v1 =	vld [tilespmem:s23+$0x10]  }
0xce: {  	v0 =	vadd.f32 v2, v0  }
0xcf: {  	v2 =	vld [tilespmem:s23+$0x90]  }
0xd0: {  	v0 =	vadd.f32 v3, v0  }
0xd1: {  	v3 =	vld [tilespmem:s23+$0x110]  }
0xd2: {  	v0 =	vadd.f32 v1, v0  }
0xd3: {  	v1 =	vld [tilespmem:s23+$0x190]  }
0xd4: {  	v0 =	vadd.f32 v2, v0;
	_ =	sdelay $0x1  }
0xd5: {  	v0 =	vadd.f32 v3, v0;
	_ =	sdelay $0x1  }
0xd6: {  	v0 =	vadd.f32 v1, v0;
	_ =	sdelay $0x1  }
0xd7: {  	v0 =	vmul.f32 $1.250000000e-01, v0;
	_ =	sdelay $0x1  }
0xd8: {  	[tilespmem:s24+$0x14290] =	vst v0  }
0xd9: {  	v0 =	vld [tilespmem:s23+$0xFFFFFE20]  }
0xda: {  	v1 =	vld [tilespmem:s23+$0xFFFFFEA0];
	_ =	sdelay $0x1  }
0xdb: {  	v2 =	vld [tilespmem:s23+$0xFFFFFF20];
	_ =	sdelay $0x1  }
0xdc: {  	v3 =	vld [tilespmem:s23+$0xFFFFFFA0]  }
0xdd: {  	v0 =	vadd.f32 v1, v0  }
0xde: {  	v1 =	vld [tilespmem:s23+$0x20]  }
0xdf: {  	v0 =	vadd.f32 v2, v0  }
0xe0: {  	v2 =	vld [tilespmem:s23+$0xA0]  }
0xe1: {  	v0 =	vadd.f32 v3, v0  }
0xe2: {  	v3 =	vld [tilespmem:s23+$0x120]  }
0xe3: {  	v0 =	vadd.f32 v1, v0  }
0xe4: {  	v1 =	vld [tilespmem:s23+$0x1A0]  }
0xe5: {  	v0 =	vadd.f32 v2, v0;
	_ =	sdelay $0x1  }
0xe6: {  	v0 =	vadd.f32 v3, v0;
	_ =	sdelay $0x1  }
0xe7: {  	v0 =	vadd.f32 v1, v0;
	_ =	sdelay $0x1  }
0xe8: {  	v0 =	vmul.f32 $1.250000000e-01, v0;
	_ =	sdelay $0x1  }
0xe9: {  	[tilespmem:s24+$0x142A0] =	vst v0  }
0xea: {  	v0 =	vld [tilespmem:s23+$0xFFFFFE30]  }
0xeb: {  	v1 =	vld [tilespmem:s23+$0xFFFFFEB0];
	_ =	sdelay $0x1  }
0xec: {  	v2 =	vld [tilespmem:s23+$0xFFFFFF30];
	_ =	sdelay $0x1  }
0xed: {  	v3 =	vld [tilespmem:s23+$0xFFFFFFB0]  }
0xee: {  	v0 =	vadd.f32 v1, v0  }
0xef: {  	v1 =	vld [tilespmem:s23+$0x30]  }
0xf0: {  	v0 =	vadd.f32 v2, v0  }
0xf1: {  	v2 =	vld [tilespmem:s23+$0xB0]  }
0xf2: {  	v0 =	vadd.f32 v3, v0  }
0xf3: {  	v3 =	vld [tilespmem:s23+$0x130]  }
0xf4: {  	v0 =	vadd.f32 v1, v0  }
0xf5: {  	v1 =	vld [tilespmem:s23+$0x1B0]  }
0xf6: {  	v0 =	vadd.f32 v2, v0;
	_ =	sdelay $0x1  }
0xf7: {  	v0 =	vadd.f32 v3, v0;
	_ =	sdelay $0x1  }
0xf8: {  	v0 =	vadd.f32 v1, v0;
	_ =	sdelay $0x1  }
0xf9: {  	v0 =	vmul.f32 $1.250000000e-01, v0;
	_ =	sdelay $0x1  }
0xfa: {  	[tilespmem:s24+$0x142B0] =	vst v0  }
0xfb: {  	v0 =	vld [tilespmem:s23+$0xFFFFFE40]  }
0xfc: {  	v1 =	vld [tilespmem:s23+$0xFFFFFEC0];
	_ =	sdelay $0x1  }
0xfd: {  	v2 =	vld [tilespmem:s23+$0xFFFFFF40];
	_ =	sdelay $0x1  }
0xfe: {  	v3 =	vld [tilespmem:s23+$0xFFFFFFC0]  }
0xff: {  	v0 =	vadd.f32 v1, v0  }
0x100: {  	v1 =	vld [tilespmem:s23+$0x40]  }
0x101: {  	v0 =	vadd.f32 v2, v0  }
0x102: {  	v2 =	vld [tilespmem:s23+$0xC0]  }
0x103: {  	v0 =	vadd.f32 v3, v0  }
0x104: {  	v3 =	vld [tilespmem:s23+$0x140]  }
0x105: {  	v0 =	vadd.f32 v1, v0  }
0x106: {  	v1 =	vld [tilespmem:s23+$0x1C0]  }
0x107: {  	v0 =	vadd.f32 v2, v0;
	_ =	sdelay $0x1  }
0x108: {  	v0 =	vadd.f32 v3, v0;
	_ =	sdelay $0x1  }
0x109: {  	v0 =	vadd.f32 v1, v0;
	_ =	sdelay $0x1  }
0x10a: {  	v0 =	vmul.f32 $1.250000000e-01, v0;
	_ =	sdelay $0x1  }
0x10b: {  	[tilespmem:s24+$0x142C0] =	vst v0  }
0x10c: {  	v0 =	vld [tilespmem:s23+$0xFFFFFE50]  }
0x10d: {  	v1 =	vld [tilespmem:s23+$0xFFFFFED0]  }
0x10e: {  	v2 =	vld [tilespmem:s23+$0xFFFFFF50]  }
0x10f: {  	v3 =	vld [tilespmem:s23+$0xFFFFFFD0]  }
0x110: {  	v4 =	vld [tilespmem:s23+$0x50]  }
0x111: {  	v5 =	vld [tilespmem:s23+$0xD0]  }
0x112: {  	v0 =	vadd.f32 v1, v0;
	v1 =	vld [tilespmem:s23+$0x150]  }
0x113: {  	v6 =	vld [tilespmem:s23+$0x1D0]  }
0x114: {  	v0 =	vadd.f32 v2, v0;
	_ =	sdelay $0x1  }
0x115: {  	v0 =	vadd.f32 v3, v0;
	_ =	sdelay $0x1  }
0x116: {  	v0 =	vadd.f32 v4, v0;
	_ =	sdelay $0x1  }
0x117: {  	v0 =	vadd.f32 v5, v0;
	_ =	sdelay $0x1  }
0x118: {  	v0 =	vadd.f32 v1, v0;
	_ =	sdelay $0x1  }
0x119: {  	v0 =	vadd.f32 v6, v0;
	_ =	sdelay $0x1  }
0x11a: {  	v0 =	vmul.f32 $1.250000000e-01, v0;
	_ =	sdelay $0x1  }
0x11b: {  	[tilespmem:s24+$0x142D0] =	vst v0  }
0x11c: {  	v0 =	vld [tilespmem:s23+$0xFFFFFE60]  }
0x11d: {  	v1 =	vld [tilespmem:s23+$0xFFFFFEE0]  }
0x11e: {  	v2 =	vld [tilespmem:s23+$0xFFFFFF60]  }
0x11f: {  	v3 =	vld [tilespmem:s23+$0xFFFFFFE0]  }
0x120: {  	v4 =	vld [tilespmem:s23+$0x60]  }
0x121: {  	v5 =	vld [tilespmem:s23+$0xE0]  }
0x122: {  	v0 =	vadd.f32 v1, v0;
	v1 =	vld [tilespmem:s23+$0x160]  }
0x123: {  	v6 =	vld [tilespmem:s23+$0x1E0]  }
0x124: {  	v0 =	vadd.f32 v2, v0;
	_ =	sdelay $0x1  }
0x125: {  	v0 =	vadd.f32 v3, v0;
	_ =	sdelay $0x1  }
0x126: {  	v0 =	vadd.f32 v4, v0;
	_ =	sdelay $0x1  }
0x127: {  	v0 =	vadd.f32 v5, v0;
	_ =	sdelay $0x1  }
0x128: {  	v0 =	vadd.f32 v1, v0;
	_ =	sdelay $0x1  }
0x129: {  	v0 =	vadd.f32 v6, v0;
	_ =	sdelay $0x1  }
0x12a: {  	v0 =	vmul.f32 $1.250000000e-01, v0;
	_ =	sdelay $0x1  }
0x12b: {  	[tilespmem:s24+$0x142E0] =	vst v0  }
0x12c: {  	v0 =	vld [tilespmem:s23+$0xFFFFFE70]  }
0x12d: {  	v1 =	vld [tilespmem:s23+$0xFFFFFEF0]  }
0x12e: {  	v3 =	vld [tilespmem:s23+$0xFFFFFF70]  }
0x12f: {  	v4 =	vld [tilespmem:s23+$0xFFFFFFF0]  }
0x130: {  	v5 =	vld [tilespmem:s23+$0x70]  }
0x131: {  	v2 =	vld [tilespmem:s23+$0xF0]  }
0x132: {  	v6 =	vadd.f32 v1, v0;
	v0 =	vld [tilespmem:s23+$0x170]  }
0x133: {  	v1 =	vld [tilespmem:s23+$0x1F0]  }
.Ltmp0:
0x134: {  	v3 =	vadd.f32 v3, v6;
	(pc) =	sbr.rel @p0 .LBB2_3-.Ltmp0, $3  }
0x135: {  	_ = 	snop  }
0x136: {  	v3 =	vadd.f32 v4, v3;
	_ =	sdelay $0x1  }
0x137: {  	v3 =	vadd.f32 v5, v3  }
0x138: {  	_ = 	snop  }
0x139: {  	v2 =	vadd.f32 v2, v3;
	_ =	sdelay $0x1  }
0x13a: {  	v0 =	vadd.f32 v0, v2;
	_ =	sdelay $0x1  }
0x13b: {  	v0 =	vadd.f32 v1, v0;
	_ =	sdelay $0x1  }
0x13c: {  	s22 =	smul.u32 $0x500, s22;
	s21 =	sadd.s32 $0x1, s21;
	v0 =	vmul.f32 $1.250000000e-01, v0  }
0x13d: {  	p0 =	sne.s32 s21, $0x7D  }
.Ltmp1:
0x13e: {  	s22 =	sadd.s32 s5, s22;
	[tilespmem:s24+$0x142F0] =	vst v0;
	(pc) =	sbr.rel @p0 .LBB2_2-.Ltmp1, $4  }
0x13f: {  	[hbm4b:s22+s1] =	stream.linear.scatter [tilespmem:s19], [sflag:$0x2], $0x2800, $0x38;
	[tilespmem:$0x16A80] =	vst v63  }
0x140: {  	_ =	swait.ge [sflag:s8], $0x2800  }
0x141: {  	[sflag:s8] =	ssyncset.done $0x0  }
0x142: {  	[sflag:s8] =	ssyncadd.s32 $0xFFFFD800  }
0x143: {  	s20 =	sadd.s32 $0x1, s20  }
0x144: {  	p0 =	sne.s32 s20, s7  }
.Ltmp2:
0x145: {  	_ = 	snop;
	(pc) =	sbr.rel @p0 .LBB2_1-.Ltmp2, $1  }
0x146: {  	_ =	sdelay $0x3  }
0x147: {  	_ =	sfence.sel $0x180000  }
0x148: {  	[bflag:$0x0] =	sbarrier.arrive $0xFFFF  }
0x149: {  	p0 =	sne.s32 s2, $0x0;
	_ =	strace $0x90000047  }
0x14a: {  	s0 =	sadd.s32 @!p0 $0x100000, s0;
	[bflag:$0x2] =	sbarrier.arrive $0xFFFF  }
0x14b: {  	[sflag:s0] =	ssyncadd.tile.s32 @!p0 $0x1;
	_ =	shalt  }
.Lfunc_end2:
_tile_overlayer_lowered:
.L_overlay_start_2:
0x14c: {  	(tag) =	ssettag $0x2  }
0x14d: {  	s0 =	rddreg [dreg:$0x0];
	s2 =	stileid.u32  }
0x14e: {  	s1 =	rddreg [dreg:$0x1];
	p0 =	sne.s32 s2, $0x0  }
0x14f: {  	s3 =	rddreg [dreg:$0x2];
	[bflag:$0x3] =	sbarrier.arrive $0xFFFF;
	s2 =	simm.s32 @!p0 $0x1C02  }
0x150: {  	[timem:s3], [sflag:s2] =	dma.local @!p0 [hbm:s0], s1  }
0x151: {  	s0 =	simm.s32 @!p0 $0x2  }
0x152: {  	_ =	swait.ge @!p0 [sflag:s0], s1  }
0x153: {  	s1 =	ssub.s32 @!p0 $0x0, s1;
	[sflag:s0] =	ssyncset.done @!p0 $0x0  }
0x154: {  	[sflag:s0] =	ssyncadd.s32 @!p0 s1  }
0x155: {  	[bflag:$0x3] =	sbarrier.arrive $0xFFFF  }
0x156: {  	_ =	shalt  }

</sc_bundles>
